<compile_context>
chip_gen: v7x
topology: tpu7x:2x2x1
jax: 0.10.2.dev20260603
libtpu: 0.0.44.dev20260713+nightly
codegen_flags: <defaults>
</compile_context>

<pallas_src>
import jax
import jax.numpy as jnp
from jax import lax
from jax.experimental import pallas as pl
from jax.experimental.pallas import tpu as pltpu
from jax.experimental.pallas import tpu_sc as plsc

N = 10000
E = 320000
F_IN = 128
HID = 64
C = 16
K_HOPS = 10
ALPHA = 0.1

NS = 16
EPT = E // NS
CHE = 125
NCH = EPT // CHE
NP = 10112
RPT = NP // NS


def _mlp_body(x_ref, w1_ref, w2_ref, o_ref):
    h = lax.dot_general(x_ref[...], w1_ref[...], (((1,), (1,)), ((), ())),
                        preferred_element_type=jnp.float32)
    h = jnp.maximum(h, 0.0)
    o_ref[...] = lax.dot_general(h, w2_ref[...], (((1,), (1,)), ((), ())),
                                 preferred_element_type=jnp.float32)


def _mlp(x, W1, W2):
    blk = 2000
    return pl.pallas_call(
        _mlp_body,
        grid=(N // blk,),
        in_specs=[
            pl.BlockSpec((blk, F_IN), lambda i: (i, 0)),
            pl.BlockSpec((HID, F_IN), lambda i: (0, 0)),
            pl.BlockSpec((C, HID), lambda i: (0, 0)),
        ],
        out_specs=pl.BlockSpec((blk, C), lambda i: (i, 0)),
        out_shape=jax.ShapeDtypeStruct((N, C), jnp.float32),
    )(x, W1, W2)


def _lsm_body(h_ref, o_ref):
    h = h_ref[...]
    m = jnp.max(h, axis=1, keepdims=True)
    e = jnp.exp(h - m)
    lse = jnp.log(jnp.sum(e, axis=1, keepdims=True))
    o_ref[...] = h - m - lse


def _log_softmax(h):
    blk = 2000
    return pl.pallas_call(
        _lsm_body,
        grid=(N // blk,),
        in_specs=[pl.BlockSpec((blk, C), lambda i: (i, 0))],
        out_specs=pl.BlockSpec((blk, C), lambda i: (i, 0)),
        out_shape=jax.ShapeDtypeStruct((N, C), jnp.float32),
    )(h)


def _rsqrt16(d):
    t = 0.5 * (1.0 + d)
    for _ in range(9):
        t = 0.5 * (t + d / t)
    return 1.0 / t


ZCH = RPT // 8


def _appnp_body(out_hbm, src_hbm, dst_hbm, h_hbm,
                g_sh, acc_sh, acc2_sh,
                src_v, dst_v, rb0, rb1, onesb, zb, abuf,
                c1_t, c2_t, dinv_t, g_t,
                gs0, gs1):
    rowbufs = (rb0, rb1)
    gsems = (gs0, gs1)
    sid = lax.axis_index("s")
    cid = lax.axis_index("c")
    rbase = sid * RPT
    rows = pl.ds(rbase, RPT)

    pltpu.sync_copy(src_hbm.at[sid], src_v)
    pltpu.sync_copy(dst_hbm.at[sid], dst_v)

    @plsc.parallel_loop(0, CHE, 1, unroll=8)
    def _fill1(r):
        onesb[r] = jnp.full((C,), 1.0, jnp.float32)

    @plsc.parallel_loop(0, ZCH, 1, unroll=8)
    def _fill0(r):
        zb[r] = jnp.zeros((C,), jnp.float32)

    for z in range(8):
        pltpu.sync_copy(onesb.at[pl.ds(0, ZCH)],
                        acc_sh.at[pl.ds(rbase + z * ZCH, ZCH)])
        pltpu.sync_copy(zb, acc2_sh.at[pl.ds(rbase + z * ZCH, ZCH)])
    plsc.subcore_barrier()

    def _deg(j, _):
        @pl.when(sid < NS // 2)
        def _lo():
            pltpu.sync_copy(onesb, acc_sh.at[dst_v.at[j]], add=True)

        @pl.when(sid >= NS // 2)
        def _hi():
            pltpu.sync_copy(onesb, acc2_sh.at[dst_v.at[j]], add=True)
        return _
    lax.fori_loop(0, NCH, _deg, 0)
    plsc.subcore_barrier()

    pltpu.sync_copy(acc_sh.at[rows], abuf)
    pltpu.sync_copy(acc2_sh.at[rows], g_t)

    @plsc.parallel_loop(0, RPT, 1, unroll=4)
    def _setup1(r):
        y = _rsqrt16(abuf[r] + g_t[r])
        dinv_t[r] = y
        c1_t[r] = (1.0 - ALPHA) * y * y
    for z in range(8):
        pltpu.sync_copy(zb, acc_sh.at[pl.ds(rbase + z * ZCH, ZCH)])
        pltpu.sync_copy(zb, acc2_sh.at[pl.ds(rbase + z * ZCH, ZCH)])

    pltpu.sync_copy(out_hbm.at[rows], abuf)

    @plsc.parallel_loop(0, RPT, 1, unroll=8)
    def _setup2(r):
        g0 = dinv_t[r] * abuf[r]
        g_t[r] = g0
        c2_t[r] = ALPHA * g0
    pltpu.sync_copy(g_t, g_sh.at[rows])
    plsc.subcore_barrier()

    rowbuf, rowbuf2 = rowbufs[0], rowbufs[1]
    gsA, gsB = gsems[0], gsems[1]

    def _hop(k, _):
        pltpu.async_copy(g_sh.at[src_v.at[0]], rowbuf, gsA)

        def _pair(i, _):
            j0 = 2 * i

            def _scat(buf, j):
                @pl.when(sid < NS // 2)
                def _lo():
                    pltpu.sync_copy(buf, acc_sh.at[dst_v.at[j]], add=True)

                @pl.when(sid >= NS // 2)
                def _hi():
                    pltpu.sync_copy(buf, acc2_sh.at[dst_v.at[j]], add=True)

            pltpu.make_async_copy(g_sh.at[src_v.at[j0]], rowbuf, gsA).wait()
            pltpu.async_copy(g_sh.at[src_v.at[j0 + 1]], rowbuf2, gsB)
            _scat(rowbuf, j0)
            jn = jnp.minimum(j0 + 2, NCH - 1)
            pltpu.make_async_copy(g_sh.at[src_v.at[j0 + 1]], rowbuf2,
                                  gsB).wait()
            pltpu.async_copy(g_sh.at[src_v.at[jn]], rowbuf, gsA)
            _scat(rowbuf2, j0 + 1)
            return _
        lax.fori_loop(0, NCH // 2, _pair, 0)
        pltpu.make_async_copy(g_sh.at[src_v.at[0]], rowbuf, gsA).wait()
        plsc.subcore_barrier()

        pltpu.sync_copy(acc_sh.at[rows], abuf)
        for z in range(8):
            pltpu.sync_copy(zb, acc_sh.at[pl.ds(rbase + z * ZCH, ZCH)])

        @plsc.parallel_loop(0, RPT, 1, unroll=8)
        def _upd1(r):
            g_t[r] = abuf[r] + g_t[r]

        pltpu.sync_copy(acc2_sh.at[rows], abuf)
        for z in range(8):
            pltpu.sync_copy(zb, acc2_sh.at[pl.ds(rbase + z * ZCH, ZCH)])

        @plsc.parallel_loop(0, RPT, 1, unroll=8)
        def _upd2(r):
            g_t[r] = c1_t[r] * (abuf[r] + g_t[r]) + c2_t[r]
        pltpu.sync_copy(g_t, g_sh.at[rows])
        plsc.subcore_barrier()
        return _
    lax.fori_loop(0, K_HOPS, _hop, 0)

    @pl.when(cid == 0)
    def _emit():
        @plsc.parallel_loop(0, RPT, 1, unroll=8)
        def _div(r):
            abuf[r] = g_t[r] / dinv_t[r]
        pltpu.sync_copy(abuf, h_hbm.at[rows])


def _appnp(out, src, dst):
    mesh = plsc.VectorSubcoreMesh(core_axis_name="c", subcore_axis_name="s")
    f = pl.kernel(
        _appnp_body,
        out_type=jax.ShapeDtypeStruct((NP, C), jnp.float32),
        mesh=mesh,
        compiler_params=pltpu.CompilerParams(use_tc_tiling_on_sc=False),
        scratch_types=[
            pltpu.VMEM_SHARED((NP, C), jnp.float32),
            pltpu.VMEM_SHARED((NP, C), jnp.float32),
            pltpu.VMEM_SHARED((NP, C), jnp.float32),
            pltpu.VMEM((NCH, CHE), jnp.int32),
            pltpu.VMEM((NCH, CHE), jnp.int32),
            pltpu.VMEM((CHE, C), jnp.float32),
            pltpu.VMEM((CHE, C), jnp.float32),
            pltpu.VMEM((CHE, C), jnp.float32),
            pltpu.VMEM((ZCH, C), jnp.float32),
            pltpu.VMEM((RPT, C), jnp.float32),
            pltpu.VMEM((RPT, C), jnp.float32),
            pltpu.VMEM((RPT, C), jnp.float32),
            pltpu.VMEM((RPT, C), jnp.float32),
            pltpu.VMEM((RPT, C), jnp.float32),
        ] + [pltpu.SemaphoreType.DMA] * 2,
    )
    out_p = jnp.pad(out, ((0, NP - N), (0, 0)))
    h = f(out_p, src.reshape(NS, NCH, CHE), dst.reshape(NS, NCH, CHE))
    return h[:N]


@jax.jit
def kernel(x, edge_index, W1, W2):
    out = _mlp(x, W1, W2)
    h = _appnp(out, edge_index[0], edge_index[1])
    return _log_softmax(h)

# --- scband reference (transcript-rebuilt; emitter-appended) ---
"""Pipeline reference for scband-appnpnet-24300924961369 (READ-ONLY COPY).

The authoritative reference and input builder live on the scoring server;
editing this copy changes nothing except your own understanding.
"""

import jax, jax.numpy as jnp
import numpy as np

N = 10000
E = 320000
F_IN = 128
H = 64
C = 16
K_HOPS = 10
ALPHA = 0.1


def setup_inputs(seed: int = 0) -> dict:
    key = jax.random.key(seed)
    k1, k2, k3, k4 = jax.random.split(key, 4)
    x = jax.random.normal(k1, (N, F_IN), dtype=jnp.float32)
    edge_index = jax.random.randint(k2, (2, E), 0, N, dtype=jnp.int32)
    # Learned parameters: torch nn.Linear(in, out, bias=False) -> weight [out, in]
    W1 = jax.random.normal(k3, (H, F_IN), dtype=jnp.float32) * 0.05
    W2 = jax.random.normal(k4, (C, H), dtype=jnp.float32) * 0.05
    return {"x": x, "edge_index": edge_index, "W1": W1, "W2": W2}


def reference(x, edge_index, W1, W2):
    # MLP part (dropout is identity in eval mode)
    hidden = jax.nn.relu(x @ W1.T)
    out = hidden @ W2.T

    # APPNP propagation with GCN normalization and self-loops
    src = jnp.concatenate([edge_index[0], jnp.arange(N, dtype=edge_index.dtype)])
    dst = jnp.concatenate([edge_index[1], jnp.arange(N, dtype=edge_index.dtype)])
    deg = jnp.zeros((N,), dtype=jnp.float32).at[dst].add(1.0)
    dinv = jnp.where(deg > 0, 1.0 / jnp.sqrt(deg), 0.0)
    norm = dinv[src] * dinv[dst]

    h = out
    for _ in range(K_HOPS):
        msg = norm[:, None] * h[src]
        agg = jax.ops.segment_sum(msg, dst, num_segments=N)
        h = (1.0 - ALPHA) * agg + ALPHA * out

    return jax.nn.log_softmax(h, axis=1)

if __name__ == "__main__":
    import jax
    _d = setup_inputs()
    print(jax.jit(kernel)(*tuple(_d.values())))

</pallas_src>

<mosaic_0001>
#map = affine_map<(d0, d1) -> (0, 0)>
#map1 = affine_map<(d0, d1) -> (0, 0, 0)>
module attributes {stable_mosaic.version = 14 : i64} {
  func.func @_appnp_body(%arg0: i32, %arg1: i32, %arg2: memref<10112x16xf32, #tpu.memory_space<hbm>>, %arg3: memref<16x160x125xi32, #tpu.memory_space<hbm>>, %arg4: memref<16x160x125xi32, #tpu.memory_space<hbm>>, %arg5: memref<10112x16xf32, #tpu.memory_space<hbm>>, %arg6: memref<10112x16xf32, #tpu.memory_space<vmem_shared>>, %arg7: memref<10112x16xf32, #tpu.memory_space<vmem_shared>>, %arg8: memref<10112x16xf32, #tpu.memory_space<vmem_shared>>, %arg9: memref<160x125xi32, #tpu.memory_space<vmem>>, %arg10: memref<160x125xi32, #tpu.memory_space<vmem>>, %arg11: memref<125x16xf32, #tpu.memory_space<vmem>>, %arg12: memref<125x16xf32, #tpu.memory_space<vmem>>, %arg13: memref<125x16xf32, #tpu.memory_space<vmem>>, %arg14: memref<79x16xf32, #tpu.memory_space<vmem>>, %arg15: memref<632x16xf32, #tpu.memory_space<vmem>>, %arg16: memref<632x16xf32, #tpu.memory_space<vmem>>, %arg17: memref<632x16xf32, #tpu.memory_space<vmem>>, %arg18: memref<632x16xf32, #tpu.memory_space<vmem>>, %arg19: memref<632x16xf32, #tpu.memory_space<vmem>>, %arg20: memref<!tpu.dma_semaphore, #tpu.memory_space<semaphore_mem>>, %arg21: memref<!tpu.dma_semaphore, #tpu.memory_space<semaphore_mem>>) attributes {dimension_semantics = [#tpu.dimension_semantics<core_parallel>, #tpu.dimension_semantics<subcore_parallel>], iteration_bounds = array<i64: 2, 16>, scalar_prefetch = 0 : i64, scratch_operands = 16 : i64, tpu.core_type = #tpu.core_type<sc_vector_subcore>, window_params = [{transform_indices = #map}, {transform_indices = #map1}, {transform_indices = #map1}, {transform_indices = #map}]} {
    %mul3A = arith.constant 632 : i32
    %mul3A_0 = arith.muli %arg1, %mul3A : i32
    "tpu.region"() ({
      %run_scoped3A = tpu.sem_alloc : memref<!tpu.dma_semaphore, #tpu.memory_space<semaphore_mem>>
      %dma_start3A = arith.constant 0 : i32
      %dma_start3A_90 = arith.constant 0 : i32
      %dma_start3A_91 = tpu.memref_slice %arg3[%arg1, %dma_start3A, %dma_start3A_90] : memref<16x160x125xi32, #tpu.memory_space<hbm>> -> memref<1x160x125xi32, #tpu.memory_space<hbm>>
      %dma_start3A_92 = tpu.memref_squeeze %dma_start3A_91 : memref<1x160x125xi32, #tpu.memory_space<hbm>> -> memref<160x125xi32, #tpu.memory_space<hbm>>
      %dma_start3A_93 = arith.constant 0 : i32
      %dma_start3A_94 = arith.constant 0 : i32
      %dma_start3A_95 = tpu.memref_slice %arg3[%arg1, %dma_start3A_93, %dma_start3A_94] : memref<16x160x125xi32, #tpu.memory_space<hbm>> -> memref<1x160x125xi32, #tpu.memory_space<hbm>>
      %dma_start3A_96 = tpu.memref_squeeze %dma_start3A_95 : memref<1x160x125xi32, #tpu.memory_space<hbm>> -> memref<160x125xi32, #tpu.memory_space<hbm>>
      tpu.enqueue_dma source(%dma_start3A_96 : memref<160x125xi32, #tpu.memory_space<hbm>>) target(%arg9 : memref<160x125xi32, #tpu.memory_space<vmem>>) target_semaphore(%run_scoped3A : memref<!tpu.dma_semaphore, #tpu.memory_space<semaphore_mem>>)
      %dma_wait3A = arith.constant 0 : i32
      %dma_wait3A_97 = arith.constant 0 : i32
      %dma_wait3A_98 = tpu.memref_slice %arg3[%arg1, %dma_wait3A, %dma_wait3A_97] : memref<16x160x125xi32, #tpu.memory_space<hbm>> -> memref<1x160x125xi32, #tpu.memory_space<hbm>>
      %dma_wait3A_99 = tpu.memref_squeeze %dma_wait3A_98 : memref<1x160x125xi32, #tpu.memory_space<hbm>> -> memref<160x125xi32, #tpu.memory_space<hbm>>
      %dma_wait3A_100 = arith.constant 0 : i32
      %dma_wait3A_101 = arith.constant 0 : i32
      %dma_wait3A_102 = tpu.memref_slice %arg3[%arg1, %dma_wait3A_100, %dma_wait3A_101] : memref<16x160x125xi32, #tpu.memory_space<hbm>> -> memref<1x160x125xi32, #tpu.memory_space<hbm>>
      %dma_wait3A_103 = tpu.memref_squeeze %dma_wait3A_102 : memref<1x160x125xi32, #tpu.memory_space<hbm>> -> memref<160x125xi32, #tpu.memory_space<hbm>>
      tpu.wait_dma2 semaphore(%run_scoped3A : memref<!tpu.dma_semaphore, #tpu.memory_space<semaphore_mem>>) src(%dma_wait3A_103 : memref<160x125xi32, #tpu.memory_space<hbm>>) dst(%arg9 : memref<160x125xi32, #tpu.memory_space<vmem>>)
      tpu.yield
    }) : () -> ()
    "tpu.region"() ({
      %run_scoped3A = tpu.sem_alloc : memref<!tpu.dma_semaphore, #tpu.memory_space<semaphore_mem>>
      %dma_start3A = arith.constant 0 : i32
      %dma_start3A_90 = arith.constant 0 : i32
      %dma_start3A_91 = tpu.memref_slice %arg4[%arg1, %dma_start3A, %dma_start3A_90] : memref<16x160x125xi32, #tpu.memory_space<hbm>> -> memref<1x160x125xi32, #tpu.memory_space<hbm>>
      %dma_start3A_92 = tpu.memref_squeeze %dma_start3A_91 : memref<1x160x125xi32, #tpu.memory_space<hbm>> -> memref<160x125xi32, #tpu.memory_space<hbm>>
      %dma_start3A_93 = arith.constant 0 : i32
      %dma_start3A_94 = arith.constant 0 : i32
      %dma_start3A_95 = tpu.memref_slice %arg4[%arg1, %dma_start3A_93, %dma_start3A_94] : memref<16x160x125xi32, #tpu.memory_space<hbm>> -> memref<1x160x125xi32, #tpu.memory_space<hbm>>
      %dma_start3A_96 = tpu.memref_squeeze %dma_start3A_95 : memref<1x160x125xi32, #tpu.memory_space<hbm>> -> memref<160x125xi32, #tpu.memory_space<hbm>>
      tpu.enqueue_dma source(%dma_start3A_96 : memref<160x125xi32, #tpu.memory_space<hbm>>) target(%arg10 : memref<160x125xi32, #tpu.memory_space<vmem>>) target_semaphore(%run_scoped3A : memref<!tpu.dma_semaphore, #tpu.memory_space<semaphore_mem>>)
      %dma_wait3A = arith.constant 0 : i32
      %dma_wait3A_97 = arith.constant 0 : i32
      %dma_wait3A_98 = tpu.memref_slice %arg4[%arg1, %dma_wait3A, %dma_wait3A_97] : memref<16x160x125xi32, #tpu.memory_space<hbm>> -> memref<1x160x125xi32, #tpu.memory_space<hbm>>
      %dma_wait3A_99 = tpu.memref_squeeze %dma_wait3A_98 : memref<1x160x125xi32, #tpu.memory_space<hbm>> -> memref<160x125xi32, #tpu.memory_space<hbm>>
      %dma_wait3A_100 = arith.constant 0 : i32
      %dma_wait3A_101 = arith.constant 0 : i32
      %dma_wait3A_102 = tpu.memref_slice %arg4[%arg1, %dma_wait3A_100, %dma_wait3A_101] : memref<16x160x125xi32, #tpu.memory_space<hbm>> -> memref<1x160x125xi32, #tpu.memory_space<hbm>>
      %dma_wait3A_103 = tpu.memref_squeeze %dma_wait3A_102 : memref<1x160x125xi32, #tpu.memory_space<hbm>> -> memref<160x125xi32, #tpu.memory_space<hbm>>
      tpu.wait_dma2 semaphore(%run_scoped3A : memref<!tpu.dma_semaphore, #tpu.memory_space<semaphore_mem>>) src(%dma_wait3A_103 : memref<160x125xi32, #tpu.memory_space<hbm>>) dst(%arg10 : memref<160x125xi32, #tpu.memory_space<vmem>>)
      tpu.yield
    }) : () -> ()
    %parallel_loop3A = arith.constant 0 : i32
    %parallel_loop3A_1 = arith.constant 125 : i32
    %parallel_loop3A_2 = arith.constant 1 : i32
    scf.for %parallel_loop3A_90 = %parallel_loop3A to %parallel_loop3A_1 step %parallel_loop3A_2  : i32 {
      %parallel_loop3A_91 = arith.constant 1.000000e+00 : f32
      %parallel_loop3A_92 = vector.broadcast %parallel_loop3A_91 : f32 to vector<16xf32>
      %parallel_loop3A_93 = arith.index_cast %parallel_loop3A_90 : i32 to index
      %parallel_loop3A_94 = arith.constant 0 : index
      %parallel_loop3A_95 = tpu.vector_load %arg13[%parallel_loop3A_93, %parallel_loop3A_94] {strides = array<i32>} : memref<125x16xf32, #tpu.memory_space<vmem>>, vector<1x16xf32>,
      %parallel_loop3A_96 = vector.shape_cast %parallel_loop3A_95 : vector<1x16xf32> to vector<16xf32>
      %parallel_loop3A_97 = vector.shape_cast %parallel_loop3A_92 : vector<16xf32> to vector<1x16xf32>
      tpu.vector_store %arg13[%parallel_loop3A_93, %parallel_loop3A_94], %parallel_loop3A_97 {strides = array<i32>} : memref<125x16xf32, #tpu.memory_space<vmem>>, vector<1x16xf32>,
    } {sc.loop_unroll_factor = 8 : i64, sc.parallel_access}
    %parallel_loop3A_3 = arith.constant 0 : i32
    %parallel_loop3A_4 = arith.constant 79 : i32
    %parallel_loop3A_5 = arith.constant 1 : i32
    scf.for %parallel_loop3A_90 = %parallel_loop3A_3 to %parallel_loop3A_4 step %parallel_loop3A_5  : i32 {
      %parallel_loop3A_91 = arith.constant 0.000000e+00 : f32
      %parallel_loop3A_92 = vector.broadcast %parallel_loop3A_91 : f32 to vector<16xf32>
      %parallel_loop3A_93 = arith.index_cast %parallel_loop3A_90 : i32 to index
      %parallel_loop3A_94 = arith.constant 0 : index
      %parallel_loop3A_95 = tpu.vector_load %arg14[%parallel_loop3A_93, %parallel_loop3A_94] {strides = array<i32>} : memref<79x16xf32, #tpu.memory_space<vmem>>, vector<1x16xf32>,
      %parallel_loop3A_96 = vector.shape_cast %parallel_loop3A_95 : vector<1x16xf32> to vector<16xf32>
      %parallel_loop3A_97 = vector.shape_cast %parallel_loop3A_92 : vector<16xf32> to vector<1x16xf32>
      tpu.vector_store %arg14[%parallel_loop3A_93, %parallel_loop3A_94], %parallel_loop3A_97 {strides = array<i32>} : memref<79x16xf32, #tpu.memory_space<vmem>>, vector<1x16xf32>,
    } {sc.loop_unroll_factor = 8 : i64, sc.parallel_access}
    %add3A = arith.constant 0 : i32
    %add3A_6 = arith.addi %mul3A_0, %add3A : i32
    "tpu.region"() ({
      %run_scoped3A = tpu.sem_alloc : memref<!tpu.dma_semaphore, #tpu.memory_space<semaphore_mem>>
      %dma_start3A = arith.constant 0 : i32
      %dma_start3A_90 = arith.constant 0 : i32
      %dma_start3A_91 = tpu.memref_slice %arg13[%dma_start3A, %dma_start3A_90] : memref<125x16xf32, #tpu.memory_space<vmem>> -> memref<79x16xf32, #tpu.memory_space<vmem>>
      %dma_start3A_92 = arith.constant 0 : i32
      %dma_start3A_93 = tpu.memref_slice %arg7[%add3A_6, %dma_start3A_92] : memref<10112x16xf32, #tpu.memory_space<vmem_shared>> -> memref<79x16xf32, #tpu.memory_space<vmem_shared>>
      %dma_start3A_94 = arith.constant 0 : i32
      %dma_start3A_95 = tpu.memref_slice %arg7[%add3A_6, %dma_start3A_94] : memref<10112x16xf32, #tpu.memory_space<vmem_shared>> -> memref<79x16xf32, #tpu.memory_space<vmem_shared>>
      %dma_start3A_96 = arith.constant 0 : i32
      %dma_start3A_97 = arith.constant 0 : i32
      %dma_start3A_98 = tpu.memref_slice %arg13[%dma_start3A_96, %dma_start3A_97] : memref<125x16xf32, #tpu.memory_space<vmem>> -> memref<79x16xf32, #tpu.memory_space<vmem>>
      tpu.enqueue_dma source(%dma_start3A_98 : memref<79x16xf32, #tpu.memory_space<vmem>>) target(%dma_start3A_95 : memref<79x16xf32, #tpu.memory_space<vmem_shared>>) target_semaphore(%run_scoped3A : memref<!tpu.dma_semaphore, #tpu.memory_space<semaphore_mem>>)
      %dma_wait3A = arith.constant 0 : i32
      %dma_wait3A_99 = arith.constant 0 : i32
      %dma_wait3A_100 = tpu.memref_slice %arg13[%dma_wait3A, %dma_wait3A_99] : memref<125x16xf32, #tpu.memory_space<vmem>> -> memref<79x16xf32, #tpu.memory_space<vmem>>
      %dma_wait3A_101 = arith.constant 0 : i32
      %dma_wait3A_102 = tpu.memref_slice %arg7[%add3A_6, %dma_wait3A_101] : memref<10112x16xf32, #tpu.memory_space<vmem_shared>> -> memref<79x16xf32, #tpu.memory_space<vmem_shared>>
      %dma_wait3A_103 = arith.constant 0 : i32
      %dma_wait3A_104 = tpu.memref_slice %arg7[%add3A_6, %dma_wait3A_103] : memref<10112x16xf32, #tpu.memory_space<vmem_shared>> -> memref<79x16xf32, #tpu.memory_space<vmem_shared>>
      %dma_wait3A_105 = arith.constant 0 : i32
      %dma_wait3A_106 = arith.constant 0 : i32
      %dma_wait3A_107 = tpu.memref_slice %arg13[%dma_wait3A_105, %dma_wait3A_106] : memref<125x16xf32, #tpu.memory_space<vmem>> -> memref<79x16xf32, #tpu.memory_space<vmem>>
      tpu.wait_dma2 semaphore(%run_scoped3A : memref<!tpu.dma_semaphore, #tpu.memory_space<semaphore_mem>>) src(%dma_wait3A_107 : memref<79x16xf32, #tpu.memory_space<vmem>>) dst(%dma_wait3A_104 : memref<79x16xf32, #tpu.memory_space<vmem_shared>>)
      tpu.yield
    }) : () -> ()
    %add3A_7 = arith.constant 0 : i32
    %add3A_8 = arith.addi %mul3A_0, %add3A_7 : i32
    "tpu.region"() ({
      %run_scoped3A = tpu.sem_alloc : memref<!tpu.dma_semaphore, #tpu.memory_space<semaphore_mem>>
      %dma_start3A = arith.constant 0 : i32
      %dma_start3A_90 = tpu.memref_slice %arg8[%add3A_8, %dma_start3A] : memref<10112x16xf32, #tpu.memory_space<vmem_shared>> -> memref<79x16xf32, #tpu.memory_space<vmem_shared>>
      %dma_start3A_91 = arith.constant 0 : i32
      %dma_start3A_92 = tpu.memref_slice %arg8[%add3A_8, %dma_start3A_91] : memref<10112x16xf32, #tpu.memory_space<vmem_shared>> -> memref<79x16xf32, #tpu.memory_space<vmem_shared>>
      tpu.enqueue_dma source(%arg14 : memref<79x16xf32, #tpu.memory_space<vmem>>) target(%dma_start3A_92 : memref<79x16xf32, #tpu.memory_space<vmem_shared>>) target_semaphore(%run_scoped3A : memref<!tpu.dma_semaphore, #tpu.memory_space<semaphore_mem>>)
      %dma_wait3A = arith.constant 0 : i32
      %dma_wait3A_93 = tpu.memref_slice %arg8[%add3A_8, %dma_wait3A] : memref<10112x16xf32, #tpu.memory_space<vmem_shared>> -> memref<79x16xf32, #tpu.memory_space<vmem_shared>>
      %dma_wait3A_94 = arith.constant 0 : i32
      %dma_wait3A_95 = tpu.memref_slice %arg8[%add3A_8, %dma_wait3A_94] : memref<10112x16xf32, #tpu.memory_space<vmem_shared>> -> memref<79x16xf32, #tpu.memory_space<vmem_shared>>
      tpu.wait_dma2 semaphore(%run_scoped3A : memref<!tpu.dma_semaphore, #tpu.memory_space<semaphore_mem>>) src(%arg14 : memref<79x16xf32, #tpu.memory_space<vmem>>) dst(%dma_wait3A_95 : memref<79x16xf32, #tpu.memory_space<vmem_shared>>)
      tpu.yield
    }) : () -> ()
    %add3A_9 = arith.constant 79 : i32
    %add3A_10 = arith.addi %mul3A_0, %add3A_9 : i32
    "tpu.region"() ({
      %run_scoped3A = tpu.sem_alloc : memref<!tpu.dma_semaphore, #tpu.memory_space<semaphore_mem>>
      %dma_start3A = arith.constant 0 : i32
      %dma_start3A_90 = arith.constant 0 : i32
      %dma_start3A_91 = tpu.memref_slice %arg13[%dma_start3A, %dma_start3A_90] : memref<125x16xf32, #tpu.memory_space<vmem>> -> memref<79x16xf32, #tpu.memory_space<vmem>>
      %dma_start3A_92 = arith.constant 0 : i32
      %dma_start3A_93 = tpu.memref_slice %arg7[%add3A_10, %dma_start3A_92] : memref<10112x16xf32, #tpu.memory_space<vmem_shared>> -> memref<79x16xf32, #tpu.memory_space<vmem_shared>>
      %dma_start3A_94 = arith.constant 0 : i32
      %dma_start3A_95 = tpu.memref_slice %arg7[%add3A_10, %dma_start3A_94] : memref<10112x16xf32, #tpu.memory_space<vmem_shared>> -> memref<79x16xf32, #tpu.memory_space<vmem_shared>>
      %dma_start3A_96 = arith.constant 0 : i32
      %dma_start3A_97 = arith.constant 0 : i32
      %dma_start3A_98 = tpu.memref_slice %arg13[%dma_start3A_96, %dma_start3A_97] : memref<125x16xf32, #tpu.memory_space<vmem>> -> memref<79x16xf32, #tpu.memory_space<vmem>>
      tpu.enqueue_dma source(%dma_start3A_98 : memref<79x16xf32, #tpu.memory_space<vmem>>) target(%dma_start3A_95 : memref<79x16xf32, #tpu.memory_space<vmem_shared>>) target_semaphore(%run_scoped3A : memref<!tpu.dma_semaphore, #tpu.memory_space<semaphore_mem>>)
      %dma_wait3A = arith.constant 0 : i32
      %dma_wait3A_99 = arith.constant 0 : i32
      %dma_wait3A_100 = tpu.memref_slice %arg13[%dma_wait3A, %dma_wait3A_99] : memref<125x16xf32, #tpu.memory_space<vmem>> -> memref<79x16xf32, #tpu.memory_space<vmem>>
      %dma_wait3A_101 = arith.constant 0 : i32
      %dma_wait3A_102 = tpu.memref_slice %arg7[%add3A_10, %dma_wait3A_101] : memref<10112x16xf32, #tpu.memory_space<vmem_shared>> -> memref<79x16xf32, #tpu.memory_space<vmem_shared>>
      %dma_wait3A_103 = arith.constant 0 : i32
      %dma_wait3A_104 = tpu.memref_slice %arg7[%add3A_10, %dma_wait3A_103] : memref<10112x16xf32, #tpu.memory_space<vmem_shared>> -> memref<79x16xf32, #tpu.memory_space<vmem_shared>>
      %dma_wait3A_105 = arith.constant 0 : i32
      %dma_wait3A_106 = arith.constant 0 : i32
      %dma_wait3A_107 = tpu.memref_slice %arg13[%dma_wait3A_105, %dma_wait3A_106] : memref<125x16xf32, #tpu.memory_space<vmem>> -> memref<79x16xf32, #tpu.memory_space<vmem>>
      tpu.wait_dma2 semaphore(%run_scoped3A : memref<!tpu.dma_semaphore, #tpu.memory_space<semaphore_mem>>) src(%dma_wait3A_107 : memref<79x16xf32, #tpu.memory_space<vmem>>) dst(%dma_wait3A_104 : memref<79x16xf32, #tpu.memory_space<vmem_shared>>)
      tpu.yield
    }) : () -> ()
    %add3A_11 = arith.constant 79 : i32
    %add3A_12 = arith.addi %mul3A_0, %add3A_11 : i32
    "tpu.region"() ({
      %run_scoped3A = tpu.sem_alloc : memref<!tpu.dma_semaphore, #tpu.memory_space<semaphore_mem>>
      %dma_start3A = arith.constant 0 : i32
      %dma_start3A_90 = tpu.memref_slice %arg8[%add3A_12, %dma_start3A] : memref<10112x16xf32, #tpu.memory_space<vmem_shared>> -> memref<79x16xf32, #tpu.memory_space<vmem_shared>>
      %dma_start3A_91 = arith.constant 0 : i32
      %dma_start3A_92 = tpu.memref_slice %arg8[%add3A_12, %dma_start3A_91] : memref<10112x16xf32, #tpu.memory_space<vmem_shared>> -> memref<79x16xf32, #tpu.memory_space<vmem_shared>>
      tpu.enqueue_dma source(%arg14 : memref<79x16xf32, #tpu.memory_space<vmem>>) target(%dma_start3A_92 : memref<79x16xf32, #tpu.memory_space<vmem_shared>>) target_semaphore(%run_scoped3A : memref<!tpu.dma_semaphore, #tpu.memory_space<semaphore_mem>>)
      %dma_wait3A = arith.constant 0 : i32
      %dma_wait3A_93 = tpu.memref_slice %arg8[%add3A_12, %dma_wait3A] : memref<10112x16xf32, #tpu.memory_space<vmem_shared>> -> memref<79x16xf32, #tpu.memory_space<vmem_shared>>
      %dma_wait3A_94 = arith.constant 0 : i32
      %dma_wait3A_95 = tpu.memref_slice %arg8[%add3A_12, %dma_wait3A_94] : memref<10112x16xf32, #tpu.memory_space<vmem_shared>> -> memref<79x16xf32, #tpu.memory_space<vmem_shared>>
      tpu.wait_dma2 semaphore(%run_scoped3A : memref<!tpu.dma_semaphore, #tpu.memory_space<semaphore_mem>>) src(%arg14 : memref<79x16xf32, #tpu.memory_space<vmem>>) dst(%dma_wait3A_95 : memref<79x16xf32, #tpu.memory_space<vmem_shared>>)
      tpu.yield
    }) : () -> ()
    %add3A_13 = arith.constant 158 : i32
    %add3A_14 = arith.addi %mul3A_0, %add3A_13 : i32
    "tpu.region"() ({
      %run_scoped3A = tpu.sem_alloc : memref<!tpu.dma_semaphore, #tpu.memory_space<semaphore_mem>>
      %dma_start3A = arith.constant 0 : i32
      %dma_start3A_90 = arith.constant 0 : i32
      %dma_start3A_91 = tpu.memref_slice %arg13[%dma_start3A, %dma_start3A_90] : memref<125x16xf32, #tpu.memory_space<vmem>> -> memref<79x16xf32, #tpu.memory_space<vmem>>
      %dma_start3A_92 = arith.constant 0 : i32
      %dma_start3A_93 = tpu.memref_slice %arg7[%add3A_14, %dma_start3A_92] : memref<10112x16xf32, #tpu.memory_space<vmem_shared>> -> memref<79x16xf32, #tpu.memory_space<vmem_shared>>
      %dma_start3A_94 = arith.constant 0 : i32
      %dma_start3A_95 = tpu.memref_slice %arg7[%add3A_14, %dma_start3A_94] : memref<10112x16xf32, #tpu.memory_space<vmem_shared>> -> memref<79x16xf32, #tpu.memory_space<vmem_shared>>
      %dma_start3A_96 = arith.constant 0 : i32
      %dma_start3A_97 = arith.constant 0 : i32
      %dma_start3A_98 = tpu.memref_slice %arg13[%dma_start3A_96, %dma_start3A_97] : memref<125x16xf32, #tpu.memory_space<vmem>> -> memref<79x16xf32, #tpu.memory_space<vmem>>
      tpu.enqueue_dma source(%dma_start3A_98 : memref<79x16xf32, #tpu.memory_space<vmem>>) target(%dma_start3A_95 : memref<79x16xf32, #tpu.memory_space<vmem_shared>>) target_semaphore(%run_scoped3A : memref<!tpu.dma_semaphore, #tpu.memory_space<semaphore_mem>>)
      %dma_wait3A = arith.constant 0 : i32
      %dma_wait3A_99 = arith.constant 0 : i32
      %dma_wait3A_100 = tpu.memref_slice %arg13[%dma_wait3A, %dma_wait3A_99] : memref<125x16xf32, #tpu.memory_space<vmem>> -> memref<79x16xf32, #tpu.memory_space<vmem>>
      %dma_wait3A_101 = arith.constant 0 : i32
      %dma_wait3A_102 = tpu.memref_slice %arg7[%add3A_14, %dma_wait3A_101] : memref<10112x16xf32, #tpu.memory_space<vmem_shared>> -> memref<79x16xf32, #tpu.memory_space<vmem_shared>>
      %dma_wait3A_103 = arith.constant 0 : i32
      %dma_wait3A_104 = tpu.memref_slice %arg7[%add3A_14, %dma_wait3A_103] : memref<10112x16xf32, #tpu.memory_space<vmem_shared>> -> memref<79x16xf32, #tpu.memory_space<vmem_shared>>
      %dma_wait3A_105 = arith.constant 0 : i32
      %dma_wait3A_106 = arith.constant 0 : i32
      %dma_wait3A_107 = tpu.memref_slice %arg13[%dma_wait3A_105, %dma_wait3A_106] : memref<125x16xf32, #tpu.memory_space<vmem>> -> memref<79x16xf32, #tpu.memory_space<vmem>>
      tpu.wait_dma2 semaphore(%run_scoped3A : memref<!tpu.dma_semaphore, #tpu.memory_space<semaphore_mem>>) src(%dma_wait3A_107 : memref<79x16xf32, #tpu.memory_space<vmem>>) dst(%dma_wait3A_104 : memref<79x16xf32, #tpu.memory_space<vmem_shared>>)
      tpu.yield
    }) : () -> ()
    %add3A_15 = arith.constant 158 : i32
    %add3A_16 = arith.addi %mul3A_0, %add3A_15 : i32
    "tpu.region"() ({
      %run_scoped3A = tpu.sem_alloc : memref<!tpu.dma_semaphore, #tpu.memory_space<semaphore_mem>>
      %dma_start3A = arith.constant 0 : i32
      %dma_start3A_90 = tpu.memref_slice %arg8[%add3A_16, %dma_start3A] : memref<10112x16xf32, #tpu.memory_space<vmem_shared>> -> memref<79x16xf32, #tpu.memory_space<vmem_shared>>
      %dma_start3A_91 = arith.constant 0 : i32
      %dma_start3A_92 = tpu.memref_slice %arg8[%add3A_16, %dma_start3A_91] : memref<10112x16xf32, #tpu.memory_space<vmem_shared>> -> memref<79x16xf32, #tpu.memory_space<vmem_shared>>
      tpu.enqueue_dma source(%arg14 : memref<79x16xf32, #tpu.memory_space<vmem>>) target(%dma_start3A_92 : memref<79x16xf32, #tpu.memory_space<vmem_shared>>) target_semaphore(%run_scoped3A : memref<!tpu.dma_semaphore, #tpu.memory_space<semaphore_mem>>)
      %dma_wait3A = arith.constant 0 : i32
      %dma_wait3A_93 = tpu.memref_slice %arg8[%add3A_16, %dma_wait3A] : memref<10112x16xf32, #tpu.memory_space<vmem_shared>> -> memref<79x16xf32, #tpu.memory_space<vmem_shared>>
      %dma_wait3A_94 = arith.constant 0 : i32
      %dma_wait3A_95 = tpu.memref_slice %arg8[%add3A_16, %dma_wait3A_94] : memref<10112x16xf32, #tpu.memory_space<vmem_shared>> -> memref<79x16xf32, #tpu.memory_space<vmem_shared>>
      tpu.wait_dma2 semaphore(%run_scoped3A : memref<!tpu.dma_semaphore, #tpu.memory_space<semaphore_mem>>) src(%arg14 : memref<79x16xf32, #tpu.memory_space<vmem>>) dst(%dma_wait3A_95 : memref<79x16xf32, #tpu.memory_space<vmem_shared>>)
      tpu.yield
    }) : () -> ()
    %add3A_17 = arith.constant 237 : i32
    %add3A_18 = arith.addi %mul3A_0, %add3A_17 : i32
    "tpu.region"() ({
      %run_scoped3A = tpu.sem_alloc : memref<!tpu.dma_semaphore, #tpu.memory_space<semaphore_mem>>
      %dma_start3A = arith.constant 0 : i32
      %dma_start3A_90 = arith.constant 0 : i32
      %dma_start3A_91 = tpu.memref_slice %arg13[%dma_start3A, %dma_start3A_90] : memref<125x16xf32, #tpu.memory_space<vmem>> -> memref<79x16xf32, #tpu.memory_space<vmem>>
      %dma_start3A_92 = arith.constant 0 : i32
      %dma_start3A_93 = tpu.memref_slice %arg7[%add3A_18, %dma_start3A_92] : memref<10112x16xf32, #tpu.memory_space<vmem_shared>> -> memref<79x16xf32, #tpu.memory_space<vmem_shared>>
      %dma_start3A_94 = arith.constant 0 : i32
      %dma_start3A_95 = tpu.memref_slice %arg7[%add3A_18, %dma_start3A_94] : memref<10112x16xf32, #tpu.memory_space<vmem_shared>> -> memref<79x16xf32, #tpu.memory_space<vmem_shared>>
      %dma_start3A_96 = arith.constant 0 : i32
      %dma_start3A_97 = arith.constant 0 : i32
      %dma_start3A_98 = tpu.memref_slice %arg13[%dma_start3A_96, %dma_start3A_97] : memref<125x16xf32, #tpu.memory_space<vmem>> -> memref<79x16xf32, #tpu.memory_space<vmem>>
      tpu.enqueue_dma source(%dma_start3A_98 : memref<79x16xf32, #tpu.memory_space<vmem>>) target(%dma_start3A_95 : memref<79x16xf32, #tpu.memory_space<vmem_shared>>) target_semaphore(%run_scoped3A : memref<!tpu.dma_semaphore, #tpu.memory_space<semaphore_mem>>)
      %dma_wait3A = arith.constant 0 : i32
      %dma_wait3A_99 = arith.constant 0 : i32
      %dma_wait3A_100 = tpu.memref_slice %arg13[%dma_wait3A, %dma_wait3A_99] : memref<125x16xf32, #tpu.memory_space<vmem>> -> memref<79x16xf32, #tpu.memory_space<vmem>>
      %dma_wait3A_101 = arith.constant 0 : i32
      %dma_wait3A_102 = tpu.memref_slice %arg7[%add3A_18, %dma_wait3A_101] : memref<10112x16xf32, #tpu.memory_space<vmem_shared>> -> memref<79x16xf32, #tpu.memory_space<vmem_shared>>
      %dma_wait3A_103 = arith.constant 0 : i32
      %dma_wait3A_104 = tpu.memref_slice %arg7[%add3A_18, %dma_wait3A_103] : memref<10112x16xf32, #tpu.memory_space<vmem_shared>> -> memref<79x16xf32, #tpu.memory_space<vmem_shared>>
      %dma_wait3A_105 = arith.constant 0 : i32
      %dma_wait3A_106 = arith.constant 0 : i32
      %dma_wait3A_107 = tpu.memref_slice %arg13[%dma_wait3A_105, %dma_wait3A_106] : memref<125x16xf32, #tpu.memory_space<vmem>> -> memref<79x16xf32, #tpu.memory_space<vmem>>
      tpu.wait_dma2 semaphore(%run_scoped3A : memref<!tpu.dma_semaphore, #tpu.memory_space<semaphore_mem>>) src(%dma_wait3A_107 : memref<79x16xf32, #tpu.memory_space<vmem>>) dst(%dma_wait3A_104 : memref<79x16xf32, #tpu.memory_space<vmem_shared>>)
      tpu.yield
    }) : () -> ()
    %add3A_19 = arith.constant 237 : i32
    %add3A_20 = arith.addi %mul3A_0, %add3A_19 : i32
    "tpu.region"() ({
      %run_scoped3A = tpu.sem_alloc : memref<!tpu.dma_semaphore, #tpu.memory_space<semaphore_mem>>
      %dma_start3A = arith.constant 0 : i32
      %dma_start3A_90 = tpu.memref_slice %arg8[%add3A_20, %dma_start3A] : memref<10112x16xf32, #tpu.memory_space<vmem_shared>> -> memref<79x16xf32, #tpu.memory_space<vmem_shared>>
      %dma_start3A_91 = arith.constant 0 : i32
      %dma_start3A_92 = tpu.memref_slice %arg8[%add3A_20, %dma_start3A_91] : memref<10112x16xf32, #tpu.memory_space<vmem_shared>> -> memref<79x16xf32, #tpu.memory_space<vmem_shared>>
      tpu.enqueue_dma source(%arg14 : memref<79x16xf32, #tpu.memory_space<vmem>>) target(%dma_start3A_92 : memref<79x16xf32, #tpu.memory_space<vmem_shared>>) target_semaphore(%run_scoped3A : memref<!tpu.dma_semaphore, #tpu.memory_space<semaphore_mem>>)
      %dma_wait3A = arith.constant 0 : i32
      %dma_wait3A_93 = tpu.memref_slice %arg8[%add3A_20, %dma_wait3A] : memref<10112x16xf32, #tpu.memory_space<vmem_shared>> -> memref<79x16xf32, #tpu.memory_space<vmem_shared>>
      %dma_wait3A_94 = arith.constant 0 : i32
      %dma_wait3A_95 = tpu.memref_slice %arg8[%add3A_20, %dma_wait3A_94] : memref<10112x16xf32, #tpu.memory_space<vmem_shared>> -> memref<79x16xf32, #tpu.memory_space<vmem_shared>>
      tpu.wait_dma2 semaphore(%run_scoped3A : memref<!tpu.dma_semaphore, #tpu.memory_space<semaphore_mem>>) src(%arg14 : memref<79x16xf32, #tpu.memory_space<vmem>>) dst(%dma_wait3A_95 : memref<79x16xf32, #tpu.memory_space<vmem_shared>>)
      tpu.yield
    }) : () -> ()
    %add3A_21 = arith.constant 316 : i32
    %add3A_22 = arith.addi %mul3A_0, %add3A_21 : i32
    "tpu.region"() ({
      %run_scoped3A = tpu.sem_alloc : memref<!tpu.dma_semaphore, #tpu.memory_space<semaphore_mem>>
      %dma_start3A = arith.constant 0 : i32
      %dma_start3A_90 = arith.constant 0 : i32
      %dma_start3A_91 = tpu.memref_slice %arg13[%dma_start3A, %dma_start3A_90] : memref<125x16xf32, #tpu.memory_space<vmem>> -> memref<79x16xf32, #tpu.memory_space<vmem>>
      %dma_start3A_92 = arith.constant 0 : i32
      %dma_start3A_93 = tpu.memref_slice %arg7[%add3A_22, %dma_start3A_92] : memref<10112x16xf32, #tpu.memory_space<vmem_shared>> -> memref<79x16xf32, #tpu.memory_space<vmem_shared>>
      %dma_start3A_94 = arith.constant 0 : i32
      %dma_start3A_95 = tpu.memref_slice %arg7[%add3A_22, %dma_start3A_94] : memref<10112x16xf32, #tpu.memory_space<vmem_shared>> -> memref<79x16xf32, #tpu.memory_space<vmem_shared>>
      %dma_start3A_96 = arith.constant 0 : i32
      %dma_start3A_97 = arith.constant 0 : i32
      %dma_start3A_98 = tpu.memref_slice %arg13[%dma_start3A_96, %dma_start3A_97] : memref<125x16xf32, #tpu.memory_space<vmem>> -> memref<79x16xf32, #tpu.memory_space<vmem>>
      tpu.enqueue_dma source(%dma_start3A_98 : memref<79x16xf32, #tpu.memory_space<vmem>>) target(%dma_start3A_95 : memref<79x16xf32, #tpu.memory_space<vmem_shared>>) target_semaphore(%run_scoped3A : memref<!tpu.dma_semaphore, #tpu.memory_space<semaphore_mem>>)
      %dma_wait3A = arith.constant 0 : i32
      %dma_wait3A_99 = arith.constant 0 : i32
      %dma_wait3A_100 = tpu.memref_slice %arg13[%dma_wait3A, %dma_wait3A_99] : memref<125x16xf32, #tpu.memory_space<vmem>> -> memref<79x16xf32, #tpu.memory_space<vmem>>
      %dma_wait3A_101 = arith.constant 0 : i32
      %dma_wait3A_102 = tpu.memref_slice %arg7[%add3A_22, %dma_wait3A_101] : memref<10112x16xf32, #tpu.memory_space<vmem_shared>> -> memref<79x16xf32, #tpu.memory_space<vmem_shared>>
      %dma_wait3A_103 = arith.constant 0 : i32
      %dma_wait3A_104 = tpu.memref_slice %arg7[%add3A_22, %dma_wait3A_103] : memref<10112x16xf32, #tpu.memory_space<vmem_shared>> -> memref<79x16xf32, #tpu.memory_space<vmem_shared>>
      %dma_wait3A_105 = arith.constant 0 : i32
      %dma_wait3A_106 = arith.constant 0 : i32
      %dma_wait3A_107 = tpu.memref_slice %arg13[%dma_wait3A_105, %dma_wait3A_106] : memref<125x16xf32, #tpu.memory_space<vmem>> -> memref<79x16xf32, #tpu.memory_space<vmem>>
      tpu.wait_dma2 semaphore(%run_scoped3A : memref<!tpu.dma_semaphore, #tpu.memory_space<semaphore_mem>>) src(%dma_wait3A_107 : memref<79x16xf32, #tpu.memory_space<vmem>>) dst(%dma_wait3A_104 : memref<79x16xf32, #tpu.memory_space<vmem_shared>>)
      tpu.yield
    }) : () -> ()
    %add3A_23 = arith.constant 316 : i32
    %add3A_24 = arith.addi %mul3A_0, %add3A_23 : i32
    "tpu.region"() ({
      %run_scoped3A = tpu.sem_alloc : memref<!tpu.dma_semaphore, #tpu.memory_space<semaphore_mem>>
      %dma_start3A = arith.constant 0 : i32
      %dma_start3A_90 = tpu.memref_slice %arg8[%add3A_24, %dma_start3A] : memref<10112x16xf32, #tpu.memory_space<vmem_shared>> -> memref<79x16xf32, #tpu.memory_space<vmem_shared>>
      %dma_start3A_91 = arith.constant 0 : i32
      %dma_start3A_92 = tpu.memref_slice %arg8[%add3A_24, %dma_start3A_91] : memref<10112x16xf32, #tpu.memory_space<vmem_shared>> -> memref<79x16xf32, #tpu.memory_space<vmem_shared>>
      tpu.enqueue_dma source(%arg14 : memref<79x16xf32, #tpu.memory_space<vmem>>) target(%dma_start3A_92 : memref<79x16xf32, #tpu.memory_space<vmem_shared>>) target_semaphore(%run_scoped3A : memref<!tpu.dma_semaphore, #tpu.memory_space<semaphore_mem>>)
      %dma_wait3A = arith.constant 0 : i32
      %dma_wait3A_93 = tpu.memref_slice %arg8[%add3A_24, %dma_wait3A] : memref<10112x16xf32, #tpu.memory_space<vmem_shared>> -> memref<79x16xf32, #tpu.memory_space<vmem_shared>>
      %dma_wait3A_94 = arith.constant 0 : i32
      %dma_wait3A_95 = tpu.memref_slice %arg8[%add3A_24, %dma_wait3A_94] : memref<10112x16xf32, #tpu.memory_space<vmem_shared>> -> memref<79x16xf32, #tpu.memory_space<vmem_shared>>
      tpu.wait_dma2 semaphore(%run_scoped3A : memref<!tpu.dma_semaphore, #tpu.memory_space<semaphore_mem>>) src(%arg14 : memref<79x16xf32, #tpu.memory_space<vmem>>) dst(%dma_wait3A_95 : memref<79x16xf32, #tpu.memory_space<vmem_shared>>)
      tpu.yield
    }) : () -> ()
    %add3A_25 = arith.constant 395 : i32
    %add3A_26 = arith.addi %mul3A_0, %add3A_25 : i32
    "tpu.region"() ({
      %run_scoped3A = tpu.sem_alloc : memref<!tpu.dma_semaphore, #tpu.memory_space<semaphore_mem>>
      %dma_start3A = arith.constant 0 : i32
      %dma_start3A_90 = arith.constant 0 : i32
      %dma_start3A_91 = tpu.memref_slice %arg13[%dma_start3A, %dma_start3A_90] : memref<125x16xf32, #tpu.memory_space<vmem>> -> memref<79x16xf32, #tpu.memory_space<vmem>>
      %dma_start3A_92 = arith.constant 0 : i32
      %dma_start3A_93 = tpu.memref_slice %arg7[%add3A_26, %dma_start3A_92] : memref<10112x16xf32, #tpu.memory_space<vmem_shared>> -> memref<79x16xf32, #tpu.memory_space<vmem_shared>>
      %dma_start3A_94 = arith.constant 0 : i32
      %dma_start3A_95 = tpu.memref_slice %arg7[%add3A_26, %dma_start3A_94] : memref<10112x16xf32, #tpu.memory_space<vmem_shared>> -> memref<79x16xf32, #tpu.memory_space<vmem_shared>>
      %dma_start3A_96 = arith.constant 0 : i32
      %dma_start3A_97 = arith.constant 0 : i32
      %dma_start3A_98 = tpu.memref_slice %arg13[%dma_start3A_96, %dma_start3A_97] : memref<125x16xf32, #tpu.memory_space<vmem>> -> memref<79x16xf32, #tpu.memory_space<vmem>>
      tpu.enqueue_dma source(%dma_start3A_98 : memref<79x16xf32, #tpu.memory_space<vmem>>) target(%dma_start3A_95 : memref<79x16xf32, #tpu.memory_space<vmem_shared>>) target_semaphore(%run_scoped3A : memref<!tpu.dma_semaphore, #tpu.memory_space<semaphore_mem>>)
      %dma_wait3A = arith.constant 0 : i32
      %dma_wait3A_99 = arith.constant 0 : i32
      %dma_wait3A_100 = tpu.memref_slice %arg13[%dma_wait3A, %dma_wait3A_99] : memref<125x16xf32, #tpu.memory_space<vmem>> -> memref<79x16xf32, #tpu.memory_space<vmem>>
      %dma_wait3A_101 = arith.constant 0 : i32
      %dma_wait3A_102 = tpu.memref_slice %arg7[%add3A_26, %dma_wait3A_101] : memref<10112x16xf32, #tpu.memory_space<vmem_shared>> -> memref<79x16xf32, #tpu.memory_space<vmem_shared>>
      %dma_wait3A_103 = arith.constant 0 : i32
      %dma_wait3A_104 = tpu.memref_slice %arg7[%add3A_26, %dma_wait3A_103] : memref<10112x16xf32, #tpu.memory_space<vmem_shared>> -> memref<79x16xf32, #tpu.memory_space<vmem_shared>>
      %dma_wait3A_105 = arith.constant 0 : i32
      %dma_wait3A_106 = arith.constant 0 : i32
      %dma_wait3A_107 = tpu.memref_slice %arg13[%dma_wait3A_105, %dma_wait3A_106] : memref<125x16xf32, #tpu.memory_space<vmem>> -> memref<79x16xf32, #tpu.memory_space<vmem>>
      tpu.wait_dma2 semaphore(%run_scoped3A : memref<!tpu.dma_semaphore, #tpu.memory_space<semaphore_mem>>) src(%dma_wait3A_107 : memref<79x16xf32, #tpu.memory_space<vmem>>) dst(%dma_wait3A_104 : memref<79x16xf32, #tpu.memory_space<vmem_shared>>)
      tpu.yield
    }) : () -> ()
    %add3A_27 = arith.constant 395 : i32
    %add3A_28 = arith.addi %mul3A_0, %add3A_27 : i32
    "tpu.region"() ({
      %run_scoped3A = tpu.sem_alloc : memref<!tpu.dma_semaphore, #tpu.memory_space<semaphore_mem>>
      %dma_start3A = arith.constant 0 : i32
      %dma_start3A_90 = tpu.memref_slice %arg8[%add3A_28, %dma_start3A] : memref<10112x16xf32, #tpu.memory_space<vmem_shared>> -> memref<79x16xf32, #tpu.memory_space<vmem_shared>>
      %dma_start3A_91 = arith.constant 0 : i32
      %dma_start3A_92 = tpu.memref_slice %arg8[%add3A_28, %dma_start3A_91] : memref<10112x16xf32, #tpu.memory_space<vmem_shared>> -> memref<79x16xf32, #tpu.memory_space<vmem_shared>>
      tpu.enqueue_dma source(%arg14 : memref<79x16xf32, #tpu.memory_space<vmem>>) target(%dma_start3A_92 : memref<79x16xf32, #tpu.memory_space<vmem_shared>>) target_semaphore(%run_scoped3A : memref<!tpu.dma_semaphore, #tpu.memory_space<semaphore_mem>>)
      %dma_wait3A = arith.constant 0 : i32
      %dma_wait3A_93 = tpu.memref_slice %arg8[%add3A_28, %dma_wait3A] : memref<10112x16xf32, #tpu.memory_space<vmem_shared>> -> memref<79x16xf32, #tpu.memory_space<vmem_shared>>
      %dma_wait3A_94 = arith.constant 0 : i32
      %dma_wait3A_95 = tpu.memref_slice %arg8[%add3A_28, %dma_wait3A_94] : memref<10112x16xf32, #tpu.memory_space<vmem_shared>> -> memref<79x16xf32, #tpu.memory_space<vmem_shared>>
      tpu.wait_dma2 semaphore(%run_scoped3A : memref<!tpu.dma_semaphore, #tpu.memory_space<semaphore_mem>>) src(%arg14 : memref<79x16xf32, #tpu.memory_space<vmem>>) dst(%dma_wait3A_95 : memref<79x16xf32, #tpu.memory_space<vmem_shared>>)
      tpu.yield
    }) : () -> ()
    %add3A_29 = arith.constant 474 : i32
    %add3A_30 = arith.addi %mul3A_0, %add3A_29 : i32
    "tpu.region"() ({
      %run_scoped3A = tpu.sem_alloc : memref<!tpu.dma_semaphore, #tpu.memory_space<semaphore_mem>>
      %dma_start3A = arith.constant 0 : i32
      %dma_start3A_90 = arith.constant 0 : i32
      %dma_start3A_91 = tpu.memref_slice %arg13[%dma_start3A, %dma_start3A_90] : memref<125x16xf32, #tpu.memory_space<vmem>> -> memref<79x16xf32, #tpu.memory_space<vmem>>
      %dma_start3A_92 = arith.constant 0 : i32
      %dma_start3A_93 = tpu.memref_slice %arg7[%add3A_30, %dma_start3A_92] : memref<10112x16xf32, #tpu.memory_space<vmem_shared>> -> memref<79x16xf32, #tpu.memory_space<vmem_shared>>
      %dma_start3A_94 = arith.constant 0 : i32
      %dma_start3A_95 = tpu.memref_slice %arg7[%add3A_30, %dma_start3A_94] : memref<10112x16xf32, #tpu.memory_space<vmem_shared>> -> memref<79x16xf32, #tpu.memory_space<vmem_shared>>
      %dma_start3A_96 = arith.constant 0 : i32
      %dma_start3A_97 = arith.constant 0 : i32
      %dma_start3A_98 = tpu.memref_slice %arg13[%dma_start3A_96, %dma_start3A_97] : memref<125x16xf32, #tpu.memory_space<vmem>> -> memref<79x16xf32, #tpu.memory_space<vmem>>
      tpu.enqueue_dma source(%dma_start3A_98 : memref<79x16xf32, #tpu.memory_space<vmem>>) target(%dma_start3A_95 : memref<79x16xf32, #tpu.memory_space<vmem_shared>>) target_semaphore(%run_scoped3A : memref<!tpu.dma_semaphore, #tpu.memory_space<semaphore_mem>>)
      %dma_wait3A = arith.constant 0 : i32
      %dma_wait3A_99 = arith.constant 0 : i32
      %dma_wait3A_100 = tpu.memref_slice %arg13[%dma_wait3A, %dma_wait3A_99] : memref<125x16xf32, #tpu.memory_space<vmem>> -> memref<79x16xf32, #tpu.memory_space<vmem>>
      %dma_wait3A_101 = arith.constant 0 : i32
      %dma_wait3A_102 = tpu.memref_slice %arg7[%add3A_30, %dma_wait3A_101] : memref<10112x16xf32, #tpu.memory_space<vmem_shared>> -> memref<79x16xf32, #tpu.memory_space<vmem_shared>>
      %dma_wait3A_103 = arith.constant 0 : i32
      %dma_wait3A_104 = tpu.memref_slice %arg7[%add3A_30, %dma_wait3A_103] : memref<10112x16xf32, #tpu.memory_space<vmem_shared>> -> memref<79x16xf32, #tpu.memory_space<vmem_shared>>
      %dma_wait3A_105 = arith.constant 0 : i32
      %dma_wait3A_106 = arith.constant 0 : i32
      %dma_wait3A_107 = tpu.memref_slice %arg13[%dma_wait3A_105, %dma_wait3A_106] : memref<125x16xf32, #tpu.memory_space<vmem>> -> memref<79x16xf32, #tpu.memory_space<vmem>>
      tpu.wait_dma2 semaphore(%run_scoped3A : memref<!tpu.dma_semaphore, #tpu.memory_space<semaphore_mem>>) src(%dma_wait3A_107 : memref<79x16xf32, #tpu.memory_space<vmem>>) dst(%dma_wait3A_104 : memref<79x16xf32, #tpu.memory_space<vmem_shared>>)
      tpu.yield
    }) : () -> ()
    %add3A_31 = arith.constant 474 : i32
    %add3A_32 = arith.addi %mul3A_0, %add3A_31 : i32
    "tpu.region"() ({
      %run_scoped3A = tpu.sem_alloc : memref<!tpu.dma_semaphore, #tpu.memory_space<semaphore_mem>>
      %dma_start3A = arith.constant 0 : i32
      %dma_start3A_90 = tpu.memref_slice %arg8[%add3A_32, %dma_start3A] : memref<10112x16xf32, #tpu.memory_space<vmem_shared>> -> memref<79x16xf32, #tpu.memory_space<vmem_shared>>
      %dma_start3A_91 = arith.constant 0 : i32
      %dma_start3A_92 = tpu.memref_slice %arg8[%add3A_32, %dma_start3A_91] : memref<10112x16xf32, #tpu.memory_space<vmem_shared>> -> memref<79x16xf32, #tpu.memory_space<vmem_shared>>
      tpu.enqueue_dma source(%arg14 : memref<79x16xf32, #tpu.memory_space<vmem>>) target(%dma_start3A_92 : memref<79x16xf32, #tpu.memory_space<vmem_shared>>) target_semaphore(%run_scoped3A : memref<!tpu.dma_semaphore, #tpu.memory_space<semaphore_mem>>)
      %dma_wait3A = arith.constant 0 : i32
      %dma_wait3A_93 = tpu.memref_slice %arg8[%add3A_32, %dma_wait3A] : memref<10112x16xf32, #tpu.memory_space<vmem_shared>> -> memref<79x16xf32, #tpu.memory_space<vmem_shared>>
      %dma_wait3A_94 = arith.constant 0 : i32
      %dma_wait3A_95 = tpu.memref_slice %arg8[%add3A_32, %dma_wait3A_94] : memref<10112x16xf32, #tpu.memory_space<vmem_shared>> -> memref<79x16xf32, #tpu.memory_space<vmem_shared>>
      tpu.wait_dma2 semaphore(%run_scoped3A : memref<!tpu.dma_semaphore, #tpu.memory_space<semaphore_mem>>) src(%arg14 : memref<79x16xf32, #tpu.memory_space<vmem>>) dst(%dma_wait3A_95 : memref<79x16xf32, #tpu.memory_space<vmem_shared>>)
      tpu.yield
    }) : () -> ()
    %add3A_33 = arith.constant 553 : i32
    %add3A_34 = arith.addi %mul3A_0, %add3A_33 : i32
    "tpu.region"() ({
      %run_scoped3A = tpu.sem_alloc : memref<!tpu.dma_semaphore, #tpu.memory_space<semaphore_mem>>
      %dma_start3A = arith.constant 0 : i32
      %dma_start3A_90 = arith.constant 0 : i32
      %dma_start3A_91 = tpu.memref_slice %arg13[%dma_start3A, %dma_start3A_90] : memref<125x16xf32, #tpu.memory_space<vmem>> -> memref<79x16xf32, #tpu.memory_space<vmem>>
      %dma_start3A_92 = arith.constant 0 : i32
      %dma_start3A_93 = tpu.memref_slice %arg7[%add3A_34, %dma_start3A_92] : memref<10112x16xf32, #tpu.memory_space<vmem_shared>> -> memref<79x16xf32, #tpu.memory_space<vmem_shared>>
      %dma_start3A_94 = arith.constant 0 : i32
      %dma_start3A_95 = tpu.memref_slice %arg7[%add3A_34, %dma_start3A_94] : memref<10112x16xf32, #tpu.memory_space<vmem_shared>> -> memref<79x16xf32, #tpu.memory_space<vmem_shared>>
      %dma_start3A_96 = arith.constant 0 : i32
      %dma_start3A_97 = arith.constant 0 : i32
      %dma_start3A_98 = tpu.memref_slice %arg13[%dma_start3A_96, %dma_start3A_97] : memref<125x16xf32, #tpu.memory_space<vmem>> -> memref<79x16xf32, #tpu.memory_space<vmem>>
      tpu.enqueue_dma source(%dma_start3A_98 : memref<79x16xf32, #tpu.memory_space<vmem>>) target(%dma_start3A_95 : memref<79x16xf32, #tpu.memory_space<vmem_shared>>) target_semaphore(%run_scoped3A : memref<!tpu.dma_semaphore, #tpu.memory_space<semaphore_mem>>)
      %dma_wait3A = arith.constant 0 : i32
      %dma_wait3A_99 = arith.constant 0 : i32
      %dma_wait3A_100 = tpu.memref_slice %arg13[%dma_wait3A, %dma_wait3A_99] : memref<125x16xf32, #tpu.memory_space<vmem>> -> memref<79x16xf32, #tpu.memory_space<vmem>>
      %dma_wait3A_101 = arith.constant 0 : i32
      %dma_wait3A_102 = tpu.memref_slice %arg7[%add3A_34, %dma_wait3A_101] : memref<10112x16xf32, #tpu.memory_space<vmem_shared>> -> memref<79x16xf32, #tpu.memory_space<vmem_shared>>
      %dma_wait3A_103 = arith.constant 0 : i32
      %dma_wait3A_104 = tpu.memref_slice %arg7[%add3A_34, %dma_wait3A_103] : memref<10112x16xf32, #tpu.memory_space<vmem_shared>> -> memref<79x16xf32, #tpu.memory_space<vmem_shared>>
      %dma_wait3A_105 = arith.constant 0 : i32
      %dma_wait3A_106 = arith.constant 0 : i32
      %dma_wait3A_107 = tpu.memref_slice %arg13[%dma_wait3A_105, %dma_wait3A_106] : memref<125x16xf32, #tpu.memory_space<vmem>> -> memref<79x16xf32, #tpu.memory_space<vmem>>
      tpu.wait_dma2 semaphore(%run_scoped3A : memref<!tpu.dma_semaphore, #tpu.memory_space<semaphore_mem>>) src(%dma_wait3A_107 : memref<79x16xf32, #tpu.memory_space<vmem>>) dst(%dma_wait3A_104 : memref<79x16xf32, #tpu.memory_space<vmem_shared>>)
      tpu.yield
    }) : () -> ()
    %add3A_35 = arith.constant 553 : i32
    %add3A_36 = arith.addi %mul3A_0, %add3A_35 : i32
    "tpu.region"() ({
      %run_scoped3A = tpu.sem_alloc : memref<!tpu.dma_semaphore, #tpu.memory_space<semaphore_mem>>
      %dma_start3A = arith.constant 0 : i32
      %dma_start3A_90 = tpu.memref_slice %arg8[%add3A_36, %dma_start3A] : memref<10112x16xf32, #tpu.memory_space<vmem_shared>> -> memref<79x16xf32, #tpu.memory_space<vmem_shared>>
      %dma_start3A_91 = arith.constant 0 : i32
      %dma_start3A_92 = tpu.memref_slice %arg8[%add3A_36, %dma_start3A_91] : memref<10112x16xf32, #tpu.memory_space<vmem_shared>> -> memref<79x16xf32, #tpu.memory_space<vmem_shared>>
      tpu.enqueue_dma source(%arg14 : memref<79x16xf32, #tpu.memory_space<vmem>>) target(%dma_start3A_92 : memref<79x16xf32, #tpu.memory_space<vmem_shared>>) target_semaphore(%run_scoped3A : memref<!tpu.dma_semaphore, #tpu.memory_space<semaphore_mem>>)
      %dma_wait3A = arith.constant 0 : i32
      %dma_wait3A_93 = tpu.memref_slice %arg8[%add3A_36, %dma_wait3A] : memref<10112x16xf32, #tpu.memory_space<vmem_shared>> -> memref<79x16xf32, #tpu.memory_space<vmem_shared>>
      %dma_wait3A_94 = arith.constant 0 : i32
      %dma_wait3A_95 = tpu.memref_slice %arg8[%add3A_36, %dma_wait3A_94] : memref<10112x16xf32, #tpu.memory_space<vmem_shared>> -> memref<79x16xf32, #tpu.memory_space<vmem_shared>>
      tpu.wait_dma2 semaphore(%run_scoped3A : memref<!tpu.dma_semaphore, #tpu.memory_space<semaphore_mem>>) src(%arg14 : memref<79x16xf32, #tpu.memory_space<vmem>>) dst(%dma_wait3A_95 : memref<79x16xf32, #tpu.memory_space<vmem_shared>>)
      tpu.yield
    }) : () -> ()
    %barrier3A = arith.constant 0 : index
    tpu.barrier barrier_id(%barrier3A)
    %scan3A = arith.constant 0 : i32
    %scan3A_37 = arith.constant 0 : i32
    %scan3A_38 = arith.constant 160 : i32
    %scan3A_39 = arith.addi %scan3A_37, %scan3A_38 : i32
    %scan3A_40 = arith.constant 1 : i32
    scf.for %scan3A_90 = %scan3A_37 to %scan3A_39 step %scan3A_40  : i32 {
      %lt3A = arith.constant 8 : i32
      %lt3A_91 = arith.cmpi slt, %arg1, %lt3A : i32
      %convert_element_type3A_92 = arith.extui %lt3A_91 : i1 to i32
      %cond3A_93 = arith.constant 0 : i32
      %cond3A_94 = arith.cmpi ne, %convert_element_type3A_92, %cond3A_93 : i32
      scf.if %cond3A_94 {
        "tpu.region"() ({
          %run_scoped3A = tpu.sem_alloc : memref<!tpu.dma_semaphore, #tpu.memory_space<semaphore_mem>>
          %dma_start3A = arith.constant 0 : i32
          %dma_start3A_99 = tpu.memref_slice %arg10[%scan3A_90, %dma_start3A] : memref<160x125xi32, #tpu.memory_space<vmem>> -> memref<1x125xi32, #tpu.memory_space<vmem>>
          %dma_start3A_100 = tpu.memref_squeeze %dma_start3A_99 : memref<1x125xi32, #tpu.memory_space<vmem>> -> memref<125xi32, #tpu.memory_space<vmem>>
          %dma_start3A_101 = arith.constant 0 : i32
          %dma_start3A_102 = arith.constant 0 : i32
          %dma_start3A_103 = tpu.memref_slice %arg7[%dma_start3A_101, %dma_start3A_102] : memref<10112x16xf32, #tpu.memory_space<vmem_shared>> -> memref<10112x16xf32, #tpu.memory_space<vmem_shared>>
          tpu.enqueue_indirect_dma source(%arg13 : memref<125x16xf32, #tpu.memory_space<vmem>>) target(%dma_start3A_103 : memref<10112x16xf32, #tpu.memory_space<vmem_shared>>) offsets(%dma_start3A_100 : memref<125xi32, #tpu.memory_space<vmem>>) semaphore(%run_scoped3A : memref<!tpu.dma_semaphore, #tpu.memory_space<semaphore_mem>>) {add = true}
          %dma_wait3A = arith.constant 0 : i32
          %dma_wait3A_104 = tpu.memref_slice %arg10[%scan3A_90, %dma_wait3A] : memref<160x125xi32, #tpu.memory_space<vmem>> -> memref<1x125xi32, #tpu.memory_space<vmem>>
          %dma_wait3A_105 = tpu.memref_squeeze %dma_wait3A_104 : memref<1x125xi32, #tpu.memory_space<vmem>> -> memref<125xi32, #tpu.memory_space<vmem>>
          %dma_wait3A_106 = arith.constant 0 : i32
          %dma_wait3A_107 = arith.constant 0 : i32
          %dma_wait3A_108 = tpu.memref_slice %arg7[%dma_wait3A_106, %dma_wait3A_107] : memref<10112x16xf32, #tpu.memory_space<vmem_shared>> -> memref<10112x16xf32, #tpu.memory_space<vmem_shared>>
          tpu.wait_indirect_dma semaphore(%run_scoped3A : memref<!tpu.dma_semaphore, #tpu.memory_space<semaphore_mem>>) src(%arg13 : memref<125x16xf32, #tpu.memory_space<vmem>>) dst(%dma_wait3A_108 : memref<10112x16xf32, #tpu.memory_space<vmem_shared>>)
          tpu.yield
        }) : () -> ()
      } else {
      }
      %ge3A = arith.constant 8 : i32
      %ge3A_95 = arith.cmpi sge, %arg1, %ge3A : i32
      %convert_element_type3A_96 = arith.extui %ge3A_95 : i1 to i32
      %cond3A_97 = arith.constant 0 : i32
      %cond3A_98 = arith.cmpi ne, %convert_element_type3A_96, %cond3A_97 : i32
      scf.if %cond3A_98 {
        "tpu.region"() ({
          %run_scoped3A = tpu.sem_alloc : memref<!tpu.dma_semaphore, #tpu.memory_space<semaphore_mem>>
          %dma_start3A = arith.constant 0 : i32
          %dma_start3A_99 = tpu.memref_slice %arg10[%scan3A_90, %dma_start3A] : memref<160x125xi32, #tpu.memory_space<vmem>> -> memref<1x125xi32, #tpu.memory_space<vmem>>
          %dma_start3A_100 = tpu.memref_squeeze %dma_start3A_99 : memref<1x125xi32, #tpu.memory_space<vmem>> -> memref<125xi32, #tpu.memory_space<vmem>>
          %dma_start3A_101 = arith.constant 0 : i32
          %dma_start3A_102 = arith.constant 0 : i32
          %dma_start3A_103 = tpu.memref_slice %arg8[%dma_start3A_101, %dma_start3A_102] : memref<10112x16xf32, #tpu.memory_space<vmem_shared>> -> memref<10112x16xf32, #tpu.memory_space<vmem_shared>>
          tpu.enqueue_indirect_dma source(%arg13 : memref<125x16xf32, #tpu.memory_space<vmem>>) target(%dma_start3A_103 : memref<10112x16xf32, #tpu.memory_space<vmem_shared>>) offsets(%dma_start3A_100 : memref<125xi32, #tpu.memory_space<vmem>>) semaphore(%run_scoped3A : memref<!tpu.dma_semaphore, #tpu.memory_space<semaphore_mem>>) {add = true}
          %dma_wait3A = arith.constant 0 : i32
          %dma_wait3A_104 = tpu.memref_slice %arg10[%scan3A_90, %dma_wait3A] : memref<160x125xi32, #tpu.memory_space<vmem>> -> memref<1x125xi32, #tpu.memory_space<vmem>>
          %dma_wait3A_105 = tpu.memref_squeeze %dma_wait3A_104 : memref<1x125xi32, #tpu.memory_space<vmem>> -> memref<125xi32, #tpu.memory_space<vmem>>
          %dma_wait3A_106 = arith.constant 0 : i32
          %dma_wait3A_107 = arith.constant 0 : i32
          %dma_wait3A_108 = tpu.memref_slice %arg8[%dma_wait3A_106, %dma_wait3A_107] : memref<10112x16xf32, #tpu.memory_space<vmem_shared>> -> memref<10112x16xf32, #tpu.memory_space<vmem_shared>>
          tpu.wait_indirect_dma semaphore(%run_scoped3A : memref<!tpu.dma_semaphore, #tpu.memory_space<semaphore_mem>>) src(%arg13 : memref<125x16xf32, #tpu.memory_space<vmem>>) dst(%dma_wait3A_108 : memref<10112x16xf32, #tpu.memory_space<vmem_shared>>)
          tpu.yield
        }) : () -> ()
      } else {
      }
    }
    %scan3A_41 = arith.constant 160 : i32
    %barrier3A_42 = arith.constant 0 : index
    tpu.barrier barrier_id(%barrier3A_42)
    "tpu.region"() ({
      %run_scoped3A = tpu.sem_alloc : memref<!tpu.dma_semaphore, #tpu.memory_space<semaphore_mem>>
      %dma_start3A = arith.constant 0 : i32
      %dma_start3A_90 = tpu.memref_slice %arg7[%mul3A_0, %dma_start3A] : memref<10112x16xf32, #tpu.memory_space<vmem_shared>> -> memref<632x16xf32, #tpu.memory_space<vmem_shared>>
      %dma_start3A_91 = arith.constant 0 : i32
      %dma_start3A_92 = tpu.memref_slice %arg7[%mul3A_0, %dma_start3A_91] : memref<10112x16xf32, #tpu.memory_space<vmem_shared>> -> memref<632x16xf32, #tpu.memory_space<vmem_shared>>
      tpu.enqueue_dma source(%dma_start3A_92 : memref<632x16xf32, #tpu.memory_space<vmem_shared>>) target(%arg15 : memref<632x16xf32, #tpu.memory_space<vmem>>) target_semaphore(%run_scoped3A : memref<!tpu.dma_semaphore, #tpu.memory_space<semaphore_mem>>)
      %dma_wait3A = arith.constant 0 : i32
      %dma_wait3A_93 = tpu.memref_slice %arg7[%mul3A_0, %dma_wait3A] : memref<10112x16xf32, #tpu.memory_space<vmem_shared>> -> memref<632x16xf32, #tpu.memory_space<vmem_shared>>
      %dma_wait3A_94 = arith.constant 0 : i32
      %dma_wait3A_95 = tpu.memref_slice %arg7[%mul3A_0, %dma_wait3A_94] : memref<10112x16xf32, #tpu.memory_space<vmem_shared>> -> memref<632x16xf32, #tpu.memory_space<vmem_shared>>
      tpu.wait_dma2 semaphore(%run_scoped3A : memref<!tpu.dma_semaphore, #tpu.memory_space<semaphore_mem>>) src(%dma_wait3A_95 : memref<632x16xf32, #tpu.memory_space<vmem_shared>>) dst(%arg15 : memref<632x16xf32, #tpu.memory_space<vmem>>)
      tpu.yield
    }) : () -> ()
    "tpu.region"() ({
      %run_scoped3A = tpu.sem_alloc : memref<!tpu.dma_semaphore, #tpu.memory_space<semaphore_mem>>
      %dma_start3A = arith.constant 0 : i32
      %dma_start3A_90 = tpu.memref_slice %arg8[%mul3A_0, %dma_start3A] : memref<10112x16xf32, #tpu.memory_space<vmem_shared>> -> memref<632x16xf32, #tpu.memory_space<vmem_shared>>
      %dma_start3A_91 = arith.constant 0 : i32
      %dma_start3A_92 = tpu.memref_slice %arg8[%mul3A_0, %dma_start3A_91] : memref<10112x16xf32, #tpu.memory_space<vmem_shared>> -> memref<632x16xf32, #tpu.memory_space<vmem_shared>>
      tpu.enqueue_dma source(%dma_start3A_92 : memref<632x16xf32, #tpu.memory_space<vmem_shared>>) target(%arg19 : memref<632x16xf32, #tpu.memory_space<vmem>>) target_semaphore(%run_scoped3A : memref<!tpu.dma_semaphore, #tpu.memory_space<semaphore_mem>>)
      %dma_wait3A = arith.constant 0 : i32
      %dma_wait3A_93 = tpu.memref_slice %arg8[%mul3A_0, %dma_wait3A] : memref<10112x16xf32, #tpu.memory_space<vmem_shared>> -> memref<632x16xf32, #tpu.memory_space<vmem_shared>>
      %dma_wait3A_94 = arith.constant 0 : i32
      %dma_wait3A_95 = tpu.memref_slice %arg8[%mul3A_0, %dma_wait3A_94] : memref<10112x16xf32, #tpu.memory_space<vmem_shared>> -> memref<632x16xf32, #tpu.memory_space<vmem_shared>>
      tpu.wait_dma2 semaphore(%run_scoped3A : memref<!tpu.dma_semaphore, #tpu.memory_space<semaphore_mem>>) src(%dma_wait3A_95 : memref<632x16xf32, #tpu.memory_space<vmem_shared>>) dst(%arg19 : memref<632x16xf32, #tpu.memory_space<vmem>>)
      tpu.yield
    }) : () -> ()
    %parallel_loop3A_43 = arith.constant 0 : i32
    %parallel_loop3A_44 = arith.constant 632 : i32
    %parallel_loop3A_45 = arith.constant 1 : i32
    scf.for %parallel_loop3A_90 = %parallel_loop3A_43 to %parallel_loop3A_44 step %parallel_loop3A_45  : i32 {
      %parallel_loop3A_91 = arith.index_cast %parallel_loop3A_90 : i32 to index
      %parallel_loop3A_92 = arith.constant 0 : index
      %parallel_loop3A_93 = tpu.vector_load %arg15[%parallel_loop3A_91, %parallel_loop3A_92] {strides = array<i32>} : memref<632x16xf32, #tpu.memory_space<vmem>>, vector<1x16xf32>,
      %parallel_loop3A_94 = vector.shape_cast %parallel_loop3A_93 : vector<1x16xf32> to vector<16xf32>
      %parallel_loop3A_95 = arith.index_cast %parallel_loop3A_90 : i32 to index
      %parallel_loop3A_96 = arith.constant 0 : index
      %parallel_loop3A_97 = tpu.vector_load %arg19[%parallel_loop3A_95, %parallel_loop3A_96] {strides = array<i32>} : memref<632x16xf32, #tpu.memory_space<vmem>>, vector<1x16xf32>,
      %parallel_loop3A_98 = vector.shape_cast %parallel_loop3A_97 : vector<1x16xf32> to vector<16xf32>
      %parallel_loop3A_99 = arith.addf %parallel_loop3A_94, %parallel_loop3A_98 : vector<16xf32>
      %parallel_loop3A_100 = arith.constant 1.000000e+00 : f32
      %parallel_loop3A_101 = vector.broadcast %parallel_loop3A_100 : f32 to vector<16xf32>
      %parallel_loop3A_102 = arith.addf %parallel_loop3A_101, %parallel_loop3A_99 : vector<16xf32>
      %parallel_loop3A_103 = arith.constant 5.000000e-01 : f32
      %parallel_loop3A_104 = vector.broadcast %parallel_loop3A_103 : f32 to vector<16xf32>
      %parallel_loop3A_105 = arith.mulf %parallel_loop3A_104, %parallel_loop3A_102 : vector<16xf32>
      %parallel_loop3A_106 = arith.divf %parallel_loop3A_99, %parallel_loop3A_105 : vector<16xf32>
      %parallel_loop3A_107 = arith.addf %parallel_loop3A_105, %parallel_loop3A_106 : vector<16xf32>
      %parallel_loop3A_108 = arith.constant 5.000000e-01 : f32
      %parallel_loop3A_109 = vector.broadcast %parallel_loop3A_108 : f32 to vector<16xf32>
      %parallel_loop3A_110 = arith.mulf %parallel_loop3A_109, %parallel_loop3A_107 : vector<16xf32>
      %parallel_loop3A_111 = arith.divf %parallel_loop3A_99, %parallel_loop3A_110 : vector<16xf32>
      %parallel_loop3A_112 = arith.addf %parallel_loop3A_110, %parallel_loop3A_111 : vector<16xf32>
      %parallel_loop3A_113 = arith.constant 5.000000e-01 : f32
      %parallel_loop3A_114 = vector.broadcast %parallel_loop3A_113 : f32 to vector<16xf32>
      %parallel_loop3A_115 = arith.mulf %parallel_loop3A_114, %parallel_loop3A_112 : vector<16xf32>
      %parallel_loop3A_116 = arith.divf %parallel_loop3A_99, %parallel_loop3A_115 : vector<16xf32>
      %parallel_loop3A_117 = arith.addf %parallel_loop3A_115, %parallel_loop3A_116 : vector<16xf32>
      %parallel_loop3A_118 = arith.constant 5.000000e-01 : f32
      %parallel_loop3A_119 = vector.broadcast %parallel_loop3A_118 : f32 to vector<16xf32>
      %parallel_loop3A_120 = arith.mulf %parallel_loop3A_119, %parallel_loop3A_117 : vector<16xf32>
      %parallel_loop3A_121 = arith.divf %parallel_loop3A_99, %parallel_loop3A_120 : vector<16xf32>
      %parallel_loop3A_122 = arith.addf %parallel_loop3A_120, %parallel_loop3A_121 : vector<16xf32>
      %parallel_loop3A_123 = arith.constant 5.000000e-01 : f32
      %parallel_loop3A_124 = vector.broadcast %parallel_loop3A_123 : f32 to vector<16xf32>
      %parallel_loop3A_125 = arith.mulf %parallel_loop3A_124, %parallel_loop3A_122 : vector<16xf32>
      %parallel_loop3A_126 = arith.divf %parallel_loop3A_99, %parallel_loop3A_125 : vector<16xf32>
      %parallel_loop3A_127 = arith.addf %parallel_loop3A_125, %parallel_loop3A_126 : vector<16xf32>
      %parallel_loop3A_128 = arith.constant 5.000000e-01 : f32
      %parallel_loop3A_129 = vector.broadcast %parallel_loop3A_128 : f32 to vector<16xf32>
      %parallel_loop3A_130 = arith.mulf %parallel_loop3A_129, %parallel_loop3A_127 : vector<16xf32>
      %parallel_loop3A_131 = arith.divf %parallel_loop3A_99, %parallel_loop3A_130 : vector<16xf32>
      %parallel_loop3A_132 = arith.addf %parallel_loop3A_130, %parallel_loop3A_131 : vector<16xf32>
      %parallel_loop3A_133 = arith.constant 5.000000e-01 : f32
      %parallel_loop3A_134 = vector.broadcast %parallel_loop3A_133 : f32 to vector<16xf32>
      %parallel_loop3A_135 = arith.mulf %parallel_loop3A_134, %parallel_loop3A_132 : vector<16xf32>
      %parallel_loop3A_136 = arith.divf %parallel_loop3A_99, %parallel_loop3A_135 : vector<16xf32>
      %parallel_loop3A_137 = arith.addf %parallel_loop3A_135, %parallel_loop3A_136 : vector<16xf32>
      %parallel_loop3A_138 = arith.constant 5.000000e-01 : f32
      %parallel_loop3A_139 = vector.broadcast %parallel_loop3A_138 : f32 to vector<16xf32>
      %parallel_loop3A_140 = arith.mulf %parallel_loop3A_139, %parallel_loop3A_137 : vector<16xf32>
      %parallel_loop3A_141 = arith.divf %parallel_loop3A_99, %parallel_loop3A_140 : vector<16xf32>
      %parallel_loop3A_142 = arith.addf %parallel_loop3A_140, %parallel_loop3A_141 : vector<16xf32>
      %parallel_loop3A_143 = arith.constant 5.000000e-01 : f32
      %parallel_loop3A_144 = vector.broadcast %parallel_loop3A_143 : f32 to vector<16xf32>
      %parallel_loop3A_145 = arith.mulf %parallel_loop3A_144, %parallel_loop3A_142 : vector<16xf32>
      %parallel_loop3A_146 = arith.divf %parallel_loop3A_99, %parallel_loop3A_145 : vector<16xf32>
      %parallel_loop3A_147 = arith.addf %parallel_loop3A_145, %parallel_loop3A_146 : vector<16xf32>
      %parallel_loop3A_148 = arith.constant 5.000000e-01 : f32
      %parallel_loop3A_149 = vector.broadcast %parallel_loop3A_148 : f32 to vector<16xf32>
      %parallel_loop3A_150 = arith.mulf %parallel_loop3A_149, %parallel_loop3A_147 : vector<16xf32>
      %parallel_loop3A_151 = arith.constant 1.000000e+00 : f32
      %parallel_loop3A_152 = vector.broadcast %parallel_loop3A_151 : f32 to vector<16xf32>
      %parallel_loop3A_153 = arith.divf %parallel_loop3A_152, %parallel_loop3A_150 : vector<16xf32>
      %parallel_loop3A_154 = arith.index_cast %parallel_loop3A_90 : i32 to index
      %parallel_loop3A_155 = arith.constant 0 : index
      %parallel_loop3A_156 = tpu.vector_load %arg18[%parallel_loop3A_154, %parallel_loop3A_155] {strides = array<i32>} : memref<632x16xf32, #tpu.memory_space<vmem>>, vector<1x16xf32>,
      %parallel_loop3A_157 = vector.shape_cast %parallel_loop3A_156 : vector<1x16xf32> to vector<16xf32>
      %parallel_loop3A_158 = vector.shape_cast %parallel_loop3A_153 : vector<16xf32> to vector<1x16xf32>
      tpu.vector_store %arg18[%parallel_loop3A_154, %parallel_loop3A_155], %parallel_loop3A_158 {strides = array<i32>} : memref<632x16xf32, #tpu.memory_space<vmem>>, vector<1x16xf32>,
      %parallel_loop3A_159 = arith.constant 0.899999976 : f32
      %parallel_loop3A_160 = vector.broadcast %parallel_loop3A_159 : f32 to vector<16xf32>
      %parallel_loop3A_161 = arith.mulf %parallel_loop3A_160, %parallel_loop3A_153 : vector<16xf32>
      %parallel_loop3A_162 = arith.mulf %parallel_loop3A_161, %parallel_loop3A_153 : vector<16xf32>
      %parallel_loop3A_163 = arith.index_cast %parallel_loop3A_90 : i32 to index
      %parallel_loop3A_164 = arith.constant 0 : index
      %parallel_loop3A_165 = tpu.vector_load %arg16[%parallel_loop3A_163, %parallel_loop3A_164] {strides = array<i32>} : memref<632x16xf32, #tpu.memory_space<vmem>>, vector<1x16xf32>,
      %parallel_loop3A_166 = vector.shape_cast %parallel_loop3A_165 : vector<1x16xf32> to vector<16xf32>
      %parallel_loop3A_167 = vector.shape_cast %parallel_loop3A_162 : vector<16xf32> to vector<1x16xf32>
      tpu.vector_store %arg16[%parallel_loop3A_163, %parallel_loop3A_164], %parallel_loop3A_167 {strides = array<i32>} : memref<632x16xf32, #tpu.memory_space<vmem>>, vector<1x16xf32>,
    } {sc.loop_unroll_factor = 4 : i64, sc.parallel_access}
    %add3A_46 = arith.constant 0 : i32
    %add3A_47 = arith.addi %mul3A_0, %add3A_46 : i32
    "tpu.region"() ({
      %run_scoped3A = tpu.sem_alloc : memref<!tpu.dma_semaphore, #tpu.memory_space<semaphore_mem>>
      %dma_start3A = arith.constant 0 : i32
      %dma_start3A_90 = tpu.memref_slice %arg7[%add3A_47, %dma_start3A] : memref<10112x16xf32, #tpu.memory_space<vmem_shared>> -> memref<79x16xf32, #tpu.memory_space<vmem_shared>>
      %dma_start3A_91 = arith.constant 0 : i32
      %dma_start3A_92 = tpu.memref_slice %arg7[%add3A_47, %dma_start3A_91] : memref<10112x16xf32, #tpu.memory_space<vmem_shared>> -> memref<79x16xf32, #tpu.memory_space<vmem_shared>>
      tpu.enqueue_dma source(%arg14 : memref<79x16xf32, #tpu.memory_space<vmem>>) target(%dma_start3A_92 : memref<79x16xf32, #tpu.memory_space<vmem_shared>>) target_semaphore(%run_scoped3A : memref<!tpu.dma_semaphore, #tpu.memory_space<semaphore_mem>>)
      %dma_wait3A = arith.constant 0 : i32
      %dma_wait3A_93 = tpu.memref_slice %arg7[%add3A_47, %dma_wait3A] : memref<10112x16xf32, #tpu.memory_space<vmem_shared>> -> memref<79x16xf32, #tpu.memory_space<vmem_shared>>
      %dma_wait3A_94 = arith.constant 0 : i32
      %dma_wait3A_95 = tpu.memref_slice %arg7[%add3A_47, %dma_wait3A_94] : memref<10112x16xf32, #tpu.memory_space<vmem_shared>> -> memref<79x16xf32, #tpu.memory_space<vmem_shared>>
      tpu.wait_dma2 semaphore(%run_scoped3A : memref<!tpu.dma_semaphore, #tpu.memory_space<semaphore_mem>>) src(%arg14 : memref<79x16xf32, #tpu.memory_space<vmem>>) dst(%dma_wait3A_95 : memref<79x16xf32, #tpu.memory_space<vmem_shared>>)
      tpu.yield
    }) : () -> ()
    %add3A_48 = arith.constant 0 : i32
    %add3A_49 = arith.addi %mul3A_0, %add3A_48 : i32
    "tpu.region"() ({
      %run_scoped3A = tpu.sem_alloc : memref<!tpu.dma_semaphore, #tpu.memory_space<semaphore_mem>>
      %dma_start3A = arith.constant 0 : i32
      %dma_start3A_90 = tpu.memref_slice %arg8[%add3A_49, %dma_start3A] : memref<10112x16xf32, #tpu.memory_space<vmem_shared>> -> memref<79x16xf32, #tpu.memory_space<vmem_shared>>
      %dma_start3A_91 = arith.constant 0 : i32
      %dma_start3A_92 = tpu.memref_slice %arg8[%add3A_49, %dma_start3A_91] : memref<10112x16xf32, #tpu.memory_space<vmem_shared>> -> memref<79x16xf32, #tpu.memory_space<vmem_shared>>
      tpu.enqueue_dma source(%arg14 : memref<79x16xf32, #tpu.memory_space<vmem>>) target(%dma_start3A_92 : memref<79x16xf32, #tpu.memory_space<vmem_shared>>) target_semaphore(%run_scoped3A : memref<!tpu.dma_semaphore, #tpu.memory_space<semaphore_mem>>)
      %dma_wait3A = arith.constant 0 : i32
      %dma_wait3A_93 = tpu.memref_slice %arg8[%add3A_49, %dma_wait3A] : memref<10112x16xf32, #tpu.memory_space<vmem_shared>> -> memref<79x16xf32, #tpu.memory_space<vmem_shared>>
      %dma_wait3A_94 = arith.constant 0 : i32
      %dma_wait3A_95 = tpu.memref_slice %arg8[%add3A_49, %dma_wait3A_94] : memref<10112x16xf32, #tpu.memory_space<vmem_shared>> -> memref<79x16xf32, #tpu.memory_space<vmem_shared>>
      tpu.wait_dma2 semaphore(%run_scoped3A : memref<!tpu.dma_semaphore, #tpu.memory_space<semaphore_mem>>) src(%arg14 : memref<79x16xf32, #tpu.memory_space<vmem>>) dst(%dma_wait3A_95 : memref<79x16xf32, #tpu.memory_space<vmem_shared>>)
      tpu.yield
    }) : () -> ()
    %add3A_50 = arith.constant 79 : i32
    %add3A_51 = arith.addi %mul3A_0, %add3A_50 : i32
    "tpu.region"() ({
      %run_scoped3A = tpu.sem_alloc : memref<!tpu.dma_semaphore, #tpu.memory_space<semaphore_mem>>
      %dma_start3A = arith.constant 0 : i32
      %dma_start3A_90 = tpu.memref_slice %arg7[%add3A_51, %dma_start3A] : memref<10112x16xf32, #tpu.memory_space<vmem_shared>> -> memref<79x16xf32, #tpu.memory_space<vmem_shared>>
      %dma_start3A_91 = arith.constant 0 : i32
      %dma_start3A_92 = tpu.memref_slice %arg7[%add3A_51, %dma_start3A_91] : memref<10112x16xf32, #tpu.memory_space<vmem_shared>> -> memref<79x16xf32, #tpu.memory_space<vmem_shared>>
      tpu.enqueue_dma source(%arg14 : memref<79x16xf32, #tpu.memory_space<vmem>>) target(%dma_start3A_92 : memref<79x16xf32, #tpu.memory_space<vmem_shared>>) target_semaphore(%run_scoped3A : memref<!tpu.dma_semaphore, #tpu.memory_space<semaphore_mem>>)
      %dma_wait3A = arith.constant 0 : i32
      %dma_wait3A_93 = tpu.memref_slice %arg7[%add3A_51, %dma_wait3A] : memref<10112x16xf32, #tpu.memory_space<vmem_shared>> -> memref<79x16xf32, #tpu.memory_space<vmem_shared>>
      %dma_wait3A_94 = arith.constant 0 : i32
      %dma_wait3A_95 = tpu.memref_slice %arg7[%add3A_51, %dma_wait3A_94] : memref<10112x16xf32, #tpu.memory_space<vmem_shared>> -> memref<79x16xf32, #tpu.memory_space<vmem_shared>>
      tpu.wait_dma2 semaphore(%run_scoped3A : memref<!tpu.dma_semaphore, #tpu.memory_space<semaphore_mem>>) src(%arg14 : memref<79x16xf32, #tpu.memory_space<vmem>>) dst(%dma_wait3A_95 : memref<79x16xf32, #tpu.memory_space<vmem_shared>>)
      tpu.yield
    }) : () -> ()
    %add3A_52 = arith.constant 79 : i32
    %add3A_53 = arith.addi %mul3A_0, %add3A_52 : i32
    "tpu.region"() ({
      %run_scoped3A = tpu.sem_alloc : memref<!tpu.dma_semaphore, #tpu.memory_space<semaphore_mem>>
      %dma_start3A = arith.constant 0 : i32
      %dma_start3A_90 = tpu.memref_slice %arg8[%add3A_53, %dma_start3A] : memref<10112x16xf32, #tpu.memory_space<vmem_shared>> -> memref<79x16xf32, #tpu.memory_space<vmem_shared>>
      %dma_start3A_91 = arith.constant 0 : i32
      %dma_start3A_92 = tpu.memref_slice %arg8[%add3A_53, %dma_start3A_91] : memref<10112x16xf32, #tpu.memory_space<vmem_shared>> -> memref<79x16xf32, #tpu.memory_space<vmem_shared>>
      tpu.enqueue_dma source(%arg14 : memref<79x16xf32, #tpu.memory_space<vmem>>) target(%dma_start3A_92 : memref<79x16xf32, #tpu.memory_space<vmem_shared>>) target_semaphore(%run_scoped3A : memref<!tpu.dma_semaphore, #tpu.memory_space<semaphore_mem>>)
      %dma_wait3A = arith.constant 0 : i32
      %dma_wait3A_93 = tpu.memref_slice %arg8[%add3A_53, %dma_wait3A] : memref<10112x16xf32, #tpu.memory_space<vmem_shared>> -> memref<79x16xf32, #tpu.memory_space<vmem_shared>>
      %dma_wait3A_94 = arith.constant 0 : i32
      %dma_wait3A_95 = tpu.memref_slice %arg8[%add3A_53, %dma_wait3A_94] : memref<10112x16xf32, #tpu.memory_space<vmem_shared>> -> memref<79x16xf32, #tpu.memory_space<vmem_shared>>
      tpu.wait_dma2 semaphore(%run_scoped3A : memref<!tpu.dma_semaphore, #tpu.memory_space<semaphore_mem>>) src(%arg14 : memref<79x16xf32, #tpu.memory_space<vmem>>) dst(%dma_wait3A_95 : memref<79x16xf32, #tpu.memory_space<vmem_shared>>)
      tpu.yield
    }) : () -> ()
    %add3A_54 = arith.constant 158 : i32
    %add3A_55 = arith.addi %mul3A_0, %add3A_54 : i32
    "tpu.region"() ({
      %run_scoped3A = tpu.sem_alloc : memref<!tpu.dma_semaphore, #tpu.memory_space<semaphore_mem>>
      %dma_start3A = arith.constant 0 : i32
      %dma_start3A_90 = tpu.memref_slice %arg7[%add3A_55, %dma_start3A] : memref<10112x16xf32, #tpu.memory_space<vmem_shared>> -> memref<79x16xf32, #tpu.memory_space<vmem_shared>>
      %dma_start3A_91 = arith.constant 0 : i32
      %dma_start3A_92 = tpu.memref_slice %arg7[%add3A_55, %dma_start3A_91] : memref<10112x16xf32, #tpu.memory_space<vmem_shared>> -> memref<79x16xf32, #tpu.memory_space<vmem_shared>>
      tpu.enqueue_dma source(%arg14 : memref<79x16xf32, #tpu.memory_space<vmem>>) target(%dma_start3A_92 : memref<79x16xf32, #tpu.memory_space<vmem_shared>>) target_semaphore(%run_scoped3A : memref<!tpu.dma_semaphore, #tpu.memory_space<semaphore_mem>>)
      %dma_wait3A = arith.constant 0 : i32
      %dma_wait3A_93 = tpu.memref_slice %arg7[%add3A_55, %dma_wait3A] : memref<10112x16xf32, #tpu.memory_space<vmem_shared>> -> memref<79x16xf32, #tpu.memory_space<vmem_shared>>
      %dma_wait3A_94 = arith.constant 0 : i32
      %dma_wait3A_95 = tpu.memref_slice %arg7[%add3A_55, %dma_wait3A_94] : memref<10112x16xf32, #tpu.memory_space<vmem_shared>> -> memref<79x16xf32, #tpu.memory_space<vmem_shared>>
      tpu.wait_dma2 semaphore(%run_scoped3A : memref<!tpu.dma_semaphore, #tpu.memory_space<semaphore_mem>>) src(%arg14 : memref<79x16xf32, #tpu.memory_space<vmem>>) dst(%dma_wait3A_95 : memref<79x16xf32, #tpu.memory_space<vmem_shared>>)
      tpu.yield
    }) : () -> ()
    %add3A_56 = arith.constant 158 : i32
    %add3A_57 = arith.addi %mul3A_0, %add3A_56 : i32
    "tpu.region"() ({
      %run_scoped3A = tpu.sem_alloc : memref<!tpu.dma_semaphore, #tpu.memory_space<semaphore_mem>>
      %dma_start3A = arith.constant 0 : i32
      %dma_start3A_90 = tpu.memref_slice %arg8[%add3A_57, %dma_start3A] : memref<10112x16xf32, #tpu.memory_space<vmem_shared>> -> memref<79x16xf32, #tpu.memory_space<vmem_shared>>
      %dma_start3A_91 = arith.constant 0 : i32
      %dma_start3A_92 = tpu.memref_slice %arg8[%add3A_57, %dma_start3A_91] : memref<10112x16xf32, #tpu.memory_space<vmem_shared>> -> memref<79x16xf32, #tpu.memory_space<vmem_shared>>
      tpu.enqueue_dma source(%arg14 : memref<79x16xf32, #tpu.memory_space<vmem>>) target(%dma_start3A_92 : memref<79x16xf32, #tpu.memory_space<vmem_shared>>) target_semaphore(%run_scoped3A : memref<!tpu.dma_semaphore, #tpu.memory_space<semaphore_mem>>)
      %dma_wait3A = arith.constant 0 : i32
      %dma_wait3A_93 = tpu.memref_slice %arg8[%add3A_57, %dma_wait3A] : memref<10112x16xf32, #tpu.memory_space<vmem_shared>> -> memref<79x16xf32, #tpu.memory_space<vmem_shared>>
      %dma_wait3A_94 = arith.constant 0 : i32
      %dma_wait3A_95 = tpu.memref_slice %arg8[%add3A_57, %dma_wait3A_94] : memref<10112x16xf32, #tpu.memory_space<vmem_shared>> -> memref<79x16xf32, #tpu.memory_space<vmem_shared>>
      tpu.wait_dma2 semaphore(%run_scoped3A : memref<!tpu.dma_semaphore, #tpu.memory_space<semaphore_mem>>) src(%arg14 : memref<79x16xf32, #tpu.memory_space<vmem>>) dst(%dma_wait3A_95 : memref<79x16xf32, #tpu.memory_space<vmem_shared>>)
      tpu.yield
    }) : () -> ()
    %add3A_58 = arith.constant 237 : i32
    %add3A_59 = arith.addi %mul3A_0, %add3A_58 : i32
    "tpu.region"() ({
      %run_scoped3A = tpu.sem_alloc : memref<!tpu.dma_semaphore, #tpu.memory_space<semaphore_mem>>
      %dma_start3A = arith.constant 0 : i32
      %dma_start3A_90 = tpu.memref_slice %arg7[%add3A_59, %dma_start3A] : memref<10112x16xf32, #tpu.memory_space<vmem_shared>> -> memref<79x16xf32, #tpu.memory_space<vmem_shared>>
      %dma_start3A_91 = arith.constant 0 : i32
      %dma_start3A_92 = tpu.memref_slice %arg7[%add3A_59, %dma_start3A_91] : memref<10112x16xf32, #tpu.memory_space<vmem_shared>> -> memref<79x16xf32, #tpu.memory_space<vmem_shared>>
      tpu.enqueue_dma source(%arg14 : memref<79x16xf32, #tpu.memory_space<vmem>>) target(%dma_start3A_92 : memref<79x16xf32, #tpu.memory_space<vmem_shared>>) target_semaphore(%run_scoped3A : memref<!tpu.dma_semaphore, #tpu.memory_space<semaphore_mem>>)
      %dma_wait3A = arith.constant 0 : i32
      %dma_wait3A_93 = tpu.memref_slice %arg7[%add3A_59, %dma_wait3A] : memref<10112x16xf32, #tpu.memory_space<vmem_shared>> -> memref<79x16xf32, #tpu.memory_space<vmem_shared>>
      %dma_wait3A_94 = arith.constant 0 : i32
      %dma_wait3A_95 = tpu.memref_slice %arg7[%add3A_59, %dma_wait3A_94] : memref<10112x16xf32, #tpu.memory_space<vmem_shared>> -> memref<79x16xf32, #tpu.memory_space<vmem_shared>>
      tpu.wait_dma2 semaphore(%run_scoped3A : memref<!tpu.dma_semaphore, #tpu.memory_space<semaphore_mem>>) src(%arg14 : memref<79x16xf32, #tpu.memory_space<vmem>>) dst(%dma_wait3A_95 : memref<79x16xf32, #tpu.memory_space<vmem_shared>>)
      tpu.yield
    }) : () -> ()
    %add3A_60 = arith.constant 237 : i32
    %add3A_61 = arith.addi %mul3A_0, %add3A_60 : i32
    "tpu.region"() ({
      %run_scoped3A = tpu.sem_alloc : memref<!tpu.dma_semaphore, #tpu.memory_space<semaphore_mem>>
      %dma_start3A = arith.constant 0 : i32
      %dma_start3A_90 = tpu.memref_slice %arg8[%add3A_61, %dma_start3A] : memref<10112x16xf32, #tpu.memory_space<vmem_shared>> -> memref<79x16xf32, #tpu.memory_space<vmem_shared>>
      %dma_start3A_91 = arith.constant 0 : i32
      %dma_start3A_92 = tpu.memref_slice %arg8[%add3A_61, %dma_start3A_91] : memref<10112x16xf32, #tpu.memory_space<vmem_shared>> -> memref<79x16xf32, #tpu.memory_space<vmem_shared>>
      tpu.enqueue_dma source(%arg14 : memref<79x16xf32, #tpu.memory_space<vmem>>) target(%dma_start3A_92 : memref<79x16xf32, #tpu.memory_space<vmem_shared>>) target_semaphore(%run_scoped3A : memref<!tpu.dma_semaphore, #tpu.memory_space<semaphore_mem>>)
      %dma_wait3A = arith.constant 0 : i32
      %dma_wait3A_93 = tpu.memref_slice %arg8[%add3A_61, %dma_wait3A] : memref<10112x16xf32, #tpu.memory_space<vmem_shared>> -> memref<79x16xf32, #tpu.memory_space<vmem_shared>>
      %dma_wait3A_94 = arith.constant 0 : i32
      %dma_wait3A_95 = tpu.memref_slice %arg8[%add3A_61, %dma_wait3A_94] : memref<10112x16xf32, #tpu.memory_space<vmem_shared>> -> memref<79x16xf32, #tpu.memory_space<vmem_shared>>
      tpu.wait_dma2 semaphore(%run_scoped3A : memref<!tpu.dma_semaphore, #tpu.memory_space<semaphore_mem>>) src(%arg14 : memref<79x16xf32, #tpu.memory_space<vmem>>) dst(%dma_wait3A_95 : memref<79x16xf32, #tpu.memory_space<vmem_shared>>)
      tpu.yield
    }) : () -> ()
    %add3A_62 = arith.constant 316 : i32
    %add3A_63 = arith.addi %mul3A_0, %add3A_62 : i32
    "tpu.region"() ({
      %run_scoped3A = tpu.sem_alloc : memref<!tpu.dma_semaphore, #tpu.memory_space<semaphore_mem>>
      %dma_start3A = arith.constant 0 : i32
      %dma_start3A_90 = tpu.memref_slice %arg7[%add3A_63, %dma_start3A] : memref<10112x16xf32, #tpu.memory_space<vmem_shared>> -> memref<79x16xf32, #tpu.memory_space<vmem_shared>>
      %dma_start3A_91 = arith.constant 0 : i32
      %dma_start3A_92 = tpu.memref_slice %arg7[%add3A_63, %dma_start3A_91] : memref<10112x16xf32, #tpu.memory_space<vmem_shared>> -> memref<79x16xf32, #tpu.memory_space<vmem_shared>>
      tpu.enqueue_dma source(%arg14 : memref<79x16xf32, #tpu.memory_space<vmem>>) target(%dma_start3A_92 : memref<79x16xf32, #tpu.memory_space<vmem_shared>>) target_semaphore(%run_scoped3A : memref<!tpu.dma_semaphore, #tpu.memory_space<semaphore_mem>>)
      %dma_wait3A = arith.constant 0 : i32
      %dma_wait3A_93 = tpu.memref_slice %arg7[%add3A_63, %dma_wait3A] : memref<10112x16xf32, #tpu.memory_space<vmem_shared>> -> memref<79x16xf32, #tpu.memory_space<vmem_shared>>
      %dma_wait3A_94 = arith.constant 0 : i32
      %dma_wait3A_95 = tpu.memref_slice %arg7[%add3A_63, %dma_wait3A_94] : memref<10112x16xf32, #tpu.memory_space<vmem_shared>> -> memref<79x16xf32, #tpu.memory_space<vmem_shared>>
      tpu.wait_dma2 semaphore(%run_scoped3A : memref<!tpu.dma_semaphore, #tpu.memory_space<semaphore_mem>>) src(%arg14 : memref<79x16xf32, #tpu.memory_space<vmem>>) dst(%dma_wait3A_95 : memref<79x16xf32, #tpu.memory_space<vmem_shared>>)
      tpu.yield
    }) : () -> ()
    %add3A_64 = arith.constant 316 : i32
    %add3A_65 = arith.addi %mul3A_0, %add3A_64 : i32
    "tpu.region"() ({
      %run_scoped3A = tpu.sem_alloc : memref<!tpu.dma_semaphore, #tpu.memory_space<semaphore_mem>>
      %dma_start3A = arith.constant 0 : i32
      %dma_start3A_90 = tpu.memref_slice %arg8[%add3A_65, %dma_start3A] : memref<10112x16xf32, #tpu.memory_space<vmem_shared>> -> memref<79x16xf32, #tpu.memory_space<vmem_shared>>
      %dma_start3A_91 = arith.constant 0 : i32
      %dma_start3A_92 = tpu.memref_slice %arg8[%add3A_65, %dma_start3A_91] : memref<10112x16xf32, #tpu.memory_space<vmem_shared>> -> memref<79x16xf32, #tpu.memory_space<vmem_shared>>
      tpu.enqueue_dma source(%arg14 : memref<79x16xf32, #tpu.memory_space<vmem>>) target(%dma_start3A_92 : memref<79x16xf32, #tpu.memory_space<vmem_shared>>) target_semaphore(%run_scoped3A : memref<!tpu.dma_semaphore, #tpu.memory_space<semaphore_mem>>)
      %dma_wait3A = arith.constant 0 : i32
      %dma_wait3A_93 = tpu.memref_slice %arg8[%add3A_65, %dma_wait3A] : memref<10112x16xf32, #tpu.memory_space<vmem_shared>> -> memref<79x16xf32, #tpu.memory_space<vmem_shared>>
      %dma_wait3A_94 = arith.constant 0 : i32
      %dma_wait3A_95 = tpu.memref_slice %arg8[%add3A_65, %dma_wait3A_94] : memref<10112x16xf32, #tpu.memory_space<vmem_shared>> -> memref<79x16xf32, #tpu.memory_space<vmem_shared>>
      tpu.wait_dma2 semaphore(%run_scoped3A : memref<!tpu.dma_semaphore, #tpu.memory_space<semaphore_mem>>) src(%arg14 : memref<79x16xf32, #tpu.memory_space<vmem>>) dst(%dma_wait3A_95 : memref<79x16xf32, #tpu.memory_space<vmem_shared>>)
      tpu.yield
    }) : () -> ()
    %add3A_66 = arith.constant 395 : i32
    %add3A_67 = arith.addi %mul3A_0, %add3A_66 : i32
    "tpu.region"() ({
      %run_scoped3A = tpu.sem_alloc : memref<!tpu.dma_semaphore, #tpu.memory_space<semaphore_mem>>
      %dma_start3A = arith.constant 0 : i32
      %dma_start3A_90 = tpu.memref_slice %arg7[%add3A_67, %dma_start3A] : memref<10112x16xf32, #tpu.memory_space<vmem_shared>> -> memref<79x16xf32, #tpu.memory_space<vmem_shared>>
      %dma_start3A_91 = arith.constant 0 : i32
      %dma_start3A_92 = tpu.memref_slice %arg7[%add3A_67, %dma_start3A_91] : memref<10112x16xf32, #tpu.memory_space<vmem_shared>> -> memref<79x16xf32, #tpu.memory_space<vmem_shared>>
      tpu.enqueue_dma source(%arg14 : memref<79x16xf32, #tpu.memory_space<vmem>>) target(%dma_start3A_92 : memref<79x16xf32, #tpu.memory_space<vmem_shared>>) target_semaphore(%run_scoped3A : memref<!tpu.dma_semaphore, #tpu.memory_space<semaphore_mem>>)
      %dma_wait3A = arith.constant 0 : i32
      %dma_wait3A_93 = tpu.memref_slice %arg7[%add3A_67, %dma_wait3A] : memref<10112x16xf32, #tpu.memory_space<vmem_shared>> -> memref<79x16xf32, #tpu.memory_space<vmem_shared>>
      %dma_wait3A_94 = arith.constant 0 : i32
      %dma_wait3A_95 = tpu.memref_slice %arg7[%add3A_67, %dma_wait3A_94] : memref<10112x16xf32, #tpu.memory_space<vmem_shared>> -> memref<79x16xf32, #tpu.memory_space<vmem_shared>>
      tpu.wait_dma2 semaphore(%run_scoped3A : memref<!tpu.dma_semaphore, #tpu.memory_space<semaphore_mem>>) src(%arg14 : memref<79x16xf32, #tpu.memory_space<vmem>>) dst(%dma_wait3A_95 : memref<79x16xf32, #tpu.memory_space<vmem_shared>>)
      tpu.yield
    }) : () -> ()
    %add3A_68 = arith.constant 395 : i32
    %add3A_69 = arith.addi %mul3A_0, %add3A_68 : i32
    "tpu.region"() ({
      %run_scoped3A = tpu.sem_alloc : memref<!tpu.dma_semaphore, #tpu.memory_space<semaphore_mem>>
      %dma_start3A = arith.constant 0 : i32
      %dma_start3A_90 = tpu.memref_slice %arg8[%add3A_69, %dma_start3A] : memref<10112x16xf32, #tpu.memory_space<vmem_shared>> -> memref<79x16xf32, #tpu.memory_space<vmem_shared>>
      %dma_start3A_91 = arith.constant 0 : i32
      %dma_start3A_92 = tpu.memref_slice %arg8[%add3A_69, %dma_start3A_91] : memref<10112x16xf32, #tpu.memory_space<vmem_shared>> -> memref<79x16xf32, #tpu.memory_space<vmem_shared>>
      tpu.enqueue_dma source(%arg14 : memref<79x16xf32, #tpu.memory_space<vmem>>) target(%dma_start3A_92 : memref<79x16xf32, #tpu.memory_space<vmem_shared>>) target_semaphore(%run_scoped3A : memref<!tpu.dma_semaphore, #tpu.memory_space<semaphore_mem>>)
      %dma_wait3A = arith.constant 0 : i32
      %dma_wait3A_93 = tpu.memref_slice %arg8[%add3A_69, %dma_wait3A] : memref<10112x16xf32, #tpu.memory_space<vmem_shared>> -> memref<79x16xf32, #tpu.memory_space<vmem_shared>>
      %dma_wait3A_94 = arith.constant 0 : i32
      %dma_wait3A_95 = tpu.memref_slice %arg8[%add3A_69, %dma_wait3A_94] : memref<10112x16xf32, #tpu.memory_space<vmem_shared>> -> memref<79x16xf32, #tpu.memory_space<vmem_shared>>
      tpu.wait_dma2 semaphore(%run_scoped3A : memref<!tpu.dma_semaphore, #tpu.memory_space<semaphore_mem>>) src(%arg14 : memref<79x16xf32, #tpu.memory_space<vmem>>) dst(%dma_wait3A_95 : memref<79x16xf32, #tpu.memory_space<vmem_shared>>)
      tpu.yield
    }) : () -> ()
    %add3A_70 = arith.constant 474 : i32
    %add3A_71 = arith.addi %mul3A_0, %add3A_70 : i32
    "tpu.region"() ({
      %run_scoped3A = tpu.sem_alloc : memref<!tpu.dma_semaphore, #tpu.memory_space<semaphore_mem>>
      %dma_start3A = arith.constant 0 : i32
      %dma_start3A_90 = tpu.memref_slice %arg7[%add3A_71, %dma_start3A] : memref<10112x16xf32, #tpu.memory_space<vmem_shared>> -> memref<79x16xf32, #tpu.memory_space<vmem_shared>>
      %dma_start3A_91 = arith.constant 0 : i32
      %dma_start3A_92 = tpu.memref_slice %arg7[%add3A_71, %dma_start3A_91] : memref<10112x16xf32, #tpu.memory_space<vmem_shared>> -> memref<79x16xf32, #tpu.memory_space<vmem_shared>>
      tpu.enqueue_dma source(%arg14 : memref<79x16xf32, #tpu.memory_space<vmem>>) target(%dma_start3A_92 : memref<79x16xf32, #tpu.memory_space<vmem_shared>>) target_semaphore(%run_scoped3A : memref<!tpu.dma_semaphore, #tpu.memory_space<semaphore_mem>>)
      %dma_wait3A = arith.constant 0 : i32
      %dma_wait3A_93 = tpu.memref_slice %arg7[%add3A_71, %dma_wait3A] : memref<10112x16xf32, #tpu.memory_space<vmem_shared>> -> memref<79x16xf32, #tpu.memory_space<vmem_shared>>
      %dma_wait3A_94 = arith.constant 0 : i32
      %dma_wait3A_95 = tpu.memref_slice %arg7[%add3A_71, %dma_wait3A_94] : memref<10112x16xf32, #tpu.memory_space<vmem_shared>> -> memref<79x16xf32, #tpu.memory_space<vmem_shared>>
      tpu.wait_dma2 semaphore(%run_scoped3A : memref<!tpu.dma_semaphore, #tpu.memory_space<semaphore_mem>>) src(%arg14 : memref<79x16xf32, #tpu.memory_space<vmem>>) dst(%dma_wait3A_95 : memref<79x16xf32, #tpu.memory_space<vmem_shared>>)
      tpu.yield
    }) : () -> ()
    %add3A_72 = arith.constant 474 : i32
    %add3A_73 = arith.addi %mul3A_0, %add3A_72 : i32
    "tpu.region"() ({
      %run_scoped3A = tpu.sem_alloc : memref<!tpu.dma_semaphore, #tpu.memory_space<semaphore_mem>>
      %dma_start3A = arith.constant 0 : i32
      %dma_start3A_90 = tpu.memref_slice %arg8[%add3A_73, %dma_start3A] : memref<10112x16xf32, #tpu.memory_space<vmem_shared>> -> memref<79x16xf32, #tpu.memory_space<vmem_shared>>
      %dma_start3A_91 = arith.constant 0 : i32
      %dma_start3A_92 = tpu.memref_slice %arg8[%add3A_73, %dma_start3A_91] : memref<10112x16xf32, #tpu.memory_space<vmem_shared>> -> memref<79x16xf32, #tpu.memory_space<vmem_shared>>
      tpu.enqueue_dma source(%arg14 : memref<79x16xf32, #tpu.memory_space<vmem>>) target(%dma_start3A_92 : memref<79x16xf32, #tpu.memory_space<vmem_shared>>) target_semaphore(%run_scoped3A : memref<!tpu.dma_semaphore, #tpu.memory_space<semaphore_mem>>)
      %dma_wait3A = arith.constant 0 : i32
      %dma_wait3A_93 = tpu.memref_slice %arg8[%add3A_73, %dma_wait3A] : memref<10112x16xf32, #tpu.memory_space<vmem_shared>> -> memref<79x16xf32, #tpu.memory_space<vmem_shared>>
      %dma_wait3A_94 = arith.constant 0 : i32
      %dma_wait3A_95 = tpu.memref_slice %arg8[%add3A_73, %dma_wait3A_94] : memref<10112x16xf32, #tpu.memory_space<vmem_shared>> -> memref<79x16xf32, #tpu.memory_space<vmem_shared>>
      tpu.wait_dma2 semaphore(%run_scoped3A : memref<!tpu.dma_semaphore, #tpu.memory_space<semaphore_mem>>) src(%arg14 : memref<79x16xf32, #tpu.memory_space<vmem>>) dst(%dma_wait3A_95 : memref<79x16xf32, #tpu.memory_space<vmem_shared>>)
      tpu.yield
    }) : () -> ()
    %add3A_74 = arith.constant 553 : i32
    %add3A_75 = arith.addi %mul3A_0, %add3A_74 : i32
    "tpu.region"() ({
      %run_scoped3A = tpu.sem_alloc : memref<!tpu.dma_semaphore, #tpu.memory_space<semaphore_mem>>
      %dma_start3A = arith.constant 0 : i32
      %dma_start3A_90 = tpu.memref_slice %arg7[%add3A_75, %dma_start3A] : memref<10112x16xf32, #tpu.memory_space<vmem_shared>> -> memref<79x16xf32, #tpu.memory_space<vmem_shared>>
      %dma_start3A_91 = arith.constant 0 : i32
      %dma_start3A_92 = tpu.memref_slice %arg7[%add3A_75, %dma_start3A_91] : memref<10112x16xf32, #tpu.memory_space<vmem_shared>> -> memref<79x16xf32, #tpu.memory_space<vmem_shared>>
      tpu.enqueue_dma source(%arg14 : memref<79x16xf32, #tpu.memory_space<vmem>>) target(%dma_start3A_92 : memref<79x16xf32, #tpu.memory_space<vmem_shared>>) target_semaphore(%run_scoped3A : memref<!tpu.dma_semaphore, #tpu.memory_space<semaphore_mem>>)
      %dma_wait3A = arith.constant 0 : i32
      %dma_wait3A_93 = tpu.memref_slice %arg7[%add3A_75, %dma_wait3A] : memref<10112x16xf32, #tpu.memory_space<vmem_shared>> -> memref<79x16xf32, #tpu.memory_space<vmem_shared>>
      %dma_wait3A_94 = arith.constant 0 : i32
      %dma_wait3A_95 = tpu.memref_slice %arg7[%add3A_75, %dma_wait3A_94] : memref<10112x16xf32, #tpu.memory_space<vmem_shared>> -> memref<79x16xf32, #tpu.memory_space<vmem_shared>>
      tpu.wait_dma2 semaphore(%run_scoped3A : memref<!tpu.dma_semaphore, #tpu.memory_space<semaphore_mem>>) src(%arg14 : memref<79x16xf32, #tpu.memory_space<vmem>>) dst(%dma_wait3A_95 : memref<79x16xf32, #tpu.memory_space<vmem_shared>>)
      tpu.yield
    }) : () -> ()
    %add3A_76 = arith.constant 553 : i32
    %add3A_77 = arith.addi %mul3A_0, %add3A_76 : i32
    "tpu.region"() ({
      %run_scoped3A = tpu.sem_alloc : memref<!tpu.dma_semaphore, #tpu.memory_space<semaphore_mem>>
      %dma_start3A = arith.constant 0 : i32
      %dma_start3A_90 = tpu.memref_slice %arg8[%add3A_77, %dma_start3A] : memref<10112x16xf32, #tpu.memory_space<vmem_shared>> -> memref<79x16xf32, #tpu.memory_space<vmem_shared>>
      %dma_start3A_91 = arith.constant 0 : i32
      %dma_start3A_92 = tpu.memref_slice %arg8[%add3A_77, %dma_start3A_91] : memref<10112x16xf32, #tpu.memory_space<vmem_shared>> -> memref<79x16xf32, #tpu.memory_space<vmem_shared>>
      tpu.enqueue_dma source(%arg14 : memref<79x16xf32, #tpu.memory_space<vmem>>) target(%dma_start3A_92 : memref<79x16xf32, #tpu.memory_space<vmem_shared>>) target_semaphore(%run_scoped3A : memref<!tpu.dma_semaphore, #tpu.memory_space<semaphore_mem>>)
      %dma_wait3A = arith.constant 0 : i32
      %dma_wait3A_93 = tpu.memref_slice %arg8[%add3A_77, %dma_wait3A] : memref<10112x16xf32, #tpu.memory_space<vmem_shared>> -> memref<79x16xf32, #tpu.memory_space<vmem_shared>>
      %dma_wait3A_94 = arith.constant 0 : i32
      %dma_wait3A_95 = tpu.memref_slice %arg8[%add3A_77, %dma_wait3A_94] : memref<10112x16xf32, #tpu.memory_space<vmem_shared>> -> memref<79x16xf32, #tpu.memory_space<vmem_shared>>
      tpu.wait_dma2 semaphore(%run_scoped3A : memref<!tpu.dma_semaphore, #tpu.memory_space<semaphore_mem>>) src(%arg14 : memref<79x16xf32, #tpu.memory_space<vmem>>) dst(%dma_wait3A_95 : memref<79x16xf32, #tpu.memory_space<vmem_shared>>)
      tpu.yield
    }) : () -> ()
    "tpu.region"() ({
      %run_scoped3A = tpu.sem_alloc : memref<!tpu.dma_semaphore, #tpu.memory_space<semaphore_mem>>
      %dma_start3A = arith.constant 0 : i32
      %dma_start3A_90 = tpu.memref_slice %arg2[%mul3A_0, %dma_start3A] : memref<10112x16xf32, #tpu.memory_space<hbm>> -> memref<632x16xf32, #tpu.memory_space<hbm>>
      %dma_start3A_91 = arith.constant 0 : i32
      %dma_start3A_92 = tpu.memref_slice %arg2[%mul3A_0, %dma_start3A_91] : memref<10112x16xf32, #tpu.memory_space<hbm>> -> memref<632x16xf32, #tpu.memory_space<hbm>>
      tpu.enqueue_dma source(%dma_start3A_92 : memref<632x16xf32, #tpu.memory_space<hbm>>) target(%arg15 : memref<632x16xf32, #tpu.memory_space<vmem>>) target_semaphore(%run_scoped3A : memref<!tpu.dma_semaphore, #tpu.memory_space<semaphore_mem>>)
      %dma_wait3A = arith.constant 0 : i32
      %dma_wait3A_93 = tpu.memref_slice %arg2[%mul3A_0, %dma_wait3A] : memref<10112x16xf32, #tpu.memory_space<hbm>> -> memref<632x16xf32, #tpu.memory_space<hbm>>
      %dma_wait3A_94 = arith.constant 0 : i32
      %dma_wait3A_95 = tpu.memref_slice %arg2[%mul3A_0, %dma_wait3A_94] : memref<10112x16xf32, #tpu.memory_space<hbm>> -> memref<632x16xf32, #tpu.memory_space<hbm>>
      tpu.wait_dma2 semaphore(%run_scoped3A : memref<!tpu.dma_semaphore, #tpu.memory_space<semaphore_mem>>) src(%dma_wait3A_95 : memref<632x16xf32, #tpu.memory_space<hbm>>) dst(%arg15 : memref<632x16xf32, #tpu.memory_space<vmem>>)
      tpu.yield
    }) : () -> ()
    %parallel_loop3A_78 = arith.constant 0 : i32
    %parallel_loop3A_79 = arith.constant 632 : i32
    %parallel_loop3A_80 = arith.constant 1 : i32
    scf.for %parallel_loop3A_90 = %parallel_loop3A_78 to %parallel_loop3A_79 step %parallel_loop3A_80  : i32 {
      %parallel_loop3A_91 = arith.index_cast %parallel_loop3A_90 : i32 to index
      %parallel_loop3A_92 = arith.constant 0 : index
      %parallel_loop3A_93 = tpu.vector_load %arg18[%parallel_loop3A_91, %parallel_loop3A_92] {strides = array<i32>} : memref<632x16xf32, #tpu.memory_space<vmem>>, vector<1x16xf32>,
      %parallel_loop3A_94 = vector.shape_cast %parallel_loop3A_93 : vector<1x16xf32> to vector<16xf32>
      %parallel_loop3A_95 = arith.index_cast %parallel_loop3A_90 : i32 to index
      %parallel_loop3A_96 = arith.constant 0 : index
      %parallel_loop3A_97 = tpu.vector_load %arg15[%parallel_loop3A_95, %parallel_loop3A_96] {strides = array<i32>} : memref<632x16xf32, #tpu.memory_space<vmem>>, vector<1x16xf32>,
      %parallel_loop3A_98 = vector.shape_cast %parallel_loop3A_97 : vector<1x16xf32> to vector<16xf32>
      %parallel_loop3A_99 = arith.mulf %parallel_loop3A_94, %parallel_loop3A_98 : vector<16xf32>
      %parallel_loop3A_100 = arith.index_cast %parallel_loop3A_90 : i32 to index
      %parallel_loop3A_101 = arith.constant 0 : index
      %parallel_loop3A_102 = tpu.vector_load %arg19[%parallel_loop3A_100, %parallel_loop3A_101] {strides = array<i32>} : memref<632x16xf32, #tpu.memory_space<vmem>>, vector<1x16xf32>,
      %parallel_loop3A_103 = vector.shape_cast %parallel_loop3A_102 : vector<1x16xf32> to vector<16xf32>
      %parallel_loop3A_104 = vector.shape_cast %parallel_loop3A_99 : vector<16xf32> to vector<1x16xf32>
      tpu.vector_store %arg19[%parallel_loop3A_100, %parallel_loop3A_101], %parallel_loop3A_104 {strides = array<i32>} : memref<632x16xf32, #tpu.memory_space<vmem>>, vector<1x16xf32>,
      %parallel_loop3A_105 = arith.constant 1.000000e-01 : f32
      %parallel_loop3A_106 = vector.broadcast %parallel_loop3A_105 : f32 to vector<16xf32>
      %parallel_loop3A_107 = arith.mulf %parallel_loop3A_106, %parallel_loop3A_99 : vector<16xf32>
      %parallel_loop3A_108 = arith.index_cast %parallel_loop3A_90 : i32 to index
      %parallel_loop3A_109 = arith.constant 0 : index
      %parallel_loop3A_110 = tpu.vector_load %arg17[%parallel_loop3A_108, %parallel_loop3A_109] {strides = array<i32>} : memref<632x16xf32, #tpu.memory_space<vmem>>, vector<1x16xf32>,
      %parallel_loop3A_111 = vector.shape_cast %parallel_loop3A_110 : vector<1x16xf32> to vector<16xf32>
      %parallel_loop3A_112 = vector.shape_cast %parallel_loop3A_107 : vector<16xf32> to vector<1x16xf32>
      tpu.vector_store %arg17[%parallel_loop3A_108, %parallel_loop3A_109], %parallel_loop3A_112 {strides = array<i32>} : memref<632x16xf32, #tpu.memory_space<vmem>>, vector<1x16xf32>,
    } {sc.loop_unroll_factor = 8 : i64, sc.parallel_access}
    "tpu.region"() ({
      %run_scoped3A = tpu.sem_alloc : memref<!tpu.dma_semaphore, #tpu.memory_space<semaphore_mem>>
      %dma_start3A = arith.constant 0 : i32
      %dma_start3A_90 = tpu.memref_slice %arg6[%mul3A_0, %dma_start3A] : memref<10112x16xf32, #tpu.memory_space<vmem_shared>> -> memref<632x16xf32, #tpu.memory_space<vmem_shared>>
      %dma_start3A_91 = arith.constant 0 : i32
      %dma_start3A_92 = tpu.memref_slice %arg6[%mul3A_0, %dma_start3A_91] : memref<10112x16xf32, #tpu.memory_space<vmem_shared>> -> memref<632x16xf32, #tpu.memory_space<vmem_shared>>
      tpu.enqueue_dma source(%arg19 : memref<632x16xf32, #tpu.memory_space<vmem>>) target(%dma_start3A_92 : memref<632x16xf32, #tpu.memory_space<vmem_shared>>) target_semaphore(%run_scoped3A : memref<!tpu.dma_semaphore, #tpu.memory_space<semaphore_mem>>)
      %dma_wait3A = arith.constant 0 : i32
      %dma_wait3A_93 = tpu.memref_slice %arg6[%mul3A_0, %dma_wait3A] : memref<10112x16xf32, #tpu.memory_space<vmem_shared>> -> memref<632x16xf32, #tpu.memory_space<vmem_shared>>
      %dma_wait3A_94 = arith.constant 0 : i32
      %dma_wait3A_95 = tpu.memref_slice %arg6[%mul3A_0, %dma_wait3A_94] : memref<10112x16xf32, #tpu.memory_space<vmem_shared>> -> memref<632x16xf32, #tpu.memory_space<vmem_shared>>
      tpu.wait_dma2 semaphore(%run_scoped3A : memref<!tpu.dma_semaphore, #tpu.memory_space<semaphore_mem>>) src(%arg19 : memref<632x16xf32, #tpu.memory_space<vmem>>) dst(%dma_wait3A_95 : memref<632x16xf32, #tpu.memory_space<vmem_shared>>)
      tpu.yield
    }) : () -> ()
    %barrier3A_81 = arith.constant 0 : index
    tpu.barrier barrier_id(%barrier3A_81)
    %scan3A_82 = arith.constant 0 : i32
    %scan3A_83 = arith.constant 0 : i32
    %scan3A_84 = arith.constant 10 : i32
    %scan3A_85 = arith.addi %scan3A_83, %scan3A_84 : i32
    %scan3A_86 = arith.constant 1 : i32
    scf.for %scan3A_90 = %scan3A_83 to %scan3A_85 step %scan3A_86  : i32 {
      %dma_start3A = arith.constant 0 : i32
      %dma_start3A_91 = arith.constant 0 : i32
      %dma_start3A_92 = tpu.memref_slice %arg9[%dma_start3A, %dma_start3A_91] : memref<160x125xi32, #tpu.memory_space<vmem>> -> memref<1x125xi32, #tpu.memory_space<vmem>>
      %dma_start3A_93 = tpu.memref_squeeze %dma_start3A_92 : memref<1x125xi32, #tpu.memory_space<vmem>> -> memref<125xi32, #tpu.memory_space<vmem>>
      %dma_start3A_94 = arith.constant 0 : i32
      %dma_start3A_95 = arith.constant 0 : i32
      %dma_start3A_96 = tpu.memref_slice %arg6[%dma_start3A_94, %dma_start3A_95] : memref<10112x16xf32, #tpu.memory_space<vmem_shared>> -> memref<10112x16xf32, #tpu.memory_space<vmem_shared>>
      tpu.enqueue_indirect_dma source(%dma_start3A_96 : memref<10112x16xf32, #tpu.memory_space<vmem_shared>>) target(%arg11 : memref<125x16xf32, #tpu.memory_space<vmem>>) offsets(%dma_start3A_93 : memref<125xi32, #tpu.memory_space<vmem>>) semaphore(%arg20 : memref<!tpu.dma_semaphore, #tpu.memory_space<semaphore_mem>>)
      %scan3A_97 = arith.constant 0 : i32
      %scan3A_98 = arith.constant 0 : i32
      %scan3A_99 = arith.constant 80 : i32
      %scan3A_100 = arith.addi %scan3A_98, %scan3A_99 : i32
      %scan3A_101 = arith.constant 1 : i32
      scf.for %scan3A_149 = %scan3A_98 to %scan3A_100 step %scan3A_101  : i32 {
        %mul3A_150 = arith.constant 2 : i32
        %mul3A_151 = arith.muli %mul3A_150, %scan3A_149 : i32
        %dma_wait3A_152 = arith.constant 0 : i32
        %dma_wait3A_153 = tpu.memref_slice %arg9[%mul3A_151, %dma_wait3A_152] : memref<160x125xi32, #tpu.memory_space<vmem>> -> memref<1x125xi32, #tpu.memory_space<vmem>>
        %dma_wait3A_154 = tpu.memref_squeeze %dma_wait3A_153 : memref<1x125xi32, #tpu.memory_space<vmem>> -> memref<125xi32, #tpu.memory_space<vmem>>
        %dma_wait3A_155 = arith.constant 0 : i32
        %dma_wait3A_156 = arith.constant 0 : i32
        %dma_wait3A_157 = tpu.memref_slice %arg6[%dma_wait3A_155, %dma_wait3A_156] : memref<10112x16xf32, #tpu.memory_space<vmem_shared>> -> memref<10112x16xf32, #tpu.memory_space<vmem_shared>>
        tpu.wait_indirect_dma semaphore(%arg20 : memref<!tpu.dma_semaphore, #tpu.memory_space<semaphore_mem>>) src(%dma_wait3A_157 : memref<10112x16xf32, #tpu.memory_space<vmem_shared>>) dst(%arg11 : memref<125x16xf32, #tpu.memory_space<vmem>>)
        %add3A_158 = arith.constant 1 : i32
        %add3A_159 = arith.addi %mul3A_151, %add3A_158 : i32
        %dma_start3A_160 = arith.constant 0 : i32
        %dma_start3A_161 = tpu.memref_slice %arg9[%add3A_159, %dma_start3A_160] : memref<160x125xi32, #tpu.memory_space<vmem>> -> memref<1x125xi32, #tpu.memory_space<vmem>>
        %dma_start3A_162 = tpu.memref_squeeze %dma_start3A_161 : memref<1x125xi32, #tpu.memory_space<vmem>> -> memref<125xi32, #tpu.memory_space<vmem>>
        %dma_start3A_163 = arith.constant 0 : i32
        %dma_start3A_164 = arith.constant 0 : i32
        %dma_start3A_165 = tpu.memref_slice %arg6[%dma_start3A_163, %dma_start3A_164] : memref<10112x16xf32, #tpu.memory_space<vmem_shared>> -> memref<10112x16xf32, #tpu.memory_space<vmem_shared>>
        tpu.enqueue_indirect_dma source(%dma_start3A_165 : memref<10112x16xf32, #tpu.memory_space<vmem_shared>>) target(%arg12 : memref<125x16xf32, #tpu.memory_space<vmem>>) offsets(%dma_start3A_162 : memref<125xi32, #tpu.memory_space<vmem>>) semaphore(%arg21 : memref<!tpu.dma_semaphore, #tpu.memory_space<semaphore_mem>>)
        %lt3A = arith.constant 8 : i32
        %lt3A_166 = arith.cmpi slt, %arg1, %lt3A : i32
        %convert_element_type3A_167 = arith.extui %lt3A_166 : i1 to i32
        %cond3A_168 = arith.constant 0 : i32
        %cond3A_169 = arith.cmpi ne, %convert_element_type3A_167, %cond3A_168 : i32
        scf.if %cond3A_169 {
          "tpu.region"() ({
            %run_scoped3A = tpu.sem_alloc : memref<!tpu.dma_semaphore, #tpu.memory_space<semaphore_mem>>
            %dma_start3A_203 = arith.constant 0 : i32
            %dma_start3A_204 = tpu.memref_slice %arg10[%mul3A_151, %dma_start3A_203] : memref<160x125xi32, #tpu.memory_space<vmem>> -> memref<1x125xi32, #tpu.memory_space<vmem>>
            %dma_start3A_205 = tpu.memref_squeeze %dma_start3A_204 : memref<1x125xi32, #tpu.memory_space<vmem>> -> memref<125xi32, #tpu.memory_space<vmem>>
            %dma_start3A_206 = arith.constant 0 : i32
            %dma_start3A_207 = arith.constant 0 : i32
            %dma_start3A_208 = tpu.memref_slice %arg7[%dma_start3A_206, %dma_start3A_207] : memref<10112x16xf32, #tpu.memory_space<vmem_shared>> -> memref<10112x16xf32, #tpu.memory_space<vmem_shared>>
            tpu.enqueue_indirect_dma source(%arg11 : memref<125x16xf32, #tpu.memory_space<vmem>>) target(%dma_start3A_208 : memref<10112x16xf32, #tpu.memory_space<vmem_shared>>) offsets(%dma_start3A_205 : memref<125xi32, #tpu.memory_space<vmem>>) semaphore(%run_scoped3A : memref<!tpu.dma_semaphore, #tpu.memory_space<semaphore_mem>>) {add = true}
            %dma_wait3A_209 = arith.constant 0 : i32
            %dma_wait3A_210 = tpu.memref_slice %arg10[%mul3A_151, %dma_wait3A_209] : memref<160x125xi32, #tpu.memory_space<vmem>> -> memref<1x125xi32, #tpu.memory_space<vmem>>
            %dma_wait3A_211 = tpu.memref_squeeze %dma_wait3A_210 : memref<1x125xi32, #tpu.memory_space<vmem>> -> memref<125xi32, #tpu.memory_space<vmem>>
            %dma_wait3A_212 = arith.constant 0 : i32
            %dma_wait3A_213 = arith.constant 0 : i32
            %dma_wait3A_214 = tpu.memref_slice %arg7[%dma_wait3A_212, %dma_wait3A_213] : memref<10112x16xf32, #tpu.memory_space<vmem_shared>> -> memref<10112x16xf32, #tpu.memory_space<vmem_shared>>
            tpu.wait_indirect_dma semaphore(%run_scoped3A : memref<!tpu.dma_semaphore, #tpu.memory_space<semaphore_mem>>) src(%arg11 : memref<125x16xf32, #tpu.memory_space<vmem>>) dst(%dma_wait3A_214 : memref<10112x16xf32, #tpu.memory_space<vmem_shared>>)
            tpu.yield
          }) : () -> ()
        } else {
        }
        %ge3A = arith.constant 8 : i32
        %ge3A_170 = arith.cmpi sge, %arg1, %ge3A : i32
        %convert_element_type3A_171 = arith.extui %ge3A_170 : i1 to i32
        %cond3A_172 = arith.constant 0 : i32
        %cond3A_173 = arith.cmpi ne, %convert_element_type3A_171, %cond3A_172 : i32
        scf.if %cond3A_173 {
          "tpu.region"() ({
            %run_scoped3A = tpu.sem_alloc : memref<!tpu.dma_semaphore, #tpu.memory_space<semaphore_mem>>
            %dma_start3A_203 = arith.constant 0 : i32
            %dma_start3A_204 = tpu.memref_slice %arg10[%mul3A_151, %dma_start3A_203] : memref<160x125xi32, #tpu.memory_space<vmem>> -> memref<1x125xi32, #tpu.memory_space<vmem>>
            %dma_start3A_205 = tpu.memref_squeeze %dma_start3A_204 : memref<1x125xi32, #tpu.memory_space<vmem>> -> memref<125xi32, #tpu.memory_space<vmem>>
            %dma_start3A_206 = arith.constant 0 : i32
            %dma_start3A_207 = arith.constant 0 : i32
            %dma_start3A_208 = tpu.memref_slice %arg8[%dma_start3A_206, %dma_start3A_207] : memref<10112x16xf32, #tpu.memory_space<vmem_shared>> -> memref<10112x16xf32, #tpu.memory_space<vmem_shared>>
            tpu.enqueue_indirect_dma source(%arg11 : memref<125x16xf32, #tpu.memory_space<vmem>>) target(%dma_start3A_208 : memref<10112x16xf32, #tpu.memory_space<vmem_shared>>) offsets(%dma_start3A_205 : memref<125xi32, #tpu.memory_space<vmem>>) semaphore(%run_scoped3A : memref<!tpu.dma_semaphore, #tpu.memory_space<semaphore_mem>>) {add = true}
            %dma_wait3A_209 = arith.constant 0 : i32
            %dma_wait3A_210 = tpu.memref_slice %arg10[%mul3A_151, %dma_wait3A_209] : memref<160x125xi32, #tpu.memory_space<vmem>> -> memref<1x125xi32, #tpu.memory_space<vmem>>
            %dma_wait3A_211 = tpu.memref_squeeze %dma_wait3A_210 : memref<1x125xi32, #tpu.memory_space<vmem>> -> memref<125xi32, #tpu.memory_space<vmem>>
            %dma_wait3A_212 = arith.constant 0 : i32
            %dma_wait3A_213 = arith.constant 0 : i32
            %dma_wait3A_214 = tpu.memref_slice %arg8[%dma_wait3A_212, %dma_wait3A_213] : memref<10112x16xf32, #tpu.memory_space<vmem_shared>> -> memref<10112x16xf32, #tpu.memory_space<vmem_shared>>
            tpu.wait_indirect_dma semaphore(%run_scoped3A : memref<!tpu.dma_semaphore, #tpu.memory_space<semaphore_mem>>) src(%arg11 : memref<125x16xf32, #tpu.memory_space<vmem>>) dst(%dma_wait3A_214 : memref<10112x16xf32, #tpu.memory_space<vmem_shared>>)
            tpu.yield
          }) : () -> ()
        } else {
        }
        %add3A_174 = arith.constant 2 : i32
        %add3A_175 = arith.addi %mul3A_151, %add3A_174 : i32
        %min3A = arith.constant 159 : i32
        %min3A_176 = arith.minsi %add3A_175, %min3A : i32
        %add3A_177 = arith.constant 1 : i32
        %add3A_178 = arith.addi %mul3A_151, %add3A_177 : i32
        %dma_wait3A_179 = arith.constant 0 : i32
        %dma_wait3A_180 = tpu.memref_slice %arg9[%add3A_178, %dma_wait3A_179] : memref<160x125xi32, #tpu.memory_space<vmem>> -> memref<1x125xi32, #tpu.memory_space<vmem>>
        %dma_wait3A_181 = tpu.memref_squeeze %dma_wait3A_180 : memref<1x125xi32, #tpu.memory_space<vmem>> -> memref<125xi32, #tpu.memory_space<vmem>>
        %dma_wait3A_182 = arith.constant 0 : i32
        %dma_wait3A_183 = arith.constant 0 : i32
        %dma_wait3A_184 = tpu.memref_slice %arg6[%dma_wait3A_182, %dma_wait3A_183] : memref<10112x16xf32, #tpu.memory_space<vmem_shared>> -> memref<10112x16xf32, #tpu.memory_space<vmem_shared>>
        tpu.wait_indirect_dma semaphore(%arg21 : memref<!tpu.dma_semaphore, #tpu.memory_space<semaphore_mem>>) src(%dma_wait3A_184 : memref<10112x16xf32, #tpu.memory_space<vmem_shared>>) dst(%arg12 : memref<125x16xf32, #tpu.memory_space<vmem>>)
        %dma_start3A_185 = arith.constant 0 : i32
        %dma_start3A_186 = tpu.memref_slice %arg9[%min3A_176, %dma_start3A_185] : memref<160x125xi32, #tpu.memory_space<vmem>> -> memref<1x125xi32, #tpu.memory_space<vmem>>
        %dma_start3A_187 = tpu.memref_squeeze %dma_start3A_186 : memref<1x125xi32, #tpu.memory_space<vmem>> -> memref<125xi32, #tpu.memory_space<vmem>>
        %dma_start3A_188 = arith.constant 0 : i32
        %dma_start3A_189 = arith.constant 0 : i32
        %dma_start3A_190 = tpu.memref_slice %arg6[%dma_start3A_188, %dma_start3A_189] : memref<10112x16xf32, #tpu.memory_space<vmem_shared>> -> memref<10112x16xf32, #tpu.memory_space<vmem_shared>>
        tpu.enqueue_indirect_dma source(%dma_start3A_190 : memref<10112x16xf32, #tpu.memory_space<vmem_shared>>) target(%arg11 : memref<125x16xf32, #tpu.memory_space<vmem>>) offsets(%dma_start3A_187 : memref<125xi32, #tpu.memory_space<vmem>>) semaphore(%arg20 : memref<!tpu.dma_semaphore, #tpu.memory_space<semaphore_mem>>)
        %add3A_191 = arith.constant 1 : i32
        %add3A_192 = arith.addi %mul3A_151, %add3A_191 : i32
        %lt3A_193 = arith.constant 8 : i32
        %lt3A_194 = arith.cmpi slt, %arg1, %lt3A_193 : i32
        %convert_element_type3A_195 = arith.extui %lt3A_194 : i1 to i32
        %cond3A_196 = arith.constant 0 : i32
        %cond3A_197 = arith.cmpi ne, %convert_element_type3A_195, %cond3A_196 : i32
        scf.if %cond3A_197 {
          "tpu.region"() ({
            %run_scoped3A = tpu.sem_alloc : memref<!tpu.dma_semaphore, #tpu.memory_space<semaphore_mem>>
            %dma_start3A_203 = arith.constant 0 : i32
            %dma_start3A_204 = tpu.memref_slice %arg10[%add3A_192, %dma_start3A_203] : memref<160x125xi32, #tpu.memory_space<vmem>> -> memref<1x125xi32, #tpu.memory_space<vmem>>
            %dma_start3A_205 = tpu.memref_squeeze %dma_start3A_204 : memref<1x125xi32, #tpu.memory_space<vmem>> -> memref<125xi32, #tpu.memory_space<vmem>>
            %dma_start3A_206 = arith.constant 0 : i32
            %dma_start3A_207 = arith.constant 0 : i32
            %dma_start3A_208 = tpu.memref_slice %arg7[%dma_start3A_206, %dma_start3A_207] : memref<10112x16xf32, #tpu.memory_space<vmem_shared>> -> memref<10112x16xf32, #tpu.memory_space<vmem_shared>>
            tpu.enqueue_indirect_dma source(%arg12 : memref<125x16xf32, #tpu.memory_space<vmem>>) target(%dma_start3A_208 : memref<10112x16xf32, #tpu.memory_space<vmem_shared>>) offsets(%dma_start3A_205 : memref<125xi32, #tpu.memory_space<vmem>>) semaphore(%run_scoped3A : memref<!tpu.dma_semaphore, #tpu.memory_space<semaphore_mem>>) {add = true}
            %dma_wait3A_209 = arith.constant 0 : i32
            %dma_wait3A_210 = tpu.memref_slice %arg10[%add3A_192, %dma_wait3A_209] : memref<160x125xi32, #tpu.memory_space<vmem>> -> memref<1x125xi32, #tpu.memory_space<vmem>>
            %dma_wait3A_211 = tpu.memref_squeeze %dma_wait3A_210 : memref<1x125xi32, #tpu.memory_space<vmem>> -> memref<125xi32, #tpu.memory_space<vmem>>
            %dma_wait3A_212 = arith.constant 0 : i32
            %dma_wait3A_213 = arith.constant 0 : i32
            %dma_wait3A_214 = tpu.memref_slice %arg7[%dma_wait3A_212, %dma_wait3A_213] : memref<10112x16xf32, #tpu.memory_space<vmem_shared>> -> memref<10112x16xf32, #tpu.memory_space<vmem_shared>>
            tpu.wait_indirect_dma semaphore(%run_scoped3A : memref<!tpu.dma_semaphore, #tpu.memory_space<semaphore_mem>>) src(%arg12 : memref<125x16xf32, #tpu.memory_space<vmem>>) dst(%dma_wait3A_214 : memref<10112x16xf32, #tpu.memory_space<vmem_shared>>)
            tpu.yield
          }) : () -> ()
        } else {
        }
        %ge3A_198 = arith.constant 8 : i32
        %ge3A_199 = arith.cmpi sge, %arg1, %ge3A_198 : i32
        %convert_element_type3A_200 = arith.extui %ge3A_199 : i1 to i32
        %cond3A_201 = arith.constant 0 : i32
        %cond3A_202 = arith.cmpi ne, %convert_element_type3A_200, %cond3A_201 : i32
        scf.if %cond3A_202 {
          "tpu.region"() ({
            %run_scoped3A = tpu.sem_alloc : memref<!tpu.dma_semaphore, #tpu.memory_space<semaphore_mem>>
            %dma_start3A_203 = arith.constant 0 : i32
            %dma_start3A_204 = tpu.memref_slice %arg10[%add3A_192, %dma_start3A_203] : memref<160x125xi32, #tpu.memory_space<vmem>> -> memref<1x125xi32, #tpu.memory_space<vmem>>
            %dma_start3A_205 = tpu.memref_squeeze %dma_start3A_204 : memref<1x125xi32, #tpu.memory_space<vmem>> -> memref<125xi32, #tpu.memory_space<vmem>>
            %dma_start3A_206 = arith.constant 0 : i32
            %dma_start3A_207 = arith.constant 0 : i32
            %dma_start3A_208 = tpu.memref_slice %arg8[%dma_start3A_206, %dma_start3A_207] : memref<10112x16xf32, #tpu.memory_space<vmem_shared>> -> memref<10112x16xf32, #tpu.memory_space<vmem_shared>>
            tpu.enqueue_indirect_dma source(%arg12 : memref<125x16xf32, #tpu.memory_space<vmem>>) target(%dma_start3A_208 : memref<10112x16xf32, #tpu.memory_space<vmem_shared>>) offsets(%dma_start3A_205 : memref<125xi32, #tpu.memory_space<vmem>>) semaphore(%run_scoped3A : memref<!tpu.dma_semaphore, #tpu.memory_space<semaphore_mem>>) {add = true}
            %dma_wait3A_209 = arith.constant 0 : i32
            %dma_wait3A_210 = tpu.memref_slice %arg10[%add3A_192, %dma_wait3A_209] : memref<160x125xi32, #tpu.memory_space<vmem>> -> memref<1x125xi32, #tpu.memory_space<vmem>>
            %dma_wait3A_211 = tpu.memref_squeeze %dma_wait3A_210 : memref<1x125xi32, #tpu.memory_space<vmem>> -> memref<125xi32, #tpu.memory_space<vmem>>
            %dma_wait3A_212 = arith.constant 0 : i32
            %dma_wait3A_213 = arith.constant 0 : i32
            %dma_wait3A_214 = tpu.memref_slice %arg8[%dma_wait3A_212, %dma_wait3A_213] : memref<10112x16xf32, #tpu.memory_space<vmem_shared>> -> memref<10112x16xf32, #tpu.memory_space<vmem_shared>>
            tpu.wait_indirect_dma semaphore(%run_scoped3A : memref<!tpu.dma_semaphore, #tpu.memory_space<semaphore_mem>>) src(%arg12 : memref<125x16xf32, #tpu.memory_space<vmem>>) dst(%dma_wait3A_214 : memref<10112x16xf32, #tpu.memory_space<vmem_shared>>)
            tpu.yield
          }) : () -> ()
        } else {
        }
      }
      %scan3A_102 = arith.constant 80 : i32
      %dma_wait3A = arith.constant 0 : i32
      %dma_wait3A_103 = arith.constant 0 : i32
      %dma_wait3A_104 = tpu.memref_slice %arg9[%dma_wait3A, %dma_wait3A_103] : memref<160x125xi32, #tpu.memory_space<vmem>> -> memref<1x125xi32, #tpu.memory_space<vmem>>
      %dma_wait3A_105 = tpu.memref_squeeze %dma_wait3A_104 : memref<1x125xi32, #tpu.memory_space<vmem>> -> memref<125xi32, #tpu.memory_space<vmem>>
      %dma_wait3A_106 = arith.constant 0 : i32
      %dma_wait3A_107 = arith.constant 0 : i32
      %dma_wait3A_108 = tpu.memref_slice %arg6[%dma_wait3A_106, %dma_wait3A_107] : memref<10112x16xf32, #tpu.memory_space<vmem_shared>> -> memref<10112x16xf32, #tpu.memory_space<vmem_shared>>
      tpu.wait_indirect_dma semaphore(%arg20 : memref<!tpu.dma_semaphore, #tpu.memory_space<semaphore_mem>>) src(%dma_wait3A_108 : memref<10112x16xf32, #tpu.memory_space<vmem_shared>>) dst(%arg11 : memref<125x16xf32, #tpu.memory_space<vmem>>)
      %barrier3A_109 = arith.constant 0 : index
      tpu.barrier barrier_id(%barrier3A_109)
      "tpu.region"() ({
        %run_scoped3A = tpu.sem_alloc : memref<!tpu.dma_semaphore, #tpu.memory_space<semaphore_mem>>
        %dma_start3A_149 = arith.constant 0 : i32
        %dma_start3A_150 = tpu.memref_slice %arg7[%mul3A_0, %dma_start3A_149] : memref<10112x16xf32, #tpu.memory_space<vmem_shared>> -> memref<632x16xf32, #tpu.memory_space<vmem_shared>>
        %dma_start3A_151 = arith.constant 0 : i32
        %dma_start3A_152 = tpu.memref_slice %arg7[%mul3A_0, %dma_start3A_151] : memref<10112x16xf32, #tpu.memory_space<vmem_shared>> -> memref<632x16xf32, #tpu.memory_space<vmem_shared>>
        tpu.enqueue_dma source(%dma_start3A_152 : memref<632x16xf32, #tpu.memory_space<vmem_shared>>) target(%arg15 : memref<632x16xf32, #tpu.memory_space<vmem>>) target_semaphore(%run_scoped3A : memref<!tpu.dma_semaphore, #tpu.memory_space<semaphore_mem>>)
        %dma_wait3A_153 = arith.constant 0 : i32
        %dma_wait3A_154 = tpu.memref_slice %arg7[%mul3A_0, %dma_wait3A_153] : memref<10112x16xf32, #tpu.memory_space<vmem_shared>> -> memref<632x16xf32, #tpu.memory_space<vmem_shared>>
        %dma_wait3A_155 = arith.constant 0 : i32
        %dma_wait3A_156 = tpu.memref_slice %arg7[%mul3A_0, %dma_wait3A_155] : memref<10112x16xf32, #tpu.memory_space<vmem_shared>> -> memref<632x16xf32, #tpu.memory_space<vmem_shared>>
        tpu.wait_dma2 semaphore(%run_scoped3A : memref<!tpu.dma_semaphore, #tpu.memory_space<semaphore_mem>>) src(%dma_wait3A_156 : memref<632x16xf32, #tpu.memory_space<vmem_shared>>) dst(%arg15 : memref<632x16xf32, #tpu.memory_space<vmem>>)
        tpu.yield
      }) : () -> ()
      %add3A_110 = arith.constant 0 : i32
      %add3A_111 = arith.addi %mul3A_0, %add3A_110 : i32
      "tpu.region"() ({
        %run_scoped3A = tpu.sem_alloc : memref<!tpu.dma_semaphore, #tpu.memory_space<semaphore_mem>>
        %dma_start3A_149 = arith.constant 0 : i32
        %dma_start3A_150 = tpu.memref_slice %arg7[%add3A_111, %dma_start3A_149] : memref<10112x16xf32, #tpu.memory_space<vmem_shared>> -> memref<79x16xf32, #tpu.memory_space<vmem_shared>>
        %dma_start3A_151 = arith.constant 0 : i32
        %dma_start3A_152 = tpu.memref_slice %arg7[%add3A_111, %dma_start3A_151] : memref<10112x16xf32, #tpu.memory_space<vmem_shared>> -> memref<79x16xf32, #tpu.memory_space<vmem_shared>>
        tpu.enqueue_dma source(%arg14 : memref<79x16xf32, #tpu.memory_space<vmem>>) target(%dma_start3A_152 : memref<79x16xf32, #tpu.memory_space<vmem_shared>>) target_semaphore(%run_scoped3A : memref<!tpu.dma_semaphore, #tpu.memory_space<semaphore_mem>>)
        %dma_wait3A_153 = arith.constant 0 : i32
        %dma_wait3A_154 = tpu.memref_slice %arg7[%add3A_111, %dma_wait3A_153] : memref<10112x16xf32, #tpu.memory_space<vmem_shared>> -> memref<79x16xf32, #tpu.memory_space<vmem_shared>>
        %dma_wait3A_155 = arith.constant 0 : i32
        %dma_wait3A_156 = tpu.memref_slice %arg7[%add3A_111, %dma_wait3A_155] : memref<10112x16xf32, #tpu.memory_space<vmem_shared>> -> memref<79x16xf32, #tpu.memory_space<vmem_shared>>
        tpu.wait_dma2 semaphore(%run_scoped3A : memref<!tpu.dma_semaphore, #tpu.memory_space<semaphore_mem>>) src(%arg14 : memref<79x16xf32, #tpu.memory_space<vmem>>) dst(%dma_wait3A_156 : memref<79x16xf32, #tpu.memory_space<vmem_shared>>)
        tpu.yield
      }) : () -> ()
      %add3A_112 = arith.constant 79 : i32
      %add3A_113 = arith.addi %mul3A_0, %add3A_112 : i32
      "tpu.region"() ({
        %run_scoped3A = tpu.sem_alloc : memref<!tpu.dma_semaphore, #tpu.memory_space<semaphore_mem>>
        %dma_start3A_149 = arith.constant 0 : i32
        %dma_start3A_150 = tpu.memref_slice %arg7[%add3A_113, %dma_start3A_149] : memref<10112x16xf32, #tpu.memory_space<vmem_shared>> -> memref<79x16xf32, #tpu.memory_space<vmem_shared>>
        %dma_start3A_151 = arith.constant 0 : i32
        %dma_start3A_152 = tpu.memref_slice %arg7[%add3A_113, %dma_start3A_151] : memref<10112x16xf32, #tpu.memory_space<vmem_shared>> -> memref<79x16xf32, #tpu.memory_space<vmem_shared>>
        tpu.enqueue_dma source(%arg14 : memref<79x16xf32, #tpu.memory_space<vmem>>) target(%dma_start3A_152 : memref<79x16xf32, #tpu.memory_space<vmem_shared>>) target_semaphore(%run_scoped3A : memref<!tpu.dma_semaphore, #tpu.memory_space<semaphore_mem>>)
        %dma_wait3A_153 = arith.constant 0 : i32
        %dma_wait3A_154 = tpu.memref_slice %arg7[%add3A_113, %dma_wait3A_153] : memref<10112x16xf32, #tpu.memory_space<vmem_shared>> -> memref<79x16xf32, #tpu.memory_space<vmem_shared>>
        %dma_wait3A_155 = arith.constant 0 : i32
        %dma_wait3A_156 = tpu.memref_slice %arg7[%add3A_113, %dma_wait3A_155] : memref<10112x16xf32, #tpu.memory_space<vmem_shared>> -> memref<79x16xf32, #tpu.memory_space<vmem_shared>>
        tpu.wait_dma2 semaphore(%run_scoped3A : memref<!tpu.dma_semaphore, #tpu.memory_space<semaphore_mem>>) src(%arg14 : memref<79x16xf32, #tpu.memory_space<vmem>>) dst(%dma_wait3A_156 : memref<79x16xf32, #tpu.memory_space<vmem_shared>>)
        tpu.yield
      }) : () -> ()
      %add3A_114 = arith.constant 158 : i32
      %add3A_115 = arith.addi %mul3A_0, %add3A_114 : i32
      "tpu.region"() ({
        %run_scoped3A = tpu.sem_alloc : memref<!tpu.dma_semaphore, #tpu.memory_space<semaphore_mem>>
        %dma_start3A_149 = arith.constant 0 : i32
        %dma_start3A_150 = tpu.memref_slice %arg7[%add3A_115, %dma_start3A_149] : memref<10112x16xf32, #tpu.memory_space<vmem_shared>> -> memref<79x16xf32, #tpu.memory_space<vmem_shared>>
        %dma_start3A_151 = arith.constant 0 : i32
        %dma_start3A_152 = tpu.memref_slice %arg7[%add3A_115, %dma_start3A_151] : memref<10112x16xf32, #tpu.memory_space<vmem_shared>> -> memref<79x16xf32, #tpu.memory_space<vmem_shared>>
        tpu.enqueue_dma source(%arg14 : memref<79x16xf32, #tpu.memory_space<vmem>>) target(%dma_start3A_152 : memref<79x16xf32, #tpu.memory_space<vmem_shared>>) target_semaphore(%run_scoped3A : memref<!tpu.dma_semaphore, #tpu.memory_space<semaphore_mem>>)
        %dma_wait3A_153 = arith.constant 0 : i32
        %dma_wait3A_154 = tpu.memref_slice %arg7[%add3A_115, %dma_wait3A_153] : memref<10112x16xf32, #tpu.memory_space<vmem_shared>> -> memref<79x16xf32, #tpu.memory_space<vmem_shared>>
        %dma_wait3A_155 = arith.constant 0 : i32
        %dma_wait3A_156 = tpu.memref_slice %arg7[%add3A_115, %dma_wait3A_155] : memref<10112x16xf32, #tpu.memory_space<vmem_shared>> -> memref<79x16xf32, #tpu.memory_space<vmem_shared>>
        tpu.wait_dma2 semaphore(%run_scoped3A : memref<!tpu.dma_semaphore, #tpu.memory_space<semaphore_mem>>) src(%arg14 : memref<79x16xf32, #tpu.memory_space<vmem>>) dst(%dma_wait3A_156 : memref<79x16xf32, #tpu.memory_space<vmem_shared>>)
        tpu.yield
      }) : () -> ()
      %add3A_116 = arith.constant 237 : i32
      %add3A_117 = arith.addi %mul3A_0, %add3A_116 : i32
      "tpu.region"() ({
        %run_scoped3A = tpu.sem_alloc : memref<!tpu.dma_semaphore, #tpu.memory_space<semaphore_mem>>
        %dma_start3A_149 = arith.constant 0 : i32
        %dma_start3A_150 = tpu.memref_slice %arg7[%add3A_117, %dma_start3A_149] : memref<10112x16xf32, #tpu.memory_space<vmem_shared>> -> memref<79x16xf32, #tpu.memory_space<vmem_shared>>
        %dma_start3A_151 = arith.constant 0 : i32
        %dma_start3A_152 = tpu.memref_slice %arg7[%add3A_117, %dma_start3A_151] : memref<10112x16xf32, #tpu.memory_space<vmem_shared>> -> memref<79x16xf32, #tpu.memory_space<vmem_shared>>
        tpu.enqueue_dma source(%arg14 : memref<79x16xf32, #tpu.memory_space<vmem>>) target(%dma_start3A_152 : memref<79x16xf32, #tpu.memory_space<vmem_shared>>) target_semaphore(%run_scoped3A : memref<!tpu.dma_semaphore, #tpu.memory_space<semaphore_mem>>)
        %dma_wait3A_153 = arith.constant 0 : i32
        %dma_wait3A_154 = tpu.memref_slice %arg7[%add3A_117, %dma_wait3A_153] : memref<10112x16xf32, #tpu.memory_space<vmem_shared>> -> memref<79x16xf32, #tpu.memory_space<vmem_shared>>
        %dma_wait3A_155 = arith.constant 0 : i32
        %dma_wait3A_156 = tpu.memref_slice %arg7[%add3A_117, %dma_wait3A_155] : memref<10112x16xf32, #tpu.memory_space<vmem_shared>> -> memref<79x16xf32, #tpu.memory_space<vmem_shared>>
        tpu.wait_dma2 semaphore(%run_scoped3A : memref<!tpu.dma_semaphore, #tpu.memory_space<semaphore_mem>>) src(%arg14 : memref<79x16xf32, #tpu.memory_space<vmem>>) dst(%dma_wait3A_156 : memref<79x16xf32, #tpu.memory_space<vmem_shared>>)
        tpu.yield
      }) : () -> ()
      %add3A_118 = arith.constant 316 : i32
      %add3A_119 = arith.addi %mul3A_0, %add3A_118 : i32
      "tpu.region"() ({
        %run_scoped3A = tpu.sem_alloc : memref<!tpu.dma_semaphore, #tpu.memory_space<semaphore_mem>>
        %dma_start3A_149 = arith.constant 0 : i32
        %dma_start3A_150 = tpu.memref_slice %arg7[%add3A_119, %dma_start3A_149] : memref<10112x16xf32, #tpu.memory_space<vmem_shared>> -> memref<79x16xf32, #tpu.memory_space<vmem_shared>>
        %dma_start3A_151 = arith.constant 0 : i32
        %dma_start3A_152 = tpu.memref_slice %arg7[%add3A_119, %dma_start3A_151] : memref<10112x16xf32, #tpu.memory_space<vmem_shared>> -> memref<79x16xf32, #tpu.memory_space<vmem_shared>>
        tpu.enqueue_dma source(%arg14 : memref<79x16xf32, #tpu.memory_space<vmem>>) target(%dma_start3A_152 : memref<79x16xf32, #tpu.memory_space<vmem_shared>>) target_semaphore(%run_scoped3A : memref<!tpu.dma_semaphore, #tpu.memory_space<semaphore_mem>>)
        %dma_wait3A_153 = arith.constant 0 : i32
        %dma_wait3A_154 = tpu.memref_slice %arg7[%add3A_119, %dma_wait3A_153] : memref<10112x16xf32, #tpu.memory_space<vmem_shared>> -> memref<79x16xf32, #tpu.memory_space<vmem_shared>>
        %dma_wait3A_155 = arith.constant 0 : i32
        %dma_wait3A_156 = tpu.memref_slice %arg7[%add3A_119, %dma_wait3A_155] : memref<10112x16xf32, #tpu.memory_space<vmem_shared>> -> memref<79x16xf32, #tpu.memory_space<vmem_shared>>
        tpu.wait_dma2 semaphore(%run_scoped3A : memref<!tpu.dma_semaphore, #tpu.memory_space<semaphore_mem>>) src(%arg14 : memref<79x16xf32, #tpu.memory_space<vmem>>) dst(%dma_wait3A_156 : memref<79x16xf32, #tpu.memory_space<vmem_shared>>)
        tpu.yield
      }) : () -> ()
      %add3A_120 = arith.constant 395 : i32
      %add3A_121 = arith.addi %mul3A_0, %add3A_120 : i32
      "tpu.region"() ({
        %run_scoped3A = tpu.sem_alloc : memref<!tpu.dma_semaphore, #tpu.memory_space<semaphore_mem>>
        %dma_start3A_149 = arith.constant 0 : i32
        %dma_start3A_150 = tpu.memref_slice %arg7[%add3A_121, %dma_start3A_149] : memref<10112x16xf32, #tpu.memory_space<vmem_shared>> -> memref<79x16xf32, #tpu.memory_space<vmem_shared>>
        %dma_start3A_151 = arith.constant 0 : i32
        %dma_start3A_152 = tpu.memref_slice %arg7[%add3A_121, %dma_start3A_151] : memref<10112x16xf32, #tpu.memory_space<vmem_shared>> -> memref<79x16xf32, #tpu.memory_space<vmem_shared>>
        tpu.enqueue_dma source(%arg14 : memref<79x16xf32, #tpu.memory_space<vmem>>) target(%dma_start3A_152 : memref<79x16xf32, #tpu.memory_space<vmem_shared>>) target_semaphore(%run_scoped3A : memref<!tpu.dma_semaphore, #tpu.memory_space<semaphore_mem>>)
        %dma_wait3A_153 = arith.constant 0 : i32
        %dma_wait3A_154 = tpu.memref_slice %arg7[%add3A_121, %dma_wait3A_153] : memref<10112x16xf32, #tpu.memory_space<vmem_shared>> -> memref<79x16xf32, #tpu.memory_space<vmem_shared>>
        %dma_wait3A_155 = arith.constant 0 : i32
        %dma_wait3A_156 = tpu.memref_slice %arg7[%add3A_121, %dma_wait3A_155] : memref<10112x16xf32, #tpu.memory_space<vmem_shared>> -> memref<79x16xf32, #tpu.memory_space<vmem_shared>>
        tpu.wait_dma2 semaphore(%run_scoped3A : memref<!tpu.dma_semaphore, #tpu.memory_space<semaphore_mem>>) src(%arg14 : memref<79x16xf32, #tpu.memory_space<vmem>>) dst(%dma_wait3A_156 : memref<79x16xf32, #tpu.memory_space<vmem_shared>>)
        tpu.yield
      }) : () -> ()
      %add3A_122 = arith.constant 474 : i32
      %add3A_123 = arith.addi %mul3A_0, %add3A_122 : i32
      "tpu.region"() ({
        %run_scoped3A = tpu.sem_alloc : memref<!tpu.dma_semaphore, #tpu.memory_space<semaphore_mem>>
        %dma_start3A_149 = arith.constant 0 : i32
        %dma_start3A_150 = tpu.memref_slice %arg7[%add3A_123, %dma_start3A_149] : memref<10112x16xf32, #tpu.memory_space<vmem_shared>> -> memref<79x16xf32, #tpu.memory_space<vmem_shared>>
        %dma_start3A_151 = arith.constant 0 : i32
        %dma_start3A_152 = tpu.memref_slice %arg7[%add3A_123, %dma_start3A_151] : memref<10112x16xf32, #tpu.memory_space<vmem_shared>> -> memref<79x16xf32, #tpu.memory_space<vmem_shared>>
        tpu.enqueue_dma source(%arg14 : memref<79x16xf32, #tpu.memory_space<vmem>>) target(%dma_start3A_152 : memref<79x16xf32, #tpu.memory_space<vmem_shared>>) target_semaphore(%run_scoped3A : memref<!tpu.dma_semaphore, #tpu.memory_space<semaphore_mem>>)
        %dma_wait3A_153 = arith.constant 0 : i32
        %dma_wait3A_154 = tpu.memref_slice %arg7[%add3A_123, %dma_wait3A_153] : memref<10112x16xf32, #tpu.memory_space<vmem_shared>> -> memref<79x16xf32, #tpu.memory_space<vmem_shared>>
        %dma_wait3A_155 = arith.constant 0 : i32
        %dma_wait3A_156 = tpu.memref_slice %arg7[%add3A_123, %dma_wait3A_155] : memref<10112x16xf32, #tpu.memory_space<vmem_shared>> -> memref<79x16xf32, #tpu.memory_space<vmem_shared>>
        tpu.wait_dma2 semaphore(%run_scoped3A : memref<!tpu.dma_semaphore, #tpu.memory_space<semaphore_mem>>) src(%arg14 : memref<79x16xf32, #tpu.memory_space<vmem>>) dst(%dma_wait3A_156 : memref<79x16xf32, #tpu.memory_space<vmem_shared>>)
        tpu.yield
      }) : () -> ()
      %add3A_124 = arith.constant 553 : i32
      %add3A_125 = arith.addi %mul3A_0, %add3A_124 : i32
      "tpu.region"() ({
        %run_scoped3A = tpu.sem_alloc : memref<!tpu.dma_semaphore, #tpu.memory_space<semaphore_mem>>
        %dma_start3A_149 = arith.constant 0 : i32
        %dma_start3A_150 = tpu.memref_slice %arg7[%add3A_125, %dma_start3A_149] : memref<10112x16xf32, #tpu.memory_space<vmem_shared>> -> memref<79x16xf32, #tpu.memory_space<vmem_shared>>
        %dma_start3A_151 = arith.constant 0 : i32
        %dma_start3A_152 = tpu.memref_slice %arg7[%add3A_125, %dma_start3A_151] : memref<10112x16xf32, #tpu.memory_space<vmem_shared>> -> memref<79x16xf32, #tpu.memory_space<vmem_shared>>
        tpu.enqueue_dma source(%arg14 : memref<79x16xf32, #tpu.memory_space<vmem>>) target(%dma_start3A_152 : memref<79x16xf32, #tpu.memory_space<vmem_shared>>) target_semaphore(%run_scoped3A : memref<!tpu.dma_semaphore, #tpu.memory_space<semaphore_mem>>)
        %dma_wait3A_153 = arith.constant 0 : i32
        %dma_wait3A_154 = tpu.memref_slice %arg7[%add3A_125, %dma_wait3A_153] : memref<10112x16xf32, #tpu.memory_space<vmem_shared>> -> memref<79x16xf32, #tpu.memory_space<vmem_shared>>
        %dma_wait3A_155 = arith.constant 0 : i32
        %dma_wait3A_156 = tpu.memref_slice %arg7[%add3A_125, %dma_wait3A_155] : memref<10112x16xf32, #tpu.memory_space<vmem_shared>> -> memref<79x16xf32, #tpu.memory_space<vmem_shared>>
        tpu.wait_dma2 semaphore(%run_scoped3A : memref<!tpu.dma_semaphore, #tpu.memory_space<semaphore_mem>>) src(%arg14 : memref<79x16xf32, #tpu.memory_space<vmem>>) dst(%dma_wait3A_156 : memref<79x16xf32, #tpu.memory_space<vmem_shared>>)
        tpu.yield
      }) : () -> ()
      %parallel_loop3A_126 = arith.constant 0 : i32
      %parallel_loop3A_127 = arith.constant 632 : i32
      %parallel_loop3A_128 = arith.constant 1 : i32
      scf.for %parallel_loop3A_149 = %parallel_loop3A_126 to %parallel_loop3A_127 step %parallel_loop3A_128  : i32 {
        %parallel_loop3A_150 = arith.index_cast %parallel_loop3A_149 : i32 to index
        %parallel_loop3A_151 = arith.constant 0 : index
        %parallel_loop3A_152 = tpu.vector_load %arg15[%parallel_loop3A_150, %parallel_loop3A_151] {strides = array<i32>} : memref<632x16xf32, #tpu.memory_space<vmem>>, vector<1x16xf32>,
        %parallel_loop3A_153 = vector.shape_cast %parallel_loop3A_152 : vector<1x16xf32> to vector<16xf32>
        %parallel_loop3A_154 = arith.index_cast %parallel_loop3A_149 : i32 to index
        %parallel_loop3A_155 = arith.constant 0 : index
        %parallel_loop3A_156 = tpu.vector_load %arg19[%parallel_loop3A_154, %parallel_loop3A_155] {strides = array<i32>} : memref<632x16xf32, #tpu.memory_space<vmem>>, vector<1x16xf32>,
        %parallel_loop3A_157 = vector.shape_cast %parallel_loop3A_156 : vector<1x16xf32> to vector<16xf32>
        %parallel_loop3A_158 = arith.addf %parallel_loop3A_153, %parallel_loop3A_157 : vector<16xf32>
        %parallel_loop3A_159 = arith.index_cast %parallel_loop3A_149 : i32 to index
        %parallel_loop3A_160 = arith.constant 0 : index
        %parallel_loop3A_161 = tpu.vector_load %arg19[%parallel_loop3A_159, %parallel_loop3A_160] {strides = array<i32>} : memref<632x16xf32, #tpu.memory_space<vmem>>, vector<1x16xf32>,
        %parallel_loop3A_162 = vector.shape_cast %parallel_loop3A_161 : vector<1x16xf32> to vector<16xf32>
        %parallel_loop3A_163 = vector.shape_cast %parallel_loop3A_158 : vector<16xf32> to vector<1x16xf32>
        tpu.vector_store %arg19[%parallel_loop3A_159, %parallel_loop3A_160], %parallel_loop3A_163 {strides = array<i32>} : memref<632x16xf32, #tpu.memory_space<vmem>>, vector<1x16xf32>,
      } {sc.loop_unroll_factor = 8 : i64, sc.parallel_access}
      "tpu.region"() ({
        %run_scoped3A = tpu.sem_alloc : memref<!tpu.dma_semaphore, #tpu.memory_space<semaphore_mem>>
        %dma_start3A_149 = arith.constant 0 : i32
        %dma_start3A_150 = tpu.memref_slice %arg8[%mul3A_0, %dma_start3A_149] : memref<10112x16xf32, #tpu.memory_space<vmem_shared>> -> memref<632x16xf32, #tpu.memory_space<vmem_shared>>
        %dma_start3A_151 = arith.constant 0 : i32
        %dma_start3A_152 = tpu.memref_slice %arg8[%mul3A_0, %dma_start3A_151] : memref<10112x16xf32, #tpu.memory_space<vmem_shared>> -> memref<632x16xf32, #tpu.memory_space<vmem_shared>>
        tpu.enqueue_dma source(%dma_start3A_152 : memref<632x16xf32, #tpu.memory_space<vmem_shared>>) target(%arg15 : memref<632x16xf32, #tpu.memory_space<vmem>>) target_semaphore(%run_scoped3A : memref<!tpu.dma_semaphore, #tpu.memory_space<semaphore_mem>>)
        %dma_wait3A_153 = arith.constant 0 : i32
        %dma_wait3A_154 = tpu.memref_slice %arg8[%mul3A_0, %dma_wait3A_153] : memref<10112x16xf32, #tpu.memory_space<vmem_shared>> -> memref<632x16xf32, #tpu.memory_space<vmem_shared>>
        %dma_wait3A_155 = arith.constant 0 : i32
        %dma_wait3A_156 = tpu.memref_slice %arg8[%mul3A_0, %dma_wait3A_155] : memref<10112x16xf32, #tpu.memory_space<vmem_shared>> -> memref<632x16xf32, #tpu.memory_space<vmem_shared>>
        tpu.wait_dma2 semaphore(%run_scoped3A : memref<!tpu.dma_semaphore, #tpu.memory_space<semaphore_mem>>) src(%dma_wait3A_156 : memref<632x16xf32, #tpu.memory_space<vmem_shared>>) dst(%arg15 : memref<632x16xf32, #tpu.memory_space<vmem>>)
        tpu.yield
      }) : () -> ()
      %add3A_129 = arith.constant 0 : i32
      %add3A_130 = arith.addi %mul3A_0, %add3A_129 : i32
      "tpu.region"() ({
        %run_scoped3A = tpu.sem_alloc : memref<!tpu.dma_semaphore, #tpu.memory_space<semaphore_mem>>
        %dma_start3A_149 = arith.constant 0 : i32
        %dma_start3A_150 = tpu.memref_slice %arg8[%add3A_130, %dma_start3A_149] : memref<10112x16xf32, #tpu.memory_space<vmem_shared>> -> memref<79x16xf32, #tpu.memory_space<vmem_shared>>
        %dma_start3A_151 = arith.constant 0 : i32
        %dma_start3A_152 = tpu.memref_slice %arg8[%add3A_130, %dma_start3A_151] : memref<10112x16xf32, #tpu.memory_space<vmem_shared>> -> memref<79x16xf32, #tpu.memory_space<vmem_shared>>
        tpu.enqueue_dma source(%arg14 : memref<79x16xf32, #tpu.memory_space<vmem>>) target(%dma_start3A_152 : memref<79x16xf32, #tpu.memory_space<vmem_shared>>) target_semaphore(%run_scoped3A : memref<!tpu.dma_semaphore, #tpu.memory_space<semaphore_mem>>)
        %dma_wait3A_153 = arith.constant 0 : i32
        %dma_wait3A_154 = tpu.memref_slice %arg8[%add3A_130, %dma_wait3A_153] : memref<10112x16xf32, #tpu.memory_space<vmem_shared>> -> memref<79x16xf32, #tpu.memory_space<vmem_shared>>
        %dma_wait3A_155 = arith.constant 0 : i32
        %dma_wait3A_156 = tpu.memref_slice %arg8[%add3A_130, %dma_wait3A_155] : memref<10112x16xf32, #tpu.memory_space<vmem_shared>> -> memref<79x16xf32, #tpu.memory_space<vmem_shared>>
        tpu.wait_dma2 semaphore(%run_scoped3A : memref<!tpu.dma_semaphore, #tpu.memory_space<semaphore_mem>>) src(%arg14 : memref<79x16xf32, #tpu.memory_space<vmem>>) dst(%dma_wait3A_156 : memref<79x16xf32, #tpu.memory_space<vmem_shared>>)
        tpu.yield
      }) : () -> ()
      %add3A_131 = arith.constant 79 : i32
      %add3A_132 = arith.addi %mul3A_0, %add3A_131 : i32
      "tpu.region"() ({
        %run_scoped3A = tpu.sem_alloc : memref<!tpu.dma_semaphore, #tpu.memory_space<semaphore_mem>>
        %dma_start3A_149 = arith.constant 0 : i32
        %dma_start3A_150 = tpu.memref_slice %arg8[%add3A_132, %dma_start3A_149] : memref<10112x16xf32, #tpu.memory_space<vmem_shared>> -> memref<79x16xf32, #tpu.memory_space<vmem_shared>>
        %dma_start3A_151 = arith.constant 0 : i32
        %dma_start3A_152 = tpu.memref_slice %arg8[%add3A_132, %dma_start3A_151] : memref<10112x16xf32, #tpu.memory_space<vmem_shared>> -> memref<79x16xf32, #tpu.memory_space<vmem_shared>>
        tpu.enqueue_dma source(%arg14 : memref<79x16xf32, #tpu.memory_space<vmem>>) target(%dma_start3A_152 : memref<79x16xf32, #tpu.memory_space<vmem_shared>>) target_semaphore(%run_scoped3A : memref<!tpu.dma_semaphore, #tpu.memory_space<semaphore_mem>>)
        %dma_wait3A_153 = arith.constant 0 : i32
        %dma_wait3A_154 = tpu.memref_slice %arg8[%add3A_132, %dma_wait3A_153] : memref<10112x16xf32, #tpu.memory_space<vmem_shared>> -> memref<79x16xf32, #tpu.memory_space<vmem_shared>>
        %dma_wait3A_155 = arith.constant 0 : i32
        %dma_wait3A_156 = tpu.memref_slice %arg8[%add3A_132, %dma_wait3A_155] : memref<10112x16xf32, #tpu.memory_space<vmem_shared>> -> memref<79x16xf32, #tpu.memory_space<vmem_shared>>
        tpu.wait_dma2 semaphore(%run_scoped3A : memref<!tpu.dma_semaphore, #tpu.memory_space<semaphore_mem>>) src(%arg14 : memref<79x16xf32, #tpu.memory_space<vmem>>) dst(%dma_wait3A_156 : memref<79x16xf32, #tpu.memory_space<vmem_shared>>)
        tpu.yield
      }) : () -> ()
      %add3A_133 = arith.constant 158 : i32
      %add3A_134 = arith.addi %mul3A_0, %add3A_133 : i32
      "tpu.region"() ({
        %run_scoped3A = tpu.sem_alloc : memref<!tpu.dma_semaphore, #tpu.memory_space<semaphore_mem>>
        %dma_start3A_149 = arith.constant 0 : i32
        %dma_start3A_150 = tpu.memref_slice %arg8[%add3A_134, %dma_start3A_149] : memref<10112x16xf32, #tpu.memory_space<vmem_shared>> -> memref<79x16xf32, #tpu.memory_space<vmem_shared>>
        %dma_start3A_151 = arith.constant 0 : i32
        %dma_start3A_152 = tpu.memref_slice %arg8[%add3A_134, %dma_start3A_151] : memref<10112x16xf32, #tpu.memory_space<vmem_shared>> -> memref<79x16xf32, #tpu.memory_space<vmem_shared>>
        tpu.enqueue_dma source(%arg14 : memref<79x16xf32, #tpu.memory_space<vmem>>) target(%dma_start3A_152 : memref<79x16xf32, #tpu.memory_space<vmem_shared>>) target_semaphore(%run_scoped3A : memref<!tpu.dma_semaphore, #tpu.memory_space<semaphore_mem>>)
        %dma_wait3A_153 = arith.constant 0 : i32
        %dma_wait3A_154 = tpu.memref_slice %arg8[%add3A_134, %dma_wait3A_153] : memref<10112x16xf32, #tpu.memory_space<vmem_shared>> -> memref<79x16xf32, #tpu.memory_space<vmem_shared>>
        %dma_wait3A_155 = arith.constant 0 : i32
        %dma_wait3A_156 = tpu.memref_slice %arg8[%add3A_134, %dma_wait3A_155] : memref<10112x16xf32, #tpu.memory_space<vmem_shared>> -> memref<79x16xf32, #tpu.memory_space<vmem_shared>>
        tpu.wait_dma2 semaphore(%run_scoped3A : memref<!tpu.dma_semaphore, #tpu.memory_space<semaphore_mem>>) src(%arg14 : memref<79x16xf32, #tpu.memory_space<vmem>>) dst(%dma_wait3A_156 : memref<79x16xf32, #tpu.memory_space<vmem_shared>>)
        tpu.yield
      }) : () -> ()
      %add3A_135 = arith.constant 237 : i32
      %add3A_136 = arith.addi %mul3A_0, %add3A_135 : i32
      "tpu.region"() ({
        %run_scoped3A = tpu.sem_alloc : memref<!tpu.dma_semaphore, #tpu.memory_space<semaphore_mem>>
        %dma_start3A_149 = arith.constant 0 : i32
        %dma_start3A_150 = tpu.memref_slice %arg8[%add3A_136, %dma_start3A_149] : memref<10112x16xf32, #tpu.memory_space<vmem_shared>> -> memref<79x16xf32, #tpu.memory_space<vmem_shared>>
        %dma_start3A_151 = arith.constant 0 : i32
        %dma_start3A_152 = tpu.memref_slice %arg8[%add3A_136, %dma_start3A_151] : memref<10112x16xf32, #tpu.memory_space<vmem_shared>> -> memref<79x16xf32, #tpu.memory_space<vmem_shared>>
        tpu.enqueue_dma source(%arg14 : memref<79x16xf32, #tpu.memory_space<vmem>>) target(%dma_start3A_152 : memref<79x16xf32, #tpu.memory_space<vmem_shared>>) target_semaphore(%run_scoped3A : memref<!tpu.dma_semaphore, #tpu.memory_space<semaphore_mem>>)
        %dma_wait3A_153 = arith.constant 0 : i32
        %dma_wait3A_154 = tpu.memref_slice %arg8[%add3A_136, %dma_wait3A_153] : memref<10112x16xf32, #tpu.memory_space<vmem_shared>> -> memref<79x16xf32, #tpu.memory_space<vmem_shared>>
        %dma_wait3A_155 = arith.constant 0 : i32
        %dma_wait3A_156 = tpu.memref_slice %arg8[%add3A_136, %dma_wait3A_155] : memref<10112x16xf32, #tpu.memory_space<vmem_shared>> -> memref<79x16xf32, #tpu.memory_space<vmem_shared>>
        tpu.wait_dma2 semaphore(%run_scoped3A : memref<!tpu.dma_semaphore, #tpu.memory_space<semaphore_mem>>) src(%arg14 : memref<79x16xf32, #tpu.memory_space<vmem>>) dst(%dma_wait3A_156 : memref<79x16xf32, #tpu.memory_space<vmem_shared>>)
        tpu.yield
      }) : () -> ()
      %add3A_137 = arith.constant 316 : i32
      %add3A_138 = arith.addi %mul3A_0, %add3A_137 : i32
      "tpu.region"() ({
        %run_scoped3A = tpu.sem_alloc : memref<!tpu.dma_semaphore, #tpu.memory_space<semaphore_mem>>
        %dma_start3A_149 = arith.constant 0 : i32
        %dma_start3A_150 = tpu.memref_slice %arg8[%add3A_138, %dma_start3A_149] : memref<10112x16xf32, #tpu.memory_space<vmem_shared>> -> memref<79x16xf32, #tpu.memory_space<vmem_shared>>
        %dma_start3A_151 = arith.constant 0 : i32
        %dma_start3A_152 = tpu.memref_slice %arg8[%add3A_138, %dma_start3A_151] : memref<10112x16xf32, #tpu.memory_space<vmem_shared>> -> memref<79x16xf32, #tpu.memory_space<vmem_shared>>
        tpu.enqueue_dma source(%arg14 : memref<79x16xf32, #tpu.memory_space<vmem>>) target(%dma_start3A_152 : memref<79x16xf32, #tpu.memory_space<vmem_shared>>) target_semaphore(%run_scoped3A : memref<!tpu.dma_semaphore, #tpu.memory_space<semaphore_mem>>)
        %dma_wait3A_153 = arith.constant 0 : i32
        %dma_wait3A_154 = tpu.memref_slice %arg8[%add3A_138, %dma_wait3A_153] : memref<10112x16xf32, #tpu.memory_space<vmem_shared>> -> memref<79x16xf32, #tpu.memory_space<vmem_shared>>
        %dma_wait3A_155 = arith.constant 0 : i32
        %dma_wait3A_156 = tpu.memref_slice %arg8[%add3A_138, %dma_wait3A_155] : memref<10112x16xf32, #tpu.memory_space<vmem_shared>> -> memref<79x16xf32, #tpu.memory_space<vmem_shared>>
        tpu.wait_dma2 semaphore(%run_scoped3A : memref<!tpu.dma_semaphore, #tpu.memory_space<semaphore_mem>>) src(%arg14 : memref<79x16xf32, #tpu.memory_space<vmem>>) dst(%dma_wait3A_156 : memref<79x16xf32, #tpu.memory_space<vmem_shared>>)
        tpu.yield
      }) : () -> ()
      %add3A_139 = arith.constant 395 : i32
      %add3A_140 = arith.addi %mul3A_0, %add3A_139 : i32
      "tpu.region"() ({
        %run_scoped3A = tpu.sem_alloc : memref<!tpu.dma_semaphore, #tpu.memory_space<semaphore_mem>>
        %dma_start3A_149 = arith.constant 0 : i32
        %dma_start3A_150 = tpu.memref_slice %arg8[%add3A_140, %dma_start3A_149] : memref<10112x16xf32, #tpu.memory_space<vmem_shared>> -> memref<79x16xf32, #tpu.memory_space<vmem_shared>>
        %dma_start3A_151 = arith.constant 0 : i32
        %dma_start3A_152 = tpu.memref_slice %arg8[%add3A_140, %dma_start3A_151] : memref<10112x16xf32, #tpu.memory_space<vmem_shared>> -> memref<79x16xf32, #tpu.memory_space<vmem_shared>>
        tpu.enqueue_dma source(%arg14 : memref<79x16xf32, #tpu.memory_space<vmem>>) target(%dma_start3A_152 : memref<79x16xf32, #tpu.memory_space<vmem_shared>>) target_semaphore(%run_scoped3A : memref<!tpu.dma_semaphore, #tpu.memory_space<semaphore_mem>>)
        %dma_wait3A_153 = arith.constant 0 : i32
        %dma_wait3A_154 = tpu.memref_slice %arg8[%add3A_140, %dma_wait3A_153] : memref<10112x16xf32, #tpu.memory_space<vmem_shared>> -> memref<79x16xf32, #tpu.memory_space<vmem_shared>>
        %dma_wait3A_155 = arith.constant 0 : i32
        %dma_wait3A_156 = tpu.memref_slice %arg8[%add3A_140, %dma_wait3A_155] : memref<10112x16xf32, #tpu.memory_space<vmem_shared>> -> memref<79x16xf32, #tpu.memory_space<vmem_shared>>
        tpu.wait_dma2 semaphore(%run_scoped3A : memref<!tpu.dma_semaphore, #tpu.memory_space<semaphore_mem>>) src(%arg14 : memref<79x16xf32, #tpu.memory_space<vmem>>) dst(%dma_wait3A_156 : memref<79x16xf32, #tpu.memory_space<vmem_shared>>)
        tpu.yield
      }) : () -> ()
      %add3A_141 = arith.constant 474 : i32
      %add3A_142 = arith.addi %mul3A_0, %add3A_141 : i32
      "tpu.region"() ({
        %run_scoped3A = tpu.sem_alloc : memref<!tpu.dma_semaphore, #tpu.memory_space<semaphore_mem>>
        %dma_start3A_149 = arith.constant 0 : i32
        %dma_start3A_150 = tpu.memref_slice %arg8[%add3A_142, %dma_start3A_149] : memref<10112x16xf32, #tpu.memory_space<vmem_shared>> -> memref<79x16xf32, #tpu.memory_space<vmem_shared>>
        %dma_start3A_151 = arith.constant 0 : i32
        %dma_start3A_152 = tpu.memref_slice %arg8[%add3A_142, %dma_start3A_151] : memref<10112x16xf32, #tpu.memory_space<vmem_shared>> -> memref<79x16xf32, #tpu.memory_space<vmem_shared>>
        tpu.enqueue_dma source(%arg14 : memref<79x16xf32, #tpu.memory_space<vmem>>) target(%dma_start3A_152 : memref<79x16xf32, #tpu.memory_space<vmem_shared>>) target_semaphore(%run_scoped3A : memref<!tpu.dma_semaphore, #tpu.memory_space<semaphore_mem>>)
        %dma_wait3A_153 = arith.constant 0 : i32
        %dma_wait3A_154 = tpu.memref_slice %arg8[%add3A_142, %dma_wait3A_153] : memref<10112x16xf32, #tpu.memory_space<vmem_shared>> -> memref<79x16xf32, #tpu.memory_space<vmem_shared>>
        %dma_wait3A_155 = arith.constant 0 : i32
        %dma_wait3A_156 = tpu.memref_slice %arg8[%add3A_142, %dma_wait3A_155] : memref<10112x16xf32, #tpu.memory_space<vmem_shared>> -> memref<79x16xf32, #tpu.memory_space<vmem_shared>>
        tpu.wait_dma2 semaphore(%run_scoped3A : memref<!tpu.dma_semaphore, #tpu.memory_space<semaphore_mem>>) src(%arg14 : memref<79x16xf32, #tpu.memory_space<vmem>>) dst(%dma_wait3A_156 : memref<79x16xf32, #tpu.memory_space<vmem_shared>>)
        tpu.yield
      }) : () -> ()
      %add3A_143 = arith.constant 553 : i32
      %add3A_144 = arith.addi %mul3A_0, %add3A_143 : i32
      "tpu.region"() ({
        %run_scoped3A = tpu.sem_alloc : memref<!tpu.dma_semaphore, #tpu.memory_space<semaphore_mem>>
        %dma_start3A_149 = arith.constant 0 : i32
        %dma_start3A_150 = tpu.memref_slice %arg8[%add3A_144, %dma_start3A_149] : memref<10112x16xf32, #tpu.memory_space<vmem_shared>> -> memref<79x16xf32, #tpu.memory_space<vmem_shared>>
        %dma_start3A_151 = arith.constant 0 : i32
        %dma_start3A_152 = tpu.memref_slice %arg8[%add3A_144, %dma_start3A_151] : memref<10112x16xf32, #tpu.memory_space<vmem_shared>> -> memref<79x16xf32, #tpu.memory_space<vmem_shared>>
        tpu.enqueue_dma source(%arg14 : memref<79x16xf32, #tpu.memory_space<vmem>>) target(%dma_start3A_152 : memref<79x16xf32, #tpu.memory_space<vmem_shared>>) target_semaphore(%run_scoped3A : memref<!tpu.dma_semaphore, #tpu.memory_space<semaphore_mem>>)
        %dma_wait3A_153 = arith.constant 0 : i32
        %dma_wait3A_154 = tpu.memref_slice %arg8[%add3A_144, %dma_wait3A_153] : memref<10112x16xf32, #tpu.memory_space<vmem_shared>> -> memref<79x16xf32, #tpu.memory_space<vmem_shared>>
        %dma_wait3A_155 = arith.constant 0 : i32
        %dma_wait3A_156 = tpu.memref_slice %arg8[%add3A_144, %dma_wait3A_155] : memref<10112x16xf32, #tpu.memory_space<vmem_shared>> -> memref<79x16xf32, #tpu.memory_space<vmem_shared>>
        tpu.wait_dma2 semaphore(%run_scoped3A : memref<!tpu.dma_semaphore, #tpu.memory_space<semaphore_mem>>) src(%arg14 : memref<79x16xf32, #tpu.memory_space<vmem>>) dst(%dma_wait3A_156 : memref<79x16xf32, #tpu.memory_space<vmem_shared>>)
        tpu.yield
      }) : () -> ()
      %parallel_loop3A_145 = arith.constant 0 : i32
      %parallel_loop3A_146 = arith.constant 632 : i32
      %parallel_loop3A_147 = arith.constant 1 : i32
      scf.for %parallel_loop3A_149 = %parallel_loop3A_145 to %parallel_loop3A_146 step %parallel_loop3A_147  : i32 {
        %parallel_loop3A_150 = arith.index_cast %parallel_loop3A_149 : i32 to index
        %parallel_loop3A_151 = arith.constant 0 : index
        %parallel_loop3A_152 = tpu.vector_load %arg16[%parallel_loop3A_150, %parallel_loop3A_151] {strides = array<i32>} : memref<632x16xf32, #tpu.memory_space<vmem>>, vector<1x16xf32>,
        %parallel_loop3A_153 = vector.shape_cast %parallel_loop3A_152 : vector<1x16xf32> to vector<16xf32>
        %parallel_loop3A_154 = arith.index_cast %parallel_loop3A_149 : i32 to index
        %parallel_loop3A_155 = arith.constant 0 : index
        %parallel_loop3A_156 = tpu.vector_load %arg15[%parallel_loop3A_154, %parallel_loop3A_155] {strides = array<i32>} : memref<632x16xf32, #tpu.memory_space<vmem>>, vector<1x16xf32>,
        %parallel_loop3A_157 = vector.shape_cast %parallel_loop3A_156 : vector<1x16xf32> to vector<16xf32>
        %parallel_loop3A_158 = arith.index_cast %parallel_loop3A_149 : i32 to index
        %parallel_loop3A_159 = arith.constant 0 : index
        %parallel_loop3A_160 = tpu.vector_load %arg19[%parallel_loop3A_158, %parallel_loop3A_159] {strides = array<i32>} : memref<632x16xf32, #tpu.memory_space<vmem>>, vector<1x16xf32>,
        %parallel_loop3A_161 = vector.shape_cast %parallel_loop3A_160 : vector<1x16xf32> to vector<16xf32>
        %parallel_loop3A_162 = arith.addf %parallel_loop3A_157, %parallel_loop3A_161 : vector<16xf32>
        %parallel_loop3A_163 = arith.mulf %parallel_loop3A_153, %parallel_loop3A_162 : vector<16xf32>
        %parallel_loop3A_164 = arith.index_cast %parallel_loop3A_149 : i32 to index
        %parallel_loop3A_165 = arith.constant 0 : index
        %parallel_loop3A_166 = tpu.vector_load %arg17[%parallel_loop3A_164, %parallel_loop3A_165] {strides = array<i32>} : memref<632x16xf32, #tpu.memory_space<vmem>>, vector<1x16xf32>,
        %parallel_loop3A_167 = vector.shape_cast %parallel_loop3A_166 : vector<1x16xf32> to vector<16xf32>
        %parallel_loop3A_168 = arith.addf %parallel_loop3A_163, %parallel_loop3A_167 : vector<16xf32>
        %parallel_loop3A_169 = arith.index_cast %parallel_loop3A_149 : i32 to index
        %parallel_loop3A_170 = arith.constant 0 : index
        %parallel_loop3A_171 = tpu.vector_load %arg19[%parallel_loop3A_169, %parallel_loop3A_170] {strides = array<i32>} : memref<632x16xf32, #tpu.memory_space<vmem>>, vector<1x16xf32>,
        %parallel_loop3A_172 = vector.shape_cast %parallel_loop3A_171 : vector<1x16xf32> to vector<16xf32>
        %parallel_loop3A_173 = vector.shape_cast %parallel_loop3A_168 : vector<16xf32> to vector<1x16xf32>
        tpu.vector_store %arg19[%parallel_loop3A_169, %parallel_loop3A_170], %parallel_loop3A_173 {strides = array<i32>} : memref<632x16xf32, #tpu.memory_space<vmem>>, vector<1x16xf32>,
      } {sc.loop_unroll_factor = 8 : i64, sc.parallel_access}
      "tpu.region"() ({
        %run_scoped3A = tpu.sem_alloc : memref<!tpu.dma_semaphore, #tpu.memory_space<semaphore_mem>>
        %dma_start3A_149 = arith.constant 0 : i32
        %dma_start3A_150 = tpu.memref_slice %arg6[%mul3A_0, %dma_start3A_149] : memref<10112x16xf32, #tpu.memory_space<vmem_shared>> -> memref<632x16xf32, #tpu.memory_space<vmem_shared>>
        %dma_start3A_151 = arith.constant 0 : i32
        %dma_start3A_152 = tpu.memref_slice %arg6[%mul3A_0, %dma_start3A_151] : memref<10112x16xf32, #tpu.memory_space<vmem_shared>> -> memref<632x16xf32, #tpu.memory_space<vmem_shared>>
        tpu.enqueue_dma source(%arg19 : memref<632x16xf32, #tpu.memory_space<vmem>>) target(%dma_start3A_152 : memref<632x16xf32, #tpu.memory_space<vmem_shared>>) target_semaphore(%run_scoped3A : memref<!tpu.dma_semaphore, #tpu.memory_space<semaphore_mem>>)
        %dma_wait3A_153 = arith.constant 0 : i32
        %dma_wait3A_154 = tpu.memref_slice %arg6[%mul3A_0, %dma_wait3A_153] : memref<10112x16xf32, #tpu.memory_space<vmem_shared>> -> memref<632x16xf32, #tpu.memory_space<vmem_shared>>
        %dma_wait3A_155 = arith.constant 0 : i32
        %dma_wait3A_156 = tpu.memref_slice %arg6[%mul3A_0, %dma_wait3A_155] : memref<10112x16xf32, #tpu.memory_space<vmem_shared>> -> memref<632x16xf32, #tpu.memory_space<vmem_shared>>
        tpu.wait_dma2 semaphore(%run_scoped3A : memref<!tpu.dma_semaphore, #tpu.memory_space<semaphore_mem>>) src(%arg19 : memref<632x16xf32, #tpu.memory_space<vmem>>) dst(%dma_wait3A_156 : memref<632x16xf32, #tpu.memory_space<vmem_shared>>)
        tpu.yield
      }) : () -> ()
      %barrier3A_148 = arith.constant 0 : index
      tpu.barrier barrier_id(%barrier3A_148)
    }
    %scan3A_87 = arith.constant 10 : i32
    %eq3A = arith.constant 0 : i32
    %eq3A_88 = arith.cmpi eq, %arg0, %eq3A : i32
    %convert_element_type3A = arith.extui %eq3A_88 : i1 to i32
    %cond3A = arith.constant 0 : i32
    %cond3A_89 = arith.cmpi ne, %convert_element_type3A, %cond3A : i32
    scf.if %cond3A_89 {
      %parallel_loop3A_90 = arith.constant 0 : i32
      %parallel_loop3A_91 = arith.constant 632 : i32
      %parallel_loop3A_92 = arith.constant 1 : i32
      scf.for %parallel_loop3A_93 = %parallel_loop3A_90 to %parallel_loop3A_91 step %parallel_loop3A_92  : i32 {
        %parallel_loop3A_94 = arith.index_cast %parallel_loop3A_93 : i32 to index
        %parallel_loop3A_95 = arith.constant 0 : index
        %parallel_loop3A_96 = tpu.vector_load %arg19[%parallel_loop3A_94, %parallel_loop3A_95] {strides = array<i32>} : memref<632x16xf32, #tpu.memory_space<vmem>>, vector<1x16xf32>,
        %parallel_loop3A_97 = vector.shape_cast %parallel_loop3A_96 : vector<1x16xf32> to vector<16xf32>
        %parallel_loop3A_98 = arith.index_cast %parallel_loop3A_93 : i32 to index
        %parallel_loop3A_99 = arith.constant 0 : index
        %parallel_loop3A_100 = tpu.vector_load %arg18[%parallel_loop3A_98, %parallel_loop3A_99] {strides = array<i32>} : memref<632x16xf32, #tpu.memory_space<vmem>>, vector<1x16xf32>,
        %parallel_loop3A_101 = vector.shape_cast %parallel_loop3A_100 : vector<1x16xf32> to vector<16xf32>
        %parallel_loop3A_102 = arith.divf %parallel_loop3A_97, %parallel_loop3A_101 : vector<16xf32>
        %parallel_loop3A_103 = arith.index_cast %parallel_loop3A_93 : i32 to index
        %parallel_loop3A_104 = arith.constant 0 : index
        %parallel_loop3A_105 = tpu.vector_load %arg15[%parallel_loop3A_103, %parallel_loop3A_104] {strides = array<i32>} : memref<632x16xf32, #tpu.memory_space<vmem>>, vector<1x16xf32>,
        %parallel_loop3A_106 = vector.shape_cast %parallel_loop3A_105 : vector<1x16xf32> to vector<16xf32>
        %parallel_loop3A_107 = vector.shape_cast %parallel_loop3A_102 : vector<16xf32> to vector<1x16xf32>
        tpu.vector_store %arg15[%parallel_loop3A_103, %parallel_loop3A_104], %parallel_loop3A_107 {strides = array<i32>} : memref<632x16xf32, #tpu.memory_space<vmem>>, vector<1x16xf32>,
      } {sc.loop_unroll_factor = 8 : i64, sc.parallel_access}
      "tpu.region"() ({
        %run_scoped3A = tpu.sem_alloc : memref<!tpu.dma_semaphore, #tpu.memory_space<semaphore_mem>>
        %dma_start3A = arith.constant 0 : i32
        %dma_start3A_93 = tpu.memref_slice %arg5[%mul3A_0, %dma_start3A] : memref<10112x16xf32, #tpu.memory_space<hbm>> -> memref<632x16xf32, #tpu.memory_space<hbm>>
        %dma_start3A_94 = arith.constant 0 : i32
        %dma_start3A_95 = tpu.memref_slice %arg5[%mul3A_0, %dma_start3A_94] : memref<10112x16xf32, #tpu.memory_space<hbm>> -> memref<632x16xf32, #tpu.memory_space<hbm>>
        tpu.enqueue_dma source(%arg15 : memref<632x16xf32, #tpu.memory_space<vmem>>) target(%dma_start3A_95 : memref<632x16xf32, #tpu.memory_space<hbm>>) target_semaphore(%run_scoped3A : memref<!tpu.dma_semaphore, #tpu.memory_space<semaphore_mem>>)
        %dma_wait3A = arith.constant 0 : i32
        %dma_wait3A_96 = tpu.memref_slice %arg5[%mul3A_0, %dma_wait3A] : memref<10112x16xf32, #tpu.memory_space<hbm>> -> memref<632x16xf32, #tpu.memory_space<hbm>>
        %dma_wait3A_97 = arith.constant 0 : i32
        %dma_wait3A_98 = tpu.memref_slice %arg5[%mul3A_0, %dma_wait3A_97] : memref<10112x16xf32, #tpu.memory_space<hbm>> -> memref<632x16xf32, #tpu.memory_space<hbm>>
        tpu.wait_dma2 semaphore(%run_scoped3A : memref<!tpu.dma_semaphore, #tpu.memory_space<semaphore_mem>>) src(%arg15 : memref<632x16xf32, #tpu.memory_space<vmem>>) dst(%dma_wait3A_98 : memref<632x16xf32, #tpu.memory_space<hbm>>)
        tpu.yield
      }) : () -> ()
    } else {
    }
    return
  }
}

module attributes {stable_mosaic.version = 14 : i64} {
  func.func @_mlp_body(%arg0: i32, %arg1: memref<2000x128xf32, #tpu.memory_space<vmem>>, %arg2: memref<64x128xf32, #tpu.memory_space<vmem>>, %arg3: memref<16x64xf32, #tpu.memory_space<vmem>>, %arg4: memref<2000x16xf32, #tpu.memory_space<vmem>>) attributes {dimension_semantics = [#tpu.dimension_semantics<arbitrary>], iteration_bounds = array<i64: 5>, scalar_prefetch = 0 : i64, scratch_operands = 0 : i64, tpu.core_type = #tpu.core_type<tc>, window_params = [{transform_indices = @transform_0, window_bounds = array<i64: 2000, 128>}, {pipeline_mode = #tpu.pipeline_mode<synchronous>, transform_indices = @transform_1, window_bounds = array<i64: 64, 128>}, {pipeline_mode = #tpu.pipeline_mode<synchronous>, transform_indices = @transform_2, window_bounds = array<i64: 16, 64>}, {transform_indices = @transform_3, window_bounds = array<i64: 2000, 16>}]} {
    %get3A = arith.constant 0 : index
    %get3A_0 = arith.constant 0 : index
    %get3A_1 = vector.load %arg1[%get3A, %get3A_0] : memref<2000x128xf32, #tpu.memory_space<vmem>>, vector<2000x128xf32>
    %get3A_2 = arith.constant 0 : index
    %get3A_3 = arith.constant 0 : index
    %get3A_4 = vector.load %arg2[%get3A_2, %get3A_3] : memref<64x128xf32, #tpu.memory_space<vmem>>, vector<64x128xf32>
    %dot_general3A = arith.constant dense<0.000000e+00> : vector<2000x64xf32>
    %dot_general3A_5 = tpu.matmul %get3A_1, %get3A_4, %dot_general3A {dimension_numbers = #tpu.dot_dimension_numbers<[1], [1], [0], [0], [0, 0, 1, 0], [], []>, transpose_lhs_hint = false} : vector<2000x128xf32>, vector<64x128xf32>, vector<2000x64xf32> -> vector<2000x64xf32>
    %max3A = arith.constant 0.000000e+00 : f32
    %max3A_6 = vector.broadcast %max3A : f32 to vector<2000x64xf32>
    %max3A_7 = arith.maximumf %dot_general3A_5, %max3A_6 : vector<2000x64xf32>
    %get3A_8 = arith.constant 0 : index
    %get3A_9 = arith.constant 0 : index
    %get3A_10 = vector.load %arg3[%get3A_8, %get3A_9] : memref<16x64xf32, #tpu.memory_space<vmem>>, vector<16x64xf32>
    %dot_general3A_11 = arith.constant dense<0.000000e+00> : vector<2000x16xf32>
    %dot_general3A_12 = tpu.matmul %max3A_7, %get3A_10, %dot_general3A_11 {dimension_numbers = #tpu.dot_dimension_numbers<[1], [1], [0], [0], [0, 0, 1, 0], [], []>, transpose_lhs_hint = false} : vector<2000x64xf32>, vector<16x64xf32>, vector<2000x16xf32> -> vector<2000x16xf32>
    %swap3A = arith.constant 0 : index
    %swap3A_13 = arith.constant 0 : index
    %swap3A_14 = vector.load %arg4[%swap3A, %swap3A_13] : memref<2000x16xf32, #tpu.memory_space<vmem>>, vector<2000x16xf32>
    tpu.vector_store %arg4[%swap3A, %swap3A_13], %dot_general3A_12 {strides = array<i32>} : memref<2000x16xf32, #tpu.memory_space<vmem>>, vector<2000x16xf32>,
    return
  }
  func.func @transform_0(%arg0: i32) -> (i32, i32) {
    %c0_i32 = arith.constant 0 : i32
    %c0_i32_0 = arith.constant 0 : i32
    return %arg0, %c0_i32 : i32, i32
  }
  func.func @transform_1(%arg0: i32) -> (i32, i32) {
    %c0_i32 = arith.constant 0 : i32
    %c0_i32_0 = arith.constant 0 : i32
    %c0_i32_1 = arith.constant 0 : i32
    return %c0_i32, %c0_i32_0 : i32, i32
  }
  func.func @transform_2(%arg0: i32) -> (i32, i32) {
    %c0_i32 = arith.constant 0 : i32
    %c0_i32_0 = arith.constant 0 : i32
    %c0_i32_1 = arith.constant 0 : i32
    return %c0_i32, %c0_i32_0 : i32, i32
  }
  func.func @transform_3(%arg0: i32) -> (i32, i32) {
    %c0_i32 = arith.constant 0 : i32
    %c0_i32_0 = arith.constant 0 : i32
    return %arg0, %c0_i32 : i32, i32
  }
}

module attributes {stable_mosaic.version = 14 : i64} {
  func.func @_lsm_body(%arg0: i32, %arg1: memref<2000x16xf32, #tpu.memory_space<vmem>>, %arg2: memref<2000x16xf32, #tpu.memory_space<vmem>>) attributes {dimension_semantics = [#tpu.dimension_semantics<arbitrary>], iteration_bounds = array<i64: 5>, scalar_prefetch = 0 : i64, scratch_operands = 0 : i64, tpu.core_type = #tpu.core_type<tc>, window_params = [{transform_indices = @transform_0, window_bounds = array<i64: 2000, 16>}, {transform_indices = @transform_1, window_bounds = array<i64: 2000, 16>}]} {
    %get3A = arith.constant 0 : index
    %get3A_0 = arith.constant 0 : index
    %get3A_1 = vector.load %arg1[%get3A, %get3A_0] : memref<2000x16xf32, #tpu.memory_space<vmem>>, vector<2000x16xf32>
    %reduce_max3A = arith.constant dense<0xFF800000> : vector<2000xf32>
    %reduce_max3A_2 = vector.multi_reduction <maximumf>, %get3A_1, %reduce_max3A [1] : vector<2000x16xf32> to vector<2000xf32>
    %broadcast_in_dim3A = vector.shape_cast %reduce_max3A_2 : vector<2000xf32> to vector<2000x1xf32>
    %sub3A = vector.broadcast %broadcast_in_dim3A : vector<2000x1xf32> to vector<2000x16xf32>
    %sub3A_3 = arith.subf %get3A_1, %sub3A : vector<2000x16xf32>
    %exp3A = math.exp %sub3A_3 : vector<2000x16xf32>
    %reduce_sum3A = arith.constant dense<0.000000e+00> : vector<2000xf32>
    %reduce_sum3A_4 = vector.multi_reduction <add>, %exp3A, %reduce_sum3A [1] : vector<2000x16xf32> to vector<2000xf32>
    %broadcast_in_dim3A_5 = vector.shape_cast %reduce_sum3A_4 : vector<2000xf32> to vector<2000x1xf32>
    %log3A = math.log %broadcast_in_dim3A_5 : vector<2000x1xf32>
    %sub3A_6 = vector.broadcast %broadcast_in_dim3A : vector<2000x1xf32> to vector<2000x16xf32>
    %sub3A_7 = arith.subf %get3A_1, %sub3A_6 : vector<2000x16xf32>
    %sub3A_8 = vector.broadcast %log3A : vector<2000x1xf32> to vector<2000x16xf32>
    %sub3A_9 = arith.subf %sub3A_7, %sub3A_8 : vector<2000x16xf32>
    %swap3A = arith.constant 0 : index
    %swap3A_10 = arith.constant 0 : index
    %swap3A_11 = vector.load %arg2[%swap3A, %swap3A_10] : memref<2000x16xf32, #tpu.memory_space<vmem>>, vector<2000x16xf32>
    tpu.vector_store %arg2[%swap3A, %swap3A_10], %sub3A_9 {strides = array<i32>} : memref<2000x16xf32, #tpu.memory_space<vmem>>, vector<2000x16xf32>,
    return
  }
  func.func @transform_0(%arg0: i32) -> (i32, i32) {
    %c0_i32 = arith.constant 0 : i32
    %c0_i32_0 = arith.constant 0 : i32
    return %arg0, %c0_i32 : i32, i32
  }
  func.func @transform_1(%arg0: i32) -> (i32, i32) {
    %c0_i32 = arith.constant 0 : i32
    %c0_i32_0 = arith.constant 0 : i32
    return %arg0, %c0_i32 : i32, i32
  }
}

</mosaic_0001>

<sc_bundles>
// kernel: kernel.5.cloned.1.call-start
scs
__scs_entry_jumppad:
0x0: {  	(pc) =	sbr.rel $0x88, $3  }
0x1: {  	(tag) =	ssettag $0x0;
	lr =	simm.s32 $0x1  }
0x2: {  	[smem:$0x3F9D] =	sst lr;
	_ =	strace $0xD0000000  }
0x3: {  	_ = 	snop  }
0x4: {  	_ = 	snop  }
0x5: {  	_ = 	snop  }
0x6: {  	_ = 	snop  }
0x7: {  	_ = 	snop  }
__scs_overlays_trampoline_lowered:
0x8: {  	[smem:$0x3FAC] =	sst s0  }
0x9: {  	[smem:$0x3FAD] =	sst s1  }
0xa: {  	[smem:$0x3FAE] =	sst s2  }
0xb: {  	[smem:$0x3FAF] =	sst s3  }
0xc: {  	[smem:$0x3FB0] =	sst s4  }
0xd: {  	[smem:$0x3FB1] =	sst s5  }
0xe: {  	[smem:$0x3FB2] =	sst s6  }
0xf: {  	[smem:$0x3FB3] =	sst s7  }
0x10: {  	[smem:$0x3FB4] =	sst s8  }
0x11: {  	[smem:$0x3FB5] =	sst s9;
	s0 =	simm.s32 @!p0 $0x0  }
0x12: {  	s1 =	sld [smem:$0x3F9B];
	s0 =	simm.s32 @p0 $0x1  }
0x13: {  	[smem:$0x3FB6] =	sst s0;
	s0 =	simm.s32 @!p1 $0x0  }
0x14: {  	s2 =	sld [smem:$0x3F9A];
	s0 =	simm.s32 @p1 $0x1  }
0x15: {  	[smem:$0x3FB7] =	sst s0;
	s0 =	simm.s32 @!p2 $0x0  }
0x16: {  	s3 =	sld [smem:$0x3FDB];
	s0 =	simm.s32 @p2 $0x1  }
0x17: {  	s4 =	simm.s32 $0x1BF5;
	[smem:$0x3FB9] =	sst s0  }
0x18: {  	s0 =	sld [smem:$0x3F9C];
	_ =	swait.ge [sflag:s4], $0x0  }
0x19: {  	s7 =	sld [smem:$0x3F9D]  }
0x1a: {  	s8 =	sadd.s32 $0xFFFFE003, lr  }
0x1b: {  	s9 =	sadd.s32 $0xFFFFFEF7, lr;
	s5 =	simm.s32 $0xFFFFFFFF;
	p2 =	slt.u32 s8, $0xFFFFF086  }
0x1c: {  	p1 =	slt.u32 s9, $0xF7A;
	s5 =	simm.s32 @!p2 $0x0  }
0x1d: {  	s5 =	simm.s32 @p1 $0x1;
	p0 =	seq.s32 s7, s2  }
0x1e: {  	s7 =	smul.u32 @!p0 $0xF7A, s2;
	p2 =	seq.s32 @!p0 s5, $0x0  }
0x1f: {  	s9 =	smul.u32 $0xF7A, s1;
	s8 =	simm.s32 @!p0 $0x1BF5;
	p2 =	por !p2, p0  }
0x20: {  	[sflag:s8] =	ssyncset.s32 @!p0 $0xFFFFF086;
	s6 =	sadd.s32 @!p0 s3, s7;
	s7 =	simm.s32 @!p0 $0x108  }
0x21: {  	s3 =	sadd.s32 s3, s9;
	s6 =	sadd.s32 @!p0 $0x88, s6;
	s7 =	simm.s32 @p2 $0x1082  }
0x22: {  	[simem:s7], [sflag:s8] =	dma.local @!p0 [hbm:s6], $0xF7A  }
0x23: {  	s9 =	sor.u32 $0xD0000000, s2;
	s6 =	simm.s32 $0x108;
	_ =	swait.ge @!p0 [sflag:s8], $0x0  }
0x24: {  	s3 =	sadd.s32 $0x88, s3;
	s6 =	simm.s32 @!p1 $0x1082;
	[sflag:s4] =	ssyncset.s32 $0xFFFFF086  }
0x25: {  	[simem:s6], [sflag:s4] =	dma.local [hbm:s3], $0xF7A  }
0x26: {  	[smem:$0x3F9D] =	sst s1;
	(tag) =	ssettag s2;
	_ =	strace s9  }
0x27: {  	s1 =	sld [smem:$0x3FAD]  }
0x28: {  	s2 =	sld [smem:$0x3FAE]  }
0x29: {  	s4 =	sld [smem:$0x3FB0]  }
0x2a: {  	p0 =	seq.s32 s5, $0x0;
	s5 =	sld [smem:$0x3FB1]  }
0x2b: {  	s6 =	sld [smem:$0x3FB2]  }
0x2c: {  	s7 =	sld [smem:$0x3FB3]  }
0x2d: {  	s3 =	simm.s32 $0x108;
	s8 =	sld [smem:$0x3FB4]  }
0x2e: {  	s3 =	simm.s32 @!p0 $0x1082;
	s9 =	sld [smem:$0x3FB5]  }
0x2f: {  	lr =	sadd.s32 s0, s3;
	s0 =	sld [smem:$0x3FAC]  }
0x30: {  	s3 =	sld [smem:$0x3FAF]  }
0x31: {  	[smem:$0x3FB8] =	sst s10  }
0x32: {  	s10 =	sld [smem:$0x3FB6];
	_ =	sdelay $0x3  }
0x33: {  	p0 =	seq.s32 s10, $0x1;
	s10 =	sld [smem:$0x3FB8];
	_ =	sdelay $0x3  }
0x34: {  	[smem:$0x3FB8] =	sst s10  }
0x35: {  	s10 =	sld [smem:$0x3FB7];
	_ =	sdelay $0x3  }
0x36: {  	p1 =	seq.s32 s10, $0x1;
	s10 =	sld [smem:$0x3FB8];
	_ =	sdelay $0x3  }
0x37: {  	[smem:$0x3FB8] =	sst s10  }
0x38: {  	s10 =	sld [smem:$0x3FB9]  }
0x39: {  	_ = 	snop;
	(pc) =	sbr.ind lr, $3  }
0x3a: {  	_ = 	snop  }
0x3b: {  	_ = 	snop  }
0x3c: {  	p2 =	seq.s32 s10, $0x1;
	s10 =	sld [smem:$0x3FB8]  }
0x3d: {  	_ =	shalt  }
0x3e: {  	_ =	shalt  }
0x3f: {  	_ =	shalt  }
0x40: {  	_ =	shalt  }
0x41: {  	_ =	shalt  }
0x42: {  	_ =	shalt  }
0x43: {  	_ =	shalt  }
0x44: {  	_ =	shalt  }
0x45: {  	_ =	shalt  }
0x46: {  	_ =	shalt  }
0x47: {  	_ =	shalt  }
0x48: {  	_ =	shalt  }
0x49: {  	_ =	shalt  }
0x4a: {  	_ =	shalt  }
0x4b: {  	_ =	shalt  }
0x4c: {  	_ =	shalt  }
0x4d: {  	_ =	shalt  }
0x4e: {  	_ =	shalt  }
0x4f: {  	_ =	shalt  }
0x50: {  	_ =	shalt  }
0x51: {  	_ =	shalt  }
0x52: {  	_ =	shalt  }
0x53: {  	_ =	shalt  }
0x54: {  	_ =	shalt  }
0x55: {  	_ =	shalt  }
0x56: {  	_ =	shalt  }
0x57: {  	_ =	shalt  }
0x58: {  	_ =	shalt  }
0x59: {  	_ =	shalt  }
0x5a: {  	_ =	shalt  }
0x5b: {  	_ =	shalt  }
0x5c: {  	_ =	shalt  }
0x5d: {  	_ =	shalt  }
0x5e: {  	_ =	shalt  }
0x5f: {  	_ =	shalt  }
0x60: {  	_ =	shalt  }
0x61: {  	_ =	shalt  }
0x62: {  	_ =	shalt  }
0x63: {  	_ =	shalt  }
0x64: {  	_ =	shalt  }
0x65: {  	_ =	shalt  }
0x66: {  	_ =	shalt  }
0x67: {  	_ =	shalt  }
0x68: {  	_ =	shalt  }
0x69: {  	_ =	shalt  }
0x6a: {  	_ =	shalt  }
0x6b: {  	_ =	shalt  }
0x6c: {  	_ =	shalt  }
0x6d: {  	_ =	shalt  }
0x6e: {  	_ =	shalt  }
0x6f: {  	_ =	shalt  }
0x70: {  	_ =	shalt  }
0x71: {  	_ =	shalt  }
0x72: {  	_ =	shalt  }
0x73: {  	_ =	shalt  }
0x74: {  	_ =	shalt  }
0x75: {  	_ =	shalt  }
0x76: {  	_ =	shalt  }
0x77: {  	_ =	shalt  }
0x78: {  	_ =	shalt  }
0x79: {  	_ =	shalt  }
0x7a: {  	_ =	shalt  }
0x7b: {  	_ =	shalt  }
0x7c: {  	_ =	shalt  }
0x7d: {  	_ =	shalt  }
0x7e: {  	_ =	shalt  }
0x7f: {  	_ =	shalt  }
0x80: {  	_ =	shalt  }
0x81: {  	_ =	shalt  }
0x82: {  	_ =	shalt  }
0x83: {  	_ =	shalt  }
0x84: {  	_ =	shalt  }
0x85: {  	_ =	shalt  }
0x86: {  	_ =	shalt  }
0x87: {  	_ =	shalt  }
.Lfunc_end0:
.L_simem_size_0:
called_computation_lowered:
.L_overlay_start_0:
0x88: {  	s2 =	sld [smem:$0x3FD9]  }
0x89: {  	s3 =	sld [smem:$0x3FFE];
	_ =	sdelay $0x1  }
0x8a: {  	s1 =	srdreg.scid  }
0x8b: {  	s0 =	sand.u32 $0x1, s1  }
0x8c: {  	s17 =	sshll.u32 s0, $0xA;
	s2 =	sadd.s32 s3, s2  }
0x8d: {  	s2 =	sadd.s32 s2, s17  }
0x8e: {  	[smem:$0x3FC4] =	sst s2  }
0x8f: {  	_ = 	snop  }
0x90: {  	s2 =	sld [smem:$0x3FD0];
	(tm) =	ssettm $0x1  }
0x91: {  	s18 =	sld [smem:$0x3FFB];
	_ =	sdelay $0x3  }
0x92: {  	_ =	strace s18  }
0x93: {  	s3 =	sld [smem:$0x3FFC];
	_ =	sdelay $0x3  }
0x94: {  	_ =	strace s3  }
0x95: {  	s3 =	sld [smem:$0x3FFD];
	_ =	sdelay $0x3  }
0x96: {  	_ =	strace s3  }
0x97: {  	_ =	strace $0x8FFFFFFF  }
0x98: {  	s19 =	sld [smem:$0x3FDB];
	_ =	sdelay $0x1  }
0x99: {  	s4 =	simm.s32 $_scs_section_size  }
0x9a: {  	s5 =	simm.s32 $_size__tile_overlayer_lowered;
	s6 =	simm.s32 $_tile_overlayer_lowered  }
0x9b: {  	s22 =	simm.s32 $0x1BFF;
	s21 =	sshll.u32 s6, $0x1;
	s3 =	sadd.s32 s4, s19  }
0x9c: {  	s7 =	simm.s32 $0x0;
	s20 =	sshll.u32 s5, $0x1;
	s5 =	sadd.s32 s21, s3  }
0x9d: {  	[timem:s7], [sflag:s22] =	dma.local [hbm:s5], s20  }
0x9e: {  	_ =	swait.ge [sflag:s22], s20  }
0x9f: {  	s4 =	ssub.s32 $0x0, s20;
	[sflag:s22] =	ssyncset.done $0x0  }
0xa0: {  	[sflag:s22] =	ssyncadd.s32 s4;
	_ =	sdelay $0x1  }
0xa1: {  	s23 =	simm.s32 $0x1B8B  }
0xa2: {  	_ =	swait.ge [sflag:s23], $0x1  }
0xa3: {  	[sflag:s23] =	ssyncset.done $0x0  }
0xa4: {  	s25 =	simm.s32 $0x1B8E;
	s24 =	sld [smem:$0x3FFE];
	[sflag:s23] =	ssyncadd.s32 $0xFFFFFFFF  }
0xa5: {  	s26 =	simm.s32 $execute0_lowered;
	[smem:$0x3FD2] =	sst s25  }
0xa6: {  	s5 =	sshll.u32 s26, $0x1;
	_ =	strace $0x80000046;
	[dreg:$0x1] =	wrdreg $0xFFFFFFFF  }
0xa7: {  	s28 =	simm.s32 $_size_execute0_lowered;
	s3 =	sadd.s32 s3, s5;
	[dreg:$0x0] =	wrdreg $0x0  }
0xa8: {  	s5 =	sshll.u32 s28, $0x1;
	[dreg:$0x2] =	wrdreg s3  }
0xa9: {  	[dreg:$0x3] =	wrdreg s5  }
0xaa: {  	[dreg:$0x4] =	wrdreg $0xC0  }
0xab: {  	_ =	task [dreg:s7], $0x5FFFF  }
0xac: {  	[dreg:$0x1] =	wrdreg $0xFFFFFFFF  }
0xad: {  	[dreg:$0x0] =	wrdreg $0x60  }
0xae: {  	[dreg:$0x2] =	wrdreg s2  }
0xaf: {  	[dreg:$0x3] =	wrdreg s24  }
0xb0: {  	[dreg:$0x4] =	wrdreg $0x27800  }
0xb1: {  	[dreg:$0x5] =	wrdreg $0x4F000  }
0xb2: {  	[dreg:$0x6] =	wrdreg $0x0  }
0xb3: {  	[dreg:$0x7] =	wrdreg $0x9  }
0xb4: {  	_ =	task.clear_ibuf [dreg:s7], $0x8FFFF;
	_ =	strace $0x90000046  }
0xb5: {  	s29 =	simm.s32 $0x9;
	_ =	strace $0x80000048  }
0xb6: {  	_ =	swait.ge [sflag:s29], $0x1  }
0xb7: {  	[sflag:s29] =	ssyncadd.s32 $0xFFFFFFFF  }
0xb8: {  	_ =	strace $0x90000048  }
0xb9: {  	_ =	sfence  }
0xba: {  	s30 =	sld [smem:$0x0];
	_ =	sdelay $0x2  }
0xbb: {  	s31 =	sshll.u32 s1, $0xD;
	s1 =	sshrl.u32 s1, $0x2  }
0xbc: {  	s3 =	sand.u32 $0x4000, s31;
	s1 =	sadd.s32 s1, s30  }
0xbd: {  	s0 =	sor.u32 s3, s0;
	s1 =	sshll.u32 s1, $0x11  }
0xbe: {  	s0 =	sor.u32 s1, s0  }
0xbf: {  	s0 =	sadd.s32 $0x8F2B, s0  }
0xc0: {  	[sflag:s0] =	ssyncadd.remote.s32 $0x1  }
0xc1: {  	_ =	sfence.sel $0xFFFF  }
0xc2: {  	[dreg:$0x0] =	wrdreg $0xFFFFFFFF;
	(pc) =	sbr.abs _section_cstart, $3  }
0xc3: {  	[dreg:$0x1] =	wrdreg $0xFFFFFFFF  }
0xc4: {  	_ =	task.clear_ibuf [dreg:s7], $0x2FFFF;
	_ =	strace $0x9FFFFFFF  }
0xc5: {  	(tm) =	ssettm $0x7FFFFFFF  }
tec
execute0_lowered:
.L_overlay_start_1:
0x0: {  	(tag) =	ssettag $0x1  }
0x1: {  	s0 =	rddreg [dreg:$0x0]  }
0x2: {  	s1 =	rddreg [dreg:$0x1]  }
0x3: {  	s2 =	rddreg [dreg:$0x2]  }
0x4: {  	s3 =	rddreg [dreg:$0x3]  }
0x5: {  	s4 =	rddreg [dreg:$0x4];
	s11 =	stileid.u32;
	s7 =	simm.s32 $0x0  }
0x6: {  	s6 =	srdreg.scid;
	s31 =	simm.s32 $0x3;
	s29 =	simm.s32 $0x1  }
0x7: {  	s30 =	simm.s32 $0x2;
	s5 =	smul.u32 $0x2780, s11;
	[smem:$0x7FF] =	sst s7  }
0x8: {  	s18 =	smul.u32 $0xA00, s11;
	s6 =	sand.u32 $0x1, s6;
	p1 =	sgt.u32 s11, $0x7  }
0x9: {  	_ =	strace $0x80000047;
	s9 =	ssub.s32 $0x2, s6;
	p0 =	sne.s32 s6, $0x0  }
0xa: {  	s8 =	sshrl.u32 s5, $0x3;
	s7 =	sadd.s32 s18, s1;
	s10 =	sshrl.u32 s9, $0x1  }
0xb: {  	s20 =	sadd.s32 $0x4F0, s5;
	s22 =	sadd.s32 $0x9E0, s5;
	s24 =	sadd.s32 $0xED0, s5  }
0xc: {  	s26 =	sadd.s32 $0x13C0, s5;
	s12 =	sadd.s32 $0x18B0, s5;
	s13 =	sadd.s32 $0x1DA0, s5  }
0xd: {  	s14 =	sadd.s32 $0x2290, s5;
	s1 =	sadd.s32 s8, s1;
	s9 =	ssub.s32 s9, s10  }
0xe: {  	s19 =	sadd.s32 $0x400, s7;
	s7 =	sadd.s32 $0xA400, s7;
	s21 =	sadd.s32 s20, s2  }
0xf: {  	s10 =	sadd.s32 s20, s3;
	s23 =	sadd.s32 s22, s2;
	[dreg:$0x6] =	wrdreg s19  }
0x10: {  	s25 =	sadd.s32 s24, s2;
	s28 =	sadd.s32 s26, s2;
	[dreg:$0x7] =	wrdreg s7  }
0x11: {  	s15 =	sadd.s32 s26, s3;
	s16 =	sadd.s32 s12, s2;
	[dreg:$0x8] =	wrdreg s21  }
0x12: {  	s17 =	sadd.s32 s12, s3;
	s18 =	sadd.s32 s13, s2;
	[dreg:$0x9] =	wrdreg s10  }
0x13: {  	s0 =	sadd.s32 s0, s8;
	s20 =	sadd.s32 s5, s4;
	[dreg:$0xa] =	wrdreg s23  }
0x14: {  	s26 =	smov.u32 s2;
	s8 =	simm.s32 $0x0;
	[dreg:$0xc] =	wrdreg s25  }
0x15: {  	s7 =	sadd.s32 s22, s3;
	s10 =	sadd.s32 s24, s3;
	[dreg:$0xe] =	wrdreg s28  }
0x16: {  	s19 =	sadd.s32 s13, s3;
	[dreg:$0xf] =	wrdreg s0;
	s21 =	sadd.s32 s14, s2  }
0x17: {  	s22 =	sadd.s32 s14, s3;
	s23 =	sadd.s32 s5, s2;
	s24 =	sadd.s32 s5, s3  }
.Ltmp0:
0x18: {  	[dreg:$0x10] =	wrdreg s20;
	s25 =	sadd.s32 $0x14400, s1;
	(pc) =	sbr.rel .LBB2_1-.Ltmp0, $4  }
0x19: {  	s28 =	smax.u32 s9, $0x1;
	s26 =	smov.u32 @p1 s3;
	[dreg:$0xb] =	wrdreg s7  }
0x1a: {  	s0 =	simm.s32 $0x12DF0;
	s13 =	simm.s32 $0x132E0;
	[dreg:$0xd] =	wrdreg s10  }
0x1b: {  	s20 =	simm.s32 $0x11680;
	s5 =	simm.s32 $0x11E50;
	[dreg:$0x11] =	wrdreg s25  }
0x1c: {  	v0 =	vimm.f32 $1.000000000e+00;
	v1 =	vimm.f32 $0.0e+00;
	s1 =	simm.s32 $0x4;
	[dreg:$0x12] =	wrdreg s28;
	s7 =	simm.s32 $0x7D  }
.LBB2_27:
0x1d: {  	s8 =	sadd.s32 $0x1, s8;
	s6 =	rddreg [dreg:$0x12]  }
0x1e: {  	p2 =	sne.s32 s8, s6  }
.Ltmp1:
0x1f: {  	_ = 	snop;
	(pc) =	sbr.rel @!p2 .LBB2_28-.Ltmp1, $1  }
0x20: {  	_ =	sdelay $0x3  }
.LBB2_1:
0x21: {  	[dreg:$0x13] =	wrdreg s8  }
0x22: {  	s6 =	simm.s32 $0x0;
	s14 =	rddreg [dreg:$0x6];
	s9 =	simm.s32 $0x7680  }
0x23: {  	[tilespmem:s9], [sflag:$0x3] =	stream.linear.gather [hbm4b:s14+s6], $0x5000, $0x38;
	[tilespmem:$0x1F860] =	vst v63  }
0x24: {  	_ =	swait.ge [sflag:s31], $0x5000  }
0x25: {  	[sflag:s31] =	ssyncset.done $0x0  }
0x26: {  	s28 =	simm.s32 $0xC680;
	s25 =	rddreg [dreg:$0x7];
	[sflag:s31] =	ssyncadd.s32 $0xFFFFB000  }
0x27: {  	[tilespmem:s28], [sflag:$0x3] =	stream.linear.gather [hbm4b:s25+s6], $0x5000, $0x38;
	[tilespmem:$0x1F860] =	vst v63  }
0x28: {  	_ =	swait.ge [sflag:s31], $0x5000  }
0x29: {  	[sflag:s31] =	ssyncset.done $0x0  }
0x2a: {  	s6 =	simm.s32 $0x12660;
	[sflag:s31] =	ssyncadd.s32 $0xFFFFB000  }
0x2b: {  	[tilespmem:s6+$0xFFFFFFC0] =	vst v0  }
0x2c: {  	[tilespmem:s6+$0x30] =	vst v0  }
0x2d: {  	[tilespmem:s6+$0x20] =	vst v0  }
0x2e: {  	[tilespmem:s6+$0x10] =	vst v0  }
0x2f: {  	[tilespmem:s6+$0x0] =	vst v0  }
0x30: {  	[tilespmem:s6+$0xFFFFFFF0] =	vst v0  }
0x31: {  	s8 =	simm.s32 $0x0;
	[tilespmem:s6+$0xFFFFFFE0] =	vst v0  }
.LBB2_2:
0x32: {  	s8 =	sadd.s32 $0x8, s8;
	[tilespmem:s6+$0xFFFFFFD0] =	vst v0;
	s6 =	sadd.s32 $0x80, s6  }
0x33: {  	[tilespmem:s6+$0xFFFFFFC0] =	vst v0;
	p2 =	slt.u32 s8, $0x70  }
0x34: {  	[tilespmem:s6+$0x30] =	vst v0  }
.Ltmp2:
0x35: {  	[tilespmem:s6+$0x20] =	vst v0;
	(pc) =	sbr.rel @p2 .LBB2_2-.Ltmp2, $4  }
0x36: {  	[tilespmem:s6+$0x10] =	vst v0  }
0x37: {  	[tilespmem:s6+$0x0] =	vst v0  }
0x38: {  	[tilespmem:s6+$0xFFFFFFF0] =	vst v0  }
0x39: {  	[tilespmem:s6+$0xFFFFFFE0] =	vst v0  }
0x3a: {  	[tilespmem:s6+$0xFFFFFFD0] =	vst v0;
	s6 =	simm.s32 $0x0  }
.LBB2_4:
0x3b: {  	p2 =	sne.s32 s6, $0x100  }
.Ltmp3:
0x3c: {  	_ = 	snop;
	(pc) =	sbr.rel @p2 .LBB2_4-.Ltmp3, $3  }
0x3d: {  	_ =	sdelay $0x1  }
0x3e: {  	s8 =	sshra.s32 s6, $0x2  }
0x3f: {  	s6 =	sadd.s32 $0x40, s6;
	[tilespmem:s8+$0x12DA0] =	vst v0  }
0x40: {  	s6 =	simm.s32 $0x12E30  }
0x41: {  	[tilespmem:s6+$0xFFFFFFC0] =	vst v1  }
0x42: {  	[tilespmem:s6+$0x30] =	vst v1  }
0x43: {  	[tilespmem:s6+$0x20] =	vst v1  }
0x44: {  	[tilespmem:s6+$0x10] =	vst v1  }
0x45: {  	[tilespmem:s6+$0x0] =	vst v1  }
0x46: {  	[tilespmem:s6+$0xFFFFFFF0] =	vst v1  }
0x47: {  	s8 =	simm.s32 $0x0;
	[tilespmem:s6+$0xFFFFFFE0] =	vst v1  }
.LBB2_6:
0x48: {  	s8 =	sadd.s32 $0x8, s8;
	[tilespmem:s6+$0xFFFFFFD0] =	vst v1;
	s6 =	sadd.s32 $0x80, s6  }
0x49: {  	[tilespmem:s6+$0xFFFFFFC0] =	vst v1;
	p2 =	slt.u32 s8, $0x40  }
0x4a: {  	[tilespmem:s6+$0x30] =	vst v1  }
.Ltmp4:
0x4b: {  	[tilespmem:s6+$0x20] =	vst v1;
	(pc) =	sbr.rel @p2 .LBB2_6-.Ltmp4, $4  }
0x4c: {  	[tilespmem:s6+$0x10] =	vst v1  }
0x4d: {  	[tilespmem:s6+$0x0] =	vst v1  }
0x4e: {  	[tilespmem:s6+$0xFFFFFFF0] =	vst v1  }
0x4f: {  	[tilespmem:s6+$0xFFFFFFE0] =	vst v1  }
0x50: {  	[tilespmem:s6+$0xFFFFFFD0] =	vst v1;
	s6 =	simm.s32 $0x0  }
.LBB2_8:
0x51: {  	p2 =	sne.s32 s6, $0x180  }
.Ltmp5:
0x52: {  	_ = 	snop;
	(pc) =	sbr.rel @p2 .LBB2_8-.Ltmp5, $3  }
0x53: {  	_ =	sdelay $0x1  }
0x54: {  	s8 =	sshra.s32 s6, $0x2  }
0x55: {  	s6 =	sadd.s32 $0x40, s6;
	[tilespmem:s8+$0x13270] =	vst v1  }
0x56: {  	s8 =	simm.s32 $0x12620  }
0x57: {  	[spmem:s23] =	stream.linear.scatter [tilespmem:s8], [sflag:$0x3], $0x4F0, $0x38;
	[tilespmem:$0x1F860] =	vst v63  }
0x58: {  	_ =	swait.ge [sflag:s31], $0x4F0  }
0x59: {  	[sflag:s31] =	ssyncset.done $0x0  }
0x5a: {  	[sflag:s31] =	ssyncadd.s32 $0xFFFFFB10  }
0x5b: {  	[spmem:s24] =	stream.linear.scatter [tilespmem:s0], [sflag:$0x3], $0x4F0, $0x38;
	[tilespmem:$0x1F860] =	vst v63  }
0x5c: {  	_ =	swait.ge [sflag:s31], $0x4F0  }
0x5d: {  	[sflag:s31] =	ssyncset.done $0x0  }
0x5e: {  	s6 =	rddreg [dreg:$0x8];
	[sflag:s31] =	ssyncadd.s32 $0xFFFFFB10  }
0x5f: {  	[spmem:s6] =	stream.linear.scatter [tilespmem:s8], [sflag:$0x3], $0x4F0, $0x38;
	[tilespmem:$0x1F860] =	vst v63  }
0x60: {  	_ =	swait.ge [sflag:s31], $0x4F0  }
0x61: {  	[sflag:s31] =	ssyncset.done $0x0  }
0x62: {  	s10 =	rddreg [dreg:$0x9];
	[sflag:s31] =	ssyncadd.s32 $0xFFFFFB10  }
0x63: {  	[spmem:s10] =	stream.linear.scatter [tilespmem:s0], [sflag:$0x3], $0x4F0, $0x38;
	[tilespmem:$0x1F860] =	vst v63  }
0x64: {  	_ =	swait.ge [sflag:s31], $0x4F0  }
0x65: {  	[sflag:s31] =	ssyncset.done $0x0  }
0x66: {  	s11 =	rddreg [dreg:$0xa];
	[sflag:s31] =	ssyncadd.s32 $0xFFFFFB10  }
0x67: {  	[spmem:s11] =	stream.linear.scatter [tilespmem:s8], [sflag:$0x3], $0x4F0, $0x38;
	[tilespmem:$0x1F860] =	vst v63  }
0x68: {  	_ =	swait.ge [sflag:s31], $0x4F0  }
0x69: {  	[sflag:s31] =	ssyncset.done $0x0  }
0x6a: {  	s12 =	rddreg [dreg:$0xb];
	[sflag:s31] =	ssyncadd.s32 $0xFFFFFB10  }
0x6b: {  	[spmem:s12] =	stream.linear.scatter [tilespmem:s0], [sflag:$0x3], $0x4F0, $0x38;
	[tilespmem:$0x1F860] =	vst v63  }
0x6c: {  	_ =	swait.ge [sflag:s31], $0x4F0  }
0x6d: {  	[sflag:s31] =	ssyncset.done $0x0  }
0x6e: {  	s14 =	rddreg [dreg:$0xc];
	[sflag:s31] =	ssyncadd.s32 $0xFFFFFB10  }
0x6f: {  	[spmem:s14] =	stream.linear.scatter [tilespmem:s8], [sflag:$0x3], $0x4F0, $0x38;
	[tilespmem:$0x1F860] =	vst v63  }
0x70: {  	_ =	swait.ge [sflag:s31], $0x4F0  }
0x71: {  	[sflag:s31] =	ssyncset.done $0x0  }
0x72: {  	s25 =	rddreg [dreg:$0xd];
	[sflag:s31] =	ssyncadd.s32 $0xFFFFFB10  }
0x73: {  	[spmem:s25] =	stream.linear.scatter [tilespmem:s0], [sflag:$0x3], $0x4F0, $0x38;
	[tilespmem:$0x1F860] =	vst v63  }
0x74: {  	_ =	swait.ge [sflag:s31], $0x4F0  }
0x75: {  	[sflag:s31] =	ssyncset.done $0x0  }
0x76: {  	s28 =	rddreg [dreg:$0xe];
	[sflag:s31] =	ssyncadd.s32 $0xFFFFFB10  }
0x77: {  	[spmem:s28] =	stream.linear.scatter [tilespmem:s8], [sflag:$0x3], $0x4F0, $0x38;
	[tilespmem:$0x1F860] =	vst v63  }
0x78: {  	_ =	swait.ge [sflag:s31], $0x4F0  }
0x79: {  	[sflag:s31] =	ssyncset.done $0x0  }
0x7a: {  	[sflag:s31] =	ssyncadd.s32 $0xFFFFFB10  }
0x7b: {  	[spmem:s15] =	stream.linear.scatter [tilespmem:s0], [sflag:$0x3], $0x4F0, $0x38;
	[tilespmem:$0x1F860] =	vst v63  }
0x7c: {  	_ =	swait.ge [sflag:s31], $0x4F0  }
0x7d: {  	[sflag:s31] =	ssyncset.done $0x0  }
0x7e: {  	[sflag:s31] =	ssyncadd.s32 $0xFFFFFB10  }
0x7f: {  	[spmem:s16] =	stream.linear.scatter [tilespmem:s8], [sflag:$0x3], $0x4F0, $0x38;
	[tilespmem:$0x1F860] =	vst v63  }
0x80: {  	_ =	swait.ge [sflag:s31], $0x4F0  }
0x81: {  	[sflag:s31] =	ssyncset.done $0x0  }
0x82: {  	[sflag:s31] =	ssyncadd.s32 $0xFFFFFB10  }
0x83: {  	[spmem:s17] =	stream.linear.scatter [tilespmem:s0], [sflag:$0x3], $0x4F0, $0x38;
	[tilespmem:$0x1F860] =	vst v63  }
0x84: {  	_ =	swait.ge [sflag:s31], $0x4F0  }
0x85: {  	[sflag:s31] =	ssyncset.done $0x0  }
0x86: {  	[sflag:s31] =	ssyncadd.s32 $0xFFFFFB10  }
0x87: {  	[spmem:s18] =	stream.linear.scatter [tilespmem:s8], [sflag:$0x3], $0x4F0, $0x38;
	[tilespmem:$0x1F860] =	vst v63  }
0x88: {  	_ =	swait.ge [sflag:s31], $0x4F0  }
0x89: {  	[sflag:s31] =	ssyncset.done $0x0  }
0x8a: {  	[sflag:s31] =	ssyncadd.s32 $0xFFFFFB10  }
0x8b: {  	[spmem:s19] =	stream.linear.scatter [tilespmem:s0], [sflag:$0x3], $0x4F0, $0x38;
	[tilespmem:$0x1F860] =	vst v63  }
0x8c: {  	_ =	swait.ge [sflag:s31], $0x4F0  }
0x8d: {  	[sflag:s31] =	ssyncset.done $0x0  }
0x8e: {  	[sflag:s31] =	ssyncadd.s32 $0xFFFFFB10  }
0x8f: {  	[spmem:s21] =	stream.linear.scatter [tilespmem:s8], [sflag:$0x3], $0x4F0, $0x38;
	[tilespmem:$0x1F860] =	vst v63  }
0x90: {  	_ =	swait.ge [sflag:s31], $0x4F0  }
0x91: {  	[sflag:s31] =	ssyncset.done $0x0  }
0x92: {  	[sflag:s31] =	ssyncadd.s32 $0xFFFFFB10  }
0x93: {  	[spmem:s22] =	stream.linear.scatter [tilespmem:s0], [sflag:$0x3], $0x4F0, $0x38;
	[tilespmem:$0x1F860] =	vst v63  }
0x94: {  	_ =	swait.ge [sflag:s31], $0x4F0  }
0x95: {  	[sflag:s31] =	ssyncset.done $0x0  }
0x96: {  	s9 =	simm.s32 @p1 $0xC680;
	[sflag:s31] =	ssyncadd.s32 $0xFFFFFB10  }
0x97: {  	s6 =	simm.s32 @p1 $0x7D;
	s8 =	simm.s32 @p1 $0x12620;
	[bflag:$0x0] =	sbarrier.arrive $0xFFFF  }
0x98: {  	[spmem:s3] =	stream.indirect.scatter.add.f32 @p1 [tilespmem:s8], [sflag:$0x3], $0x10, s9, s6, $0xb8;
	[tilespmem:$0x1F860] =	vst v63  }
0x99: {  	s10 =	simm.s32 @!p1 $0x7D;
	s9 =	simm.s32 @!p1 $0x4  }
0x9a: {  	s11 =	simm.s32 @!p1 $0x12620;
	s25 =	simm.s32 @!p1 $0xC680;
	s9 =	simm.s32 @p1 $0x3  }
0x9b: {  	[spmem:s2] =	stream.indirect.scatter.add.f32 @!p1 [tilespmem:s11], [sflag:$0x4], $0x10, s25, s10, $0xb8;
	[tilespmem:$0x1F860] =	vst v63  }
0x9c: {  	s25 =	simm.s32 $0x200;
	_ =	swait.ge [sflag:s9], $0x7D0  }
.LBB2_10:
0x9d: {  	s28 =	sshra.s32 @p1 s25, $0x2  }
0x9e: {  	[sflag:s9] =	ssyncset.done $0x0;
	s12 =	smov.u32 s25;
	s25 =	sadd.s32 $0x200, s25  }
0x9f: {  	s28 =	sadd.s32 @p1 $0xC680, s28;
	[sflag:s9] =	ssyncadd.s32 $0xFFFFF830;
	p2 =	sne.s32 s25, $0x14000  }
0xa0: {  	[spmem:s3] =	stream.indirect.scatter.add.f32 @p1 [tilespmem:s8], [sflag:$0x3], $0x10, s28, s6, $0xb8;
	[tilespmem:$0x1F860] =	vst v63  }
.Ltmp6:
0xa1: {  	(pc) =	sbr.rel @p2 .LBB2_10-.Ltmp6, $4  }
0xa2: {  	s12 =	sshra.s32 @!p1 s12, $0x2  }
0xa3: {  	s12 =	sadd.s32 @!p1 $0xC680, s12  }
0xa4: {  	[spmem:s2] =	stream.indirect.scatter.add.f32 @!p1 [tilespmem:s11], [sflag:$0x4], $0x10, s12, s10, $0xb8;
	[tilespmem:$0x1F860] =	vst v63  }
0xa5: {  	_ =	swait.ge [sflag:s9], $0x7D0  }
0xa6: {  	[sflag:s9] =	ssyncset.done $0x0  }
0xa7: {  	[sflag:s9] =	ssyncadd.s32 $0xFFFFF830  }
0xa8: {  	[bflag:$0x0] =	sbarrier.arrive $0xFFFF  }
0xa9: {  	[tilespmem:s13], [sflag:$0x3] =	stream.linear.gather [spmem:s23], $0x2780, $0x38;
	[tilespmem:$0x1F860] =	vst v63  }
0xaa: {  	_ =	swait.ge [sflag:s31], $0x2780  }
0xab: {  	[sflag:s31] =	ssyncset.done $0x0  }
0xac: {  	s6 =	simm.s32 $0x1D0E0;
	[sflag:s31] =	ssyncadd.s32 $0xFFFFD880  }
0xad: {  	[tilespmem:s6], [sflag:$0x3] =	stream.linear.gather [spmem:s24], $0x2780, $0x38;
	[tilespmem:$0x1F860] =	vst v63  }
0xae: {  	_ =	swait.ge [sflag:s31], $0x2780  }
0xaf: {  	[sflag:s31] =	ssyncset.done $0x0  }
0xb0: {  	s25 =	simm.s32 $0x13300;
	[sflag:s31] =	ssyncadd.s32 $0xFFFFD880  }
0xb1: {  	s8 =	simm.s32 $0x1D100;
	v2 =	vld [tilespmem:s25+$0x10]  }
0xb2: {  	v3 =	vld [tilespmem:s8+$0x10];
	_ =	sdelay $0x2  }
0xb3: {  	v4 =	vld [tilespmem:s8+$0xFFFFFFE0]  }
0xb4: {  	v5 =	vld [tilespmem:s25+$0xFFFFFFF0]  }
0xb5: {  	v6 =	vld [tilespmem:s8+$0xFFFFFFF0];
	v9 =	vadd.f32 v3, v2  }
0xb6: {  	v2 =	vld [tilespmem:s25+$0x0]  }
0xb7: {  	v3 =	vld [tilespmem:s8+$0x0];
	v7 =	vadd.f32 $1.000000000e+00, v9  }
0xb8: {  	v8 =	vld [tilespmem:s25+$0xFFFFFFE0]  }
0xb9: {  	v10 =	vmul.f32 $5.000000000e-01, v7;
	_ =	sdelay $0x1  }
0xba: {  	v7 =	vadd.f32 v6, v5;
	(erf) = vrcp.f32 v10  }
0xbb: {  	v6 =	vadd.f32 v3, v2  }
0xbc: {  	v8 =	vadd.f32 v4, v8;
	v2 =	vadd.f32 $1.000000000e+00, v7  }
0xbd: {  	v3 =	vadd.f32 $1.000000000e+00, v6  }
0xbe: {  	v4 =	vadd.f32 $1.000000000e+00, v8;
	v2 =	vmul.f32 $5.000000000e-01, v2  }
0xbf: {  	v3 =	vmul.f32 $5.000000000e-01, v3  }
0xc0: {  	v4 =	vmul.f32 $5.000000000e-01, v4;
	(erf) = vrcp.f32 v2  }
0xc1: {  	(erf) = vrcp.f32 v3  }
0xc2: {  	(erf) = vrcp.f32 v4  }
0xc3: {  	v5 =	vpop (erf)  }
0xc4: {  	v5 =	vmul.f32 v5, v9;
	_ =	sdelay $0x1  }
0xc5: {  	v5 =	vadd.f32 v5, v10;
	_ =	sdelay $0x1  }
0xc6: {  	v5 =	vmul.f32 $5.000000000e-01, v5  }
0xc7: {  	v10 =	vpop (erf)  }
0xc8: {  	v10 =	vmul.f32 v10, v7;
	v11 =	vpop (erf);
	(erf) = vrcp.f32 v5  }
0xc9: {  	v11 =	vmul.f32 v11, v6;
	v12 =	vpop (erf)  }
0xca: {  	v2 =	vadd.f32 v10, v2;
	v10 =	vmul.f32 v12, v8  }
0xcb: {  	v3 =	vadd.f32 v11, v3  }
0xcc: {  	v2 =	vmul.f32 $5.000000000e-01, v2;
	v4 =	vadd.f32 v10, v4  }
0xcd: {  	v3 =	vmul.f32 $5.000000000e-01, v3  }
0xce: {  	(erf) = vrcp.f32 v2;
	v4 =	vmul.f32 $5.000000000e-01, v4  }
0xcf: {  	(erf) = vrcp.f32 v3  }
0xd0: {  	(erf) = vrcp.f32 v4  }
0xd1: {  	v10 =	vpop (erf)  }
0xd2: {  	v10 =	vmul.f32 v10, v9;
	_ =	sdelay $0x1  }
0xd3: {  	v5 =	vadd.f32 v10, v5;
	_ =	sdelay $0x1  }
0xd4: {  	v5 =	vmul.f32 $5.000000000e-01, v5  }
0xd5: {  	v10 =	vpop (erf)  }
0xd6: {  	v10 =	vmul.f32 v10, v7;
	v11 =	vpop (erf);
	(erf) = vrcp.f32 v5  }
0xd7: {  	v11 =	vmul.f32 v11, v6;
	v12 =	vpop (erf)  }
0xd8: {  	v2 =	vadd.f32 v10, v2;
	v10 =	vmul.f32 v12, v8  }
0xd9: {  	v3 =	vadd.f32 v11, v3  }
0xda: {  	v2 =	vmul.f32 $5.000000000e-01, v2;
	v4 =	vadd.f32 v10, v4  }
0xdb: {  	v3 =	vmul.f32 $5.000000000e-01, v3  }
0xdc: {  	(erf) = vrcp.f32 v2;
	v4 =	vmul.f32 $5.000000000e-01, v4  }
0xdd: {  	(erf) = vrcp.f32 v3  }
0xde: {  	(erf) = vrcp.f32 v4  }
0xdf: {  	v10 =	vpop (erf)  }
0xe0: {  	v10 =	vmul.f32 v10, v9;
	_ =	sdelay $0x1  }
0xe1: {  	v5 =	vadd.f32 v10, v5;
	_ =	sdelay $0x1  }
0xe2: {  	v5 =	vmul.f32 $5.000000000e-01, v5  }
0xe3: {  	v10 =	vpop (erf)  }
0xe4: {  	v10 =	vmul.f32 v10, v7;
	v11 =	vpop (erf);
	(erf) = vrcp.f32 v5  }
0xe5: {  	v11 =	vmul.f32 v11, v6;
	v12 =	vpop (erf)  }
0xe6: {  	s9 =	simm.s32 $0x13340;
	v2 =	vadd.f32 v10, v2;
	v10 =	vmul.f32 v12, v8  }
0xe7: {  	s10 =	simm.s32 $0x1D140;
	v3 =	vadd.f32 v11, v3;
	v11 =	vld [tilespmem:s9+$0x10]  }
0xe8: {  	v4 =	vadd.f32 v10, v4;
	v10 =	vld [tilespmem:s10+$0x10];
	_ =	sdelay $0x2  }
0xe9: {  	v13 =	vld [tilespmem:s10+$0xFFFFFFF0];
	v2 =	vmul.f32 $5.000000000e-01, v2  }
0xea: {  	v14 =	vld [tilespmem:s9+$0x0];
	v3 =	vmul.f32 $5.000000000e-01, v3  }
0xeb: {  	v12 =	vld [tilespmem:s9+$0xFFFFFFF0];
	(erf) = vrcp.f32 v2;
	v4 =	vmul.f32 $5.000000000e-01, v4;
	v17 =	vadd.f32 v10, v11;
	v10 =	vpop (erf)  }
0xec: {  	v16 =	vld [tilespmem:s10+$0x0];
	(erf) = vrcp.f32 v3;
	v10 =	vmul.f32 v10, v9  }
0xed: {  	v18 =	vld [tilespmem:s10+$0xFFFFFFE0];
	(erf) = vrcp.f32 v4;
	v19 =	vadd.f32 $1.000000000e+00, v17  }
0xee: {  	v11 =	vld [tilespmem:s9+$0xFFFFFFE0];
	v5 =	vadd.f32 v10, v5  }
0xef: {  	v10 =	vmul.f32 $5.000000000e-01, v19  }
0xf0: {  	v15 =	vadd.f32 v13, v12;
	v5 =	vmul.f32 $5.000000000e-01, v5  }
0xf1: {  	v14 =	vadd.f32 v16, v14;
	(erf) = vrcp.f32 v10  }
0xf2: {  	v12 =	vadd.f32 $1.000000000e+00, v15;
	(erf) = vrcp.f32 v5  }
0xf3: {  	v16 =	vadd.f32 v18, v11;
	v11 =	vadd.f32 $1.000000000e+00, v14  }
0xf4: {  	v12 =	vmul.f32 $5.000000000e-01, v12;
	v13 =	vpop (erf)  }
0xf5: {  	v18 =	vpop (erf);
	v13 =	vmul.f32 v13, v7;
	v11 =	vmul.f32 $5.000000000e-01, v11  }
0xf6: {  	v20 =	vadd.f32 $1.000000000e+00, v16;
	v19 =	vpop (erf);
	v18 =	vmul.f32 v18, v6;
	(erf) = vrcp.f32 v12  }
0xf7: {  	v19 =	vmul.f32 v19, v8;
	(erf) = vrcp.f32 v11  }
0xf8: {  	v2 =	vadd.f32 v13, v2;
	v13 =	vmul.f32 $5.000000000e-01, v20  }
0xf9: {  	v4 =	vadd.f32 v19, v4  }
0xfa: {  	v3 =	vadd.f32 v18, v3;
	v2 =	vmul.f32 $5.000000000e-01, v2;
	(erf) = vrcp.f32 v13;
	v18 =	vpop (erf)  }
0xfb: {  	v4 =	vmul.f32 $5.000000000e-01, v4;
	v18 =	vmul.f32 v18, v17;
	v19 =	vpop (erf)  }
0xfc: {  	(erf) = vrcp.f32 v2;
	v19 =	vmul.f32 v19, v9  }
0xfd: {  	v3 =	vmul.f32 $5.000000000e-01, v3;
	(erf) = vrcp.f32 v4;
	_ =	sdelay $0x1  }
0xfe: {  	(erf) = vrcp.f32 v3;
	v10 =	vadd.f32 v18, v10;
	v18 =	vpop (erf)  }
0xff: {  	v5 =	vadd.f32 v19, v5;
	v18 =	vmul.f32 v18, v15;
	v19 =	vpop (erf)  }
0x100: {  	v19 =	vmul.f32 v19, v14  }
0x101: {  	v10 =	vmul.f32 $5.000000000e-01, v10;
	_ =	sdelay $0x1  }
0x102: {  	(erf) = vrcp.f32 v10;
	v12 =	vadd.f32 v18, v12;
	v18 =	vpop (erf)  }
0x103: {  	v11 =	vadd.f32 v19, v11;
	v18 =	vmul.f32 v18, v16;
	v19 =	vpop (erf)  }
0x104: {  	v5 =	vmul.f32 $5.000000000e-01, v5;
	v20 =	vpop (erf)  }
0x105: {  	v12 =	vmul.f32 $5.000000000e-01, v12;
	v13 =	vadd.f32 v18, v13;
	v18 =	vmul.f32 v20, v8  }
0x106: {  	(erf) = vrcp.f32 v5;
	v11 =	vmul.f32 $5.000000000e-01, v11;
	v20 =	vpop (erf)  }
0x107: {  	(erf) = vrcp.f32 v12;
	v4 =	vadd.f32 v18, v4;
	v18 =	vmul.f32 v20, v6;
	_ =	sdelay $0x1  }
0x108: {  	(erf) = vrcp.f32 v11;
	v13 =	vmul.f32 $5.000000000e-01, v13;
	_ =	sdelay $0x1  }
0x109: {  	v19 =	vmul.f32 v19, v7;
	(erf) = vrcp.f32 v13;
	v3 =	vadd.f32 v18, v3;
	v18 =	vpop (erf)  }
0x10a: {  	v4 =	vmul.f32 $5.000000000e-01, v4;
	v18 =	vmul.f32 v18, v17;
	_ =	sdelay $0x1  }
0x10b: {  	v2 =	vadd.f32 v19, v2;
	(erf) = vrcp.f32 v4  }
0x10c: {  	v19 =	vpop (erf)  }
0x10d: {  	v2 =	vmul.f32 $5.000000000e-01, v2;
	v3 =	vmul.f32 $5.000000000e-01, v3;
	v10 =	vadd.f32 v18, v10;
	v18 =	vpop (erf)  }
0x10e: {  	v19 =	vmul.f32 v19, v9;
	v18 =	vmul.f32 v18, v15  }
0x10f: {  	(erf) = vrcp.f32 v2;
	v20 =	vpop (erf)  }
0x110: {  	(erf) = vrcp.f32 v3;
	v5 =	vadd.f32 v19, v5;
	v19 =	vmul.f32 v20, v14;
	_ =	sdelay $0x1  }
0x111: {  	v12 =	vadd.f32 v18, v12;
	v18 =	vpop (erf)  }
0x112: {  	v10 =	vmul.f32 $5.000000000e-01, v10;
	v18 =	vmul.f32 v18, v16  }
0x113: {  	v11 =	vadd.f32 v19, v11;
	v19 =	vpop (erf)  }
0x114: {  	(erf) = vrcp.f32 v10;
	v13 =	vadd.f32 v18, v13;
	v18 =	vmul.f32 v19, v8;
	_ =	sdelay $0x1  }
0x115: {  	v5 =	vmul.f32 $5.000000000e-01, v5  }
0x116: {  	v12 =	vmul.f32 $5.000000000e-01, v12;
	v19 =	vpop (erf)  }
0x117: {  	(erf) = vrcp.f32 v5;
	v4 =	vadd.f32 v18, v4;
	v18 =	vpop (erf)  }
0x118: {  	(erf) = vrcp.f32 v12;
	v18 =	vmul.f32 v18, v6  }
0x119: {  	v11 =	vmul.f32 $5.000000000e-01, v11;
	_ =	sdelay $0x1  }
0x11a: {  	(erf) = vrcp.f32 v11;
	v13 =	vmul.f32 $5.000000000e-01, v13  }
0x11b: {  	v19 =	vmul.f32 v19, v7;
	v4 =	vmul.f32 $5.000000000e-01, v4;
	v3 =	vadd.f32 v18, v3;
	v18 =	vpop (erf)  }
0x11c: {  	(erf) = vrcp.f32 v13;
	v18 =	vmul.f32 v18, v17  }
0x11d: {  	v2 =	vadd.f32 v19, v2;
	(erf) = vrcp.f32 v4;
	_ =	sdelay $0x1  }
0x11e: {  	v2 =	vmul.f32 $5.000000000e-01, v2;
	v19 =	vpop (erf)  }
0x11f: {  	v3 =	vmul.f32 $5.000000000e-01, v3;
	v19 =	vmul.f32 v19, v9;
	v10 =	vadd.f32 v18, v10;
	v18 =	vpop (erf)  }
0x120: {  	(erf) = vrcp.f32 v2;
	v18 =	vmul.f32 v18, v15  }
0x121: {  	(erf) = vrcp.f32 v3  }
0x122: {  	v5 =	vadd.f32 v19, v5  }
0x123: {  	v10 =	vmul.f32 $5.000000000e-01, v10;
	v19 =	vpop (erf)  }
0x124: {  	v20 =	vmul.f32 $5.000000000e-01, v5;
	v19 =	vmul.f32 v19, v14;
	v12 =	vadd.f32 v18, v12;
	v18 =	vpop (erf)  }
0x125: {  	(erf) = vrcp.f32 v10;
	v5 =	vmul.f32 v18, v16;
	v18 =	vpop (erf)  }
0x126: {  	v18 =	vmul.f32 v18, v8  }
0x127: {  	s12 =	simm.s32 $0x1D180;
	v11 =	vadd.f32 v19, v11  }
0x128: {  	s11 =	simm.s32 $0x13380;
	v19 =	vld [tilespmem:s12+$0x10];
	v12 =	vmul.f32 $5.000000000e-01, v12;
	(erf) = vrcp.f32 v20;
	v5 =	vadd.f32 v5, v13  }
0x129: {  	v11 =	vmul.f32 $5.000000000e-01, v11;
	v21 =	vpop (erf);
	v13 =	vld [tilespmem:s11+$0x10]  }
0x12a: {  	(erf) = vrcp.f32 v12;
	v4 =	vadd.f32 v18, v4;
	v22 =	vmul.f32 $5.000000000e-01, v5;
	v18 =	vpop (erf)  }
0x12b: {  	v5 =	vmul.f32 v21, v7;
	v18 =	vmul.f32 v18, v6  }
0x12c: {  	v23 =	vld [tilespmem:s12+$0xFFFFFFE0];
	(erf) = vrcp.f32 v11  }
0x12d: {  	v24 =	vld [tilespmem:s12+$0xFFFFFFF0];
	(erf) = vrcp.f32 v22;
	v2 =	vadd.f32 v5, v2;
	v3 =	vadd.f32 v18, v3  }
0x12e: {  	v21 =	vld [tilespmem:s11+$0xFFFFFFF0];
	v25 =	vmul.f32 $5.000000000e-01, v4;
	v5 =	vadd.f32 v19, v13;
	v13 =	vpop (erf)  }
0x12f: {  	v4 =	vld [tilespmem:s11+$0x0];
	v19 =	vmul.f32 $5.000000000e-01, v2;
	v2 =	vmul.f32 v13, v17  }
0x130: {  	v18 =	vld [tilespmem:s12+$0x0]  }
0x131: {  	v26 =	vld [tilespmem:s11+$0xFFFFFFE0];
	(erf) = vrcp.f32 v25;
	v27 =	vadd.f32 $1.000000000e+00, v5;
	v13 =	vmul.f32 $5.000000000e-01, v3;
	v3 =	vpop (erf)  }
0x132: {  	(erf) = vrcp.f32 v19;
	v10 =	vadd.f32 v2, v10;
	v28 =	vmul.f32 v3, v9  }
0x133: {  	(erf) = vrcp.f32 v13;
	v3 =	vadd.f32 v24, v21;
	v2 =	vpop (erf);
	v21 =	vmul.f32 $5.000000000e-01, v27  }
0x134: {  	v10 =	vmul.f32 $5.000000000e-01, v10;
	v24 =	vmul.f32 v2, v15;
	v20 =	vadd.f32 v28, v20  }
0x135: {  	v2 =	vadd.f32 v18, v4;
	v18 =	vpop (erf);
	v27 =	vadd.f32 $1.000000000e+00, v3;
	(erf) = vrcp.f32 v21  }
0x136: {  	v4 =	vadd.f32 v23, v26;
	v23 =	vpop (erf);
	(erf) = vrcp.f32 v10;
	v20 =	vmul.f32 $5.000000000e-01, v20  }
0x137: {  	v23 =	vmul.f32 v23, v16;
	v26 =	vmul.f32 $5.000000000e-01, v27  }
0x138: {  	v18 =	vmul.f32 v18, v14;
	v27 =	vadd.f32 $1.000000000e+00, v2;
	(erf) = vrcp.f32 v20  }
0x139: {  	(erf) = vrcp.f32 v26  }
0x13a: {  	v50 =	vadd.f32 $1.000000000e+00, v4;
	v27 =	vmul.f32 $5.000000000e-01, v27  }
0x13b: {  	v12 =	vadd.f32 v24, v12;
	v22 =	vadd.f32 v23, v22;
	v23 =	vpop (erf)  }
0x13c: {  	v11 =	vadd.f32 v18, v11;
	v24 =	vmul.f32 $5.000000000e-01, v50;
	(erf) = vrcp.f32 v27;
	v18 =	vpop (erf)  }
0x13d: {  	v12 =	vmul.f32 $5.000000000e-01, v12;
	v22 =	vmul.f32 $5.000000000e-01, v22;
	v51 =	vpop (erf)  }
0x13e: {  	(erf) = vrcp.f32 v24;
	v18 =	vmul.f32 v18, v7;
	v29 =	vpop (erf)  }
0x13f: {  	(erf) = vrcp.f32 v12;
	v29 =	vmul.f32 v29, v5  }
0x140: {  	v23 =	vmul.f32 v23, v8;
	(erf) = vrcp.f32 v22;
	v30 =	vpop (erf)  }
0x141: {  	v18 =	vadd.f32 v18, v19;
	v19 =	vadd.f32 v29, v21;
	v52 =	vpop (erf)  }
0x142: {  	v11 =	vmul.f32 $5.000000000e-01, v11;
	v23 =	vadd.f32 v23, v25;
	v25 =	vmul.f32 v30, v17;
	v21 =	vpop (erf)  }
0x143: {  	v9 =	vmul.f32 v52, v9;
	v21 =	vmul.f32 v21, v3  }
0x144: {  	v10 =	vadd.f32 v25, v10  }
0x145: {  	(erf) = vrcp.f32 v11;
	v25 =	vmul.f32 $5.000000000e-01, v19;
	v19 =	vpop (erf);
	v9 =	vadd.f32 v9, v20  }
0x146: {  	v10 =	vmul.f32 $5.000000000e-01, v10;
	v19 =	vmul.f32 v19, v2  }
0x147: {  	v20 =	vadd.f32 v21, v26;
	v9 =	vmul.f32 $5.000000000e-01, v9;
	v21 =	vpop (erf);
	(erf) = vrcp.f32 v25  }
0x148: {  	v19 =	vadd.f32 v19, v27;
	v26 =	vpop (erf);
	v21 =	vmul.f32 v21, v4;
	(erf) = vrcp.f32 v10  }
0x149: {  	v20 =	vmul.f32 $5.000000000e-01, v20;
	v27 =	vpop (erf);
	(erf) = vrcp.f32 v9  }
0x14a: {  	v9 =	vadd.f32 v21, v24;
	v21 =	vmul.f32 $5.000000000e-01, v19;
	v19 =	vmul.f32 v27, v16  }
0x14b: {  	v28 =	vmul.f32 v51, v6;
	v23 =	vmul.f32 $5.000000000e-01, v23  }
0x14c: {  	(erf) = vrcp.f32 v20;
	v24 =	vmul.f32 v26, v15;
	v19 =	vadd.f32 v19, v22  }
0x14d: {  	v9 =	vmul.f32 $5.000000000e-01, v9;
	(erf) = vrcp.f32 v21  }
0x14e: {  	v18 =	vmul.f32 $5.000000000e-01, v18;
	v26 =	vpop (erf);
	v12 =	vadd.f32 v24, v12;
	(erf) = vrcp.f32 v23  }
0x14f: {  	v22 =	vmul.f32 v26, v14;
	(erf) = vrcp.f32 v9  }
0x150: {  	v13 =	vadd.f32 v28, v13;
	v24 =	vmul.f32 $5.000000000e-01, v19;
	v12 =	vmul.f32 $5.000000000e-01, v12;
	v19 =	vpop (erf)  }
0x151: {  	v11 =	vadd.f32 v22, v11;
	(erf) = vrcp.f32 v18;
	v26 =	vmul.f32 v19, v5  }
0x152: {  	v13 =	vmul.f32 $5.000000000e-01, v13;
	(erf) = vrcp.f32 v24  }
0x153: {  	v11 =	vmul.f32 $5.000000000e-01, v11;
	(erf) = vrcp.f32 v12;
	v22 =	vpop (erf)  }
0x154: {  	(erf) = vrcp.f32 v13;
	v19 =	vpop (erf);
	v22 =	vmul.f32 v22, v17;
	v25 =	vadd.f32 v26, v25  }
0x155: {  	(erf) = vrcp.f32 v11;
	v26 =	vpop (erf)  }
0x156: {  	v10 =	vadd.f32 v22, v10;
	v25 =	vmul.f32 $5.000000000e-01, v25;
	v26 =	vmul.f32 v26, v3;
	v27 =	vpop (erf)  }
0x157: {  	v22 =	vmul.f32 v27, v2  }
0x158: {  	v10 =	vmul.f32 $5.000000000e-01, v10;
	(erf) = vrcp.f32 v25  }
0x159: {  	v27 =	vpop (erf);
	v20 =	vadd.f32 v26, v20  }
0x15a: {  	(erf) = vrcp.f32 v10;
	v21 =	vadd.f32 v22, v21;
	v26 =	vpop (erf)  }
0x15b: {  	v20 =	vmul.f32 $5.000000000e-01, v20;
	v26 =	vmul.f32 v26, v4;
	v22 =	vpop (erf)  }
0x15c: {  	v8 =	vmul.f32 v27, v8;
	v21 =	vmul.f32 $5.000000000e-01, v21;
	v27 =	vpop (erf)  }
0x15d: {  	(erf) = vrcp.f32 v20;
	v9 =	vadd.f32 v26, v9;
	v26 =	vmul.f32 v27, v16;
	v27 =	vpop (erf)  }
0x15e: {  	v8 =	vadd.f32 v8, v23;
	v7 =	vmul.f32 v22, v7;
	(erf) = vrcp.f32 v21;
	v53 =	vpop (erf)  }
0x15f: {  	v27 =	vmul.f32 v27, v15;
	v9 =	vmul.f32 $5.000000000e-01, v9;
	v23 =	vadd.f32 v26, v24;
	v24 =	vpop (erf)  }
0x160: {  	v7 =	vadd.f32 v7, v18;
	v6 =	vmul.f32 v53, v6;
	v22 =	vmul.f32 v24, v14  }
0x161: {  	v12 =	vadd.f32 v27, v12;
	v18 =	vpop (erf);
	(erf) = vrcp.f32 v9;
	v23 =	vmul.f32 $5.000000000e-01, v23  }
0x162: {  	v6 =	vadd.f32 v6, v13;
	v13 =	vmul.f32 v18, v5  }
0x163: {  	v18 =	vpop (erf);
	v12 =	vmul.f32 $5.000000000e-01, v12;
	v11 =	vadd.f32 v22, v11;
	(erf) = vrcp.f32 v23  }
0x164: {  	v8 =	vmul.f32 $5.000000000e-01, v8;
	v18 =	vmul.f32 v18, v17;
	v13 =	vadd.f32 v13, v25  }
0x165: {  	v11 =	vmul.f32 $5.000000000e-01, v11;
	(erf) = vrcp.f32 v12  }
0x166: {  	v7 =	vmul.f32 $5.000000000e-01, v7;
	v22 =	vpop (erf);
	v13 =	vmul.f32 $5.000000000e-01, v13  }
0x167: {  	v10 =	vadd.f32 v18, v10;
	(erf) = vrcp.f32 v11;
	v22 =	vmul.f32 v22, v3;
	v24 =	vpop (erf)  }
0x168: {  	(erf) = vrcp.f32 v8;
	v8 =	vmul.f32 v24, v2  }
0x169: {  	v18 =	vadd.f32 v22, v20;
	v22 =	vmul.f32 $5.000000000e-01, v10;
	(erf) = vrcp.f32 v7  }
0x16a: {  	v6 =	vmul.f32 $5.000000000e-01, v6;
	(erf) = vrcp.f32 v13;
	v20 =	vpop (erf)  }
0x16b: {  	v8 =	vadd.f32 v8, v21;
	(erf) = vrcp.f32 v22;
	v7 =	vmul.f32 v20, v4  }
0x16c: {  	s6 =	simm.s32 $0x1D1C0;
	(erf) = vrcp.f32 v6;
	v10 =	vpop (erf)  }
0x16d: {  	s14 =	simm.s32 $0x133C0;
	v21 =	vmul.f32 $5.000000000e-01, v8;
	v8 =	vld [tilespmem:s6+$0x10];
	v6 =	vadd.f32 v7, v9;
	v7 =	vmul.f32 v10, v16  }
0x16e: {  	v18 =	vmul.f32 $5.000000000e-01, v18;
	v9 =	vld [tilespmem:s14+$0x10];
	v10 =	vmul.f32 $8.999999760e-01, v19;
	v20 =	vpop (erf)  }
0x16f: {  	v20 =	vmul.f32 v20, v15;
	v24 =	vmul.f32 $5.000000000e-01, v6;
	v6 =	vadd.f32 v7, v23  }
0x170: {  	(erf) = vrcp.f32 v18  }
0x171: {  	v27 =	vld [tilespmem:s6+$0xFFFFFFF0];
	(erf) = vrcp.f32 v21;
	v12 =	vadd.f32 v20, v12;
	v20 =	vmul.f32 v10, v19;
	v7 =	vpop (erf)  }
0x172: {  	v23 =	vld [tilespmem:s14+$0xFFFFFFF0];
	v54 =	vmul.f32 $5.000000000e-01, v6;
	v26 =	vmul.f32 v7, v14;
	v7 =	vpop (erf)  }
0x173: {  	v55 =	vld [tilespmem:s14+$0x0];
	(erf) = vrcp.f32 v24;
	v10 =	vadd.f32 v8, v9;
	v56 =	vmul.f32 $5.000000000e-01, v12;
	v6 =	vpop (erf)  }
0x174: {  	v25 =	vld [tilespmem:s6+$0xFFFFFFE0];
	(erf) = vrcp.f32 v54;
	v11 =	vadd.f32 v26, v11;
	v8 =	vpop (erf)  }
0x175: {  	v26 =	vld [tilespmem:s6+$0x0];
	v32 =	vadd.f32 $1.000000000e+00, v10;
	(erf) = vrcp.f32 v56;
	v9 =	vmul.f32 v8, v5;
	v8 =	vpop (erf)  }
0x176: {  	v12 =	vld [tilespmem:s14+$0xFFFFFFE0];
	v31 =	vmul.f32 $5.000000000e-01, v11;
	v33 =	vmul.f32 v8, v17  }
0x177: {  	v8 =	vadd.f32 v27, v23;
	v23 =	vmul.f32 $5.000000000e-01, v32;
	v13 =	vadd.f32 v9, v13  }
0x178: {  	v11 =	vpop (erf);
	(erf) = vrcp.f32 v31  }
0x179: {  	v22 =	vadd.f32 v33, v22;
	v57 =	vadd.f32 $1.000000000e+00, v8;
	v9 =	vpop (erf);
	(erf) = vrcp.f32 v23  }
0x17a: {  	v27 =	vmul.f32 v9, v3;
	v9 =	vadd.f32 v26, v55;
	v26 =	vmul.f32 $5.000000000e-01, v13  }
0x17b: {  	v12 =	vadd.f32 v25, v12;
	v22 =	vmul.f32 $5.000000000e-01, v22;
	v58 =	vmul.f32 $5.000000000e-01, v57;
	v13 =	vpop (erf)  }
0x17c: {  	v25 =	vpop (erf);
	v59 =	vadd.f32 $1.000000000e+00, v9;
	(erf) = vrcp.f32 v26;
	v61 =	vmul.f32 v13, v2  }
0x17d: {  	v25 =	vmul.f32 v25, v4;
	(erf) = vrcp.f32 v22  }
0x17e: {  	v60 =	vadd.f32 $1.000000000e+00, v12;
	v32 =	vmul.f32 $5.000000000e-01, v59  }
0x17f: {  	v18 =	vadd.f32 v27, v18;
	(erf) = vrcp.f32 v58;
	v21 =	vadd.f32 v61, v21  }
0x180: {  	v27 =	vmul.f32 $5.000000000e-01, v60;
	v24 =	vadd.f32 v25, v24;
	(erf) = vrcp.f32 v32  }
0x181: {  	v18 =	vmul.f32 $5.000000000e-01, v18;
	v21 =	vmul.f32 $5.000000000e-01, v21;
	v25 =	vpop (erf)  }
0x182: {  	(erf) = vrcp.f32 v27;
	v24 =	vmul.f32 $5.000000000e-01, v24;
	v62 =	vpop (erf)  }
0x183: {  	(erf) = vrcp.f32 v18;
	v25 =	vmul.f32 v25, v16;
	v34 =	vpop (erf)  }
0x184: {  	(erf) = vrcp.f32 v24;
	v33 =	vmul.f32 v62, v15;
	v35 =	vpop (erf)  }
0x185: {  	v25 =	vadd.f32 v25, v54;
	v35 =	vmul.f32 v35, v10;
	v36 =	vpop (erf)  }
0x186: {  	(erf) = vrcp.f32 v21;
	v30 =	vadd.f32 v33, v56;
	v63 =	vmul.f32 v36, v5;
	v40 =	vpop (erf)  }
0x187: {  	v34 =	vmul.f32 v34, v14;
	v23 =	vadd.f32 v35, v23;
	v17 =	vmul.f32 v40, v17  }
0x188: {  	v25 =	vmul.f32 $5.000000000e-01, v25;
	v41 =	vpop (erf);
	v42 =	vmul.f32 $5.000000000e-01, v30;
	v26 =	vadd.f32 v63, v26  }
0x189: {  	v33 =	vmul.f32 v41, v8;
	v23 =	vmul.f32 $5.000000000e-01, v23;
	v43 =	vpop (erf);
	v17 =	vadd.f32 v17, v22  }
0x18a: {  	v22 =	vmul.f32 v43, v9;
	v26 =	vmul.f32 $5.000000000e-01, v26  }
0x18b: {  	v29 =	vadd.f32 v33, v58;
	v44 =	vpop (erf);
	(erf) = vrcp.f32 v23;
	v17 =	vmul.f32 $5.000000000e-01, v17  }
0x18c: {  	v45 =	vpop (erf);
	v30 =	vmul.f32 v44, v12;
	(erf) = vrcp.f32 v26  }
0x18d: {  	v22 =	vadd.f32 v22, v32;
	v46 =	vpop (erf);
	v29 =	vmul.f32 $5.000000000e-01, v29;
	v47 =	vmul.f32 v45, v3  }
0x18e: {  	(erf) = vrcp.f32 v17;
	v17 =	vadd.f32 v30, v27;
	v27 =	vmul.f32 v46, v4  }
0x18f: {  	v22 =	vmul.f32 $5.000000000e-01, v22;
	(erf) = vrcp.f32 v29;
	v48 =	vpop (erf);
	v18 =	vadd.f32 v47, v18  }
0x190: {  	v49 =	vmul.f32 $5.000000000e-01, v17;
	v17 =	vadd.f32 v27, v24;
	v24 =	vmul.f32 v48, v2  }
0x191: {  	v27 =	vadd.f32 v34, v31;
	(erf) = vrcp.f32 v22  }
0x192: {  	v51 =	vmul.f32 $5.000000000e-01, v18;
	(erf) = vrcp.f32 v25;
	v18 =	vadd.f32 v24, v21  }
0x193: {  	(erf) = vrcp.f32 v49  }
0x194: {  	v50 =	vmul.f32 $5.000000000e-01, v17;
	v27 =	vmul.f32 $5.000000000e-01, v27  }
0x195: {  	(erf) = vrcp.f32 v42;
	v24 =	vmul.f32 $5.000000000e-01, v18;
	v21 =	vpop (erf)  }
0x196: {  	(erf) = vrcp.f32 v50;
	v18 =	vpop (erf);
	v21 =	vmul.f32 v21, v10  }
0x197: {  	(erf) = vrcp.f32 v51;
	v52 =	vpop (erf)  }
0x198: {  	(erf) = vrcp.f32 v27;
	v53 =	vmul.f32 v18, v5;
	v21 =	vadd.f32 v21, v23;
	v23 =	vpop (erf)  }
0x199: {  	(erf) = vrcp.f32 v24;
	v23 =	vmul.f32 v23, v8  }
0x19a: {  	v26 =	vadd.f32 v53, v26;
	v55 =	vpop (erf);
	v21 =	vmul.f32 $5.000000000e-01, v21  }
0x19b: {  	v13 =	vmul.f32 $8.999999760e-01, v7;
	v56 =	vmul.f32 v55, v9;
	v57 =	vpop (erf);
	v23 =	vadd.f32 v23, v29  }
0x19c: {  	v26 =	vmul.f32 $5.000000000e-01, v26;
	v58 =	vpop (erf);
	(erf) = vrcp.f32 v21  }
0x19d: {  	v16 =	vmul.f32 v57, v16;
	v29 =	vmul.f32 v58, v12  }
0x19e: {  	v17 =	vmul.f32 $8.999999760e-01, v6;
	v22 =	vadd.f32 v56, v22;
	v59 =	vpop (erf);
	v60 =	vmul.f32 $5.000000000e-01, v23  }
0x19f: {  	(erf) = vrcp.f32 v26;
	v15 =	vmul.f32 v59, v15;
	v23 =	vpop (erf);
	v29 =	vadd.f32 v29, v49  }
0x1a0: {  	v61 =	vmul.f32 $5.000000000e-01, v22;
	v22 =	vmul.f32 v23, v4;
	v23 =	vpop (erf)  }
0x1a1: {  	v25 =	vadd.f32 v16, v25;
	(erf) = vrcp.f32 v60;
	v16 =	vpop (erf);
	v29 =	vmul.f32 $5.000000000e-01, v29  }
0x1a2: {  	v23 =	vmul.f32 v23, v3;
	(erf) = vrcp.f32 v61;
	v63 =	vpop (erf)  }
0x1a3: {  	v22 =	vadd.f32 v22, v50;
	(erf) = vrcp.f32 v29;
	v34 =	vmul.f32 v63, v2  }
0x1a4: {  	v15 =	vadd.f32 v15, v42;
	v14 =	vmul.f32 v16, v14;
	v31 =	vadd.f32 v23, v51  }
0x1a5: {  	v23 =	vmul.f32 $5.000000000e-01, v22;
	v22 =	vadd.f32 v34, v24;
	v24 =	vmul.f32 $5.000000000e-01, v25;
	v25 =	vpop (erf)  }
0x1a6: {  	v54 =	vmul.f32 $8.999999760e-01, v52;
	v25 =	vmul.f32 v25, v10  }
0x1a7: {  	s25 =	simm.s32 $0x1A980;
	v15 =	vmul.f32 $5.000000000e-01, v15;
	v14 =	vadd.f32 v14, v27;
	v16 =	vmul.f32 $5.000000000e-01, v31  }
0x1a8: {  	[tilespmem:s25+$0x10] =	vst v19;
	(erf) = vrcp.f32 v23;
	v27 =	vpop (erf);
	v22 =	vmul.f32 $5.000000000e-01, v22;
	v19 =	vadd.f32 v25, v21  }
0x1a9: {  	v27 =	vmul.f32 v27, v5;
	(erf) = vrcp.f32 v16  }
0x1aa: {  	s28 =	simm.s32 $0x15A80;
	v25 =	vmul.f32 $5.000000000e-01, v14;
	v21 =	vpop (erf);
	(erf) = vrcp.f32 v22  }
0x1ab: {  	[tilespmem:s28+$0x10] =	vst v20;
	v14 =	vmul.f32 v21, v8;
	v20 =	vpop (erf);
	(erf) = vrcp.f32 v24  }
0x1ac: {  	v21 =	vadd.f32 v27, v26;
	v24 =	vmul.f32 $5.000000000e-01, v19;
	v20 =	vmul.f32 v20, v9;
	v19 =	vpop (erf)  }
0x1ad: {  	[tilespmem:s25+$0xFFFFFFE0] =	vst v7;
	(erf) = vrcp.f32 v15;
	v15 =	vmul.f32 v19, v12  }
0x1ae: {  	[tilespmem:s25+$0xFFFFFFF0] =	vst v6;
	v18 =	vmul.f32 $8.999999760e-01, v11;
	v14 =	vadd.f32 v14, v60;
	v21 =	vmul.f32 $5.000000000e-01, v21  }
0x1af: {  	s8 =	simm.s32 $0x1A9C0;
	[tilespmem:s25+$0x0] =	vst v11;
	v62 =	vmul.f32 v54, v52;
	(erf) = vrcp.f32 v24;
	v19 =	vadd.f32 v20, v61  }
0x1b0: {  	s25 =	simm.s32 $0x15AC0;
	[tilespmem:s8+$0x10] =	vst v52;
	v20 =	vmul.f32 $5.000000000e-01, v14;
	(erf) = vrcp.f32 v21  }
0x1b1: {  	s10 =	simm.s32 $0x13400;
	s9 =	simm.s32 $0xC;
	[tilespmem:s25+$0x10] =	vst v62;
	v14 =	vadd.f32 v15, v29;
	v19 =	vmul.f32 $5.000000000e-01, v19;
	(erf) = vrcp.f32 v25;
	v15 =	vpop (erf)  }
.LBB2_12:
0x1b2: {  	v25 =	vld [tilespmem:s10+$0x10];
	s6 =	sadd.s32 $0x40, s6;
	(erf) = vrcp.f32 v20;
	v15 =	vmul.f32 v15, v4  }
0x1b3: {  	v26 =	vld [tilespmem:s6+$0x10];
	v27 =	vmul.f32 $5.000000000e-01, v14;
	(erf) = vrcp.f32 v19;
	v14 =	vpop (erf)  }
0x1b4: {  	v29 =	vmul.f32 v13, v7;
	v28 =	vld [tilespmem:s6+$0xFFFFFFE0];
	v15 =	vadd.f32 v15, v23;
	v14 =	vmul.f32 v14, v3;
	v23 =	vpop (erf)  }
0x1b5: {  	s9 =	sadd.s32 $0x4, s9;
	v30 =	vld [tilespmem:s10+$0xFFFFFFF0];
	(erf) = vrcp.f32 v27;
	v23 =	vmul.f32 v23, v2;
	v7 =	vpop (erf)  }
0x1b6: {  	p2 =	slt.u32 s9, $0x274;
	v31 =	vld [tilespmem:s6+$0xFFFFFFF0];
	v32 =	vmul.f32 $5.000000000e-01, v15;
	v14 =	vadd.f32 v14, v16;
	v13 =	vmul.f32 $8.999999760e-01, v7;
	[tilespmem:s28+$0xFFFFFFE0] =	vst v29  }
0x1b7: {  	v17 =	vmul.f32 v17, v6;
	v18 =	vmul.f32 v18, v11;
	v15 =	vld [tilespmem:s10+$0x0];
	v16 =	vadd.f32 v23, v22;
	[tilespmem:s8+$0xFFFFFFE0] =	vst v7;
	v6 =	vpop (erf)  }
0x1b8: {  	v22 =	vld [tilespmem:s6+$0x0];
	v23 =	vadd.f32 v26, v25;
	v11 =	vpop (erf);
	v25 =	vmul.f32 $5.000000000e-01, v14;
	(erf) = vrcp.f32 v32;
	[tilespmem:s8+$0xFFFFFFF0] =	vst v6  }
0x1b9: {  	v26 =	vld [tilespmem:s10+$0xFFFFFFE0];
	v29 =	vmul.f32 v11, v10;
	v33 =	vmul.f32 $5.000000000e-01, v16;
	v11 =	vpop (erf);
	[tilespmem:s28+$0xFFFFFFF0] =	vst v17  }
0x1ba: {  	v16 =	vadd.f32 $1.000000000e+00, v23;
	v17 =	vmul.f32 v11, v5;
	(erf) = vrcp.f32 v25;
	v11 =	vpop (erf);
	[tilespmem:s28+$0x0] =	vst v18;
	s28 =	smov.u32 s25  }
0x1bb: {  	v14 =	vadd.f32 v31, v30;
	v18 =	vadd.f32 v29, v24;
	v24 =	vpop (erf);
	(erf) = vrcp.f32 v33;
	[tilespmem:s8+$0x0] =	vst v11  }
0x1bc: {  	v29 =	vmul.f32 $5.000000000e-01, v16;
	v24 =	vmul.f32 v24, v8;
	v30 =	vpop (erf);
	v17 =	vadd.f32 v17, v21  }
0x1bd: {  	v21 =	vadd.f32 $1.000000000e+00, v14;
	v15 =	vadd.f32 v22, v15;
	v18 =	vmul.f32 $5.000000000e-01, v18  }
0x1be: {  	v16 =	vadd.f32 v28, v26;
	(erf) = vrcp.f32 v29;
	v22 =	vpop (erf);
	v17 =	vmul.f32 $5.000000000e-01, v17  }
0x1bf: {  	v21 =	vmul.f32 $5.000000000e-01, v21;
	v26 =	vadd.f32 $1.000000000e+00, v15;
	(erf) = vrcp.f32 v18  }
0x1c0: {  	v22 =	vmul.f32 v22, v12;
	v28 =	vadd.f32 $1.000000000e+00, v16;
	(erf) = vrcp.f32 v17  }
0x1c1: {  	v20 =	vadd.f32 v24, v20;
	v26 =	vmul.f32 $5.000000000e-01, v26;
	(erf) = vrcp.f32 v21;
	v24 =	vpop (erf)  }
0x1c2: {  	v31 =	vmul.f32 v30, v9;
	v22 =	vadd.f32 v22, v27;
	v28 =	vmul.f32 $5.000000000e-01, v28  }
0x1c3: {  	v20 =	vmul.f32 $5.000000000e-01, v20;
	(erf) = vrcp.f32 v26;
	v30 =	vpop (erf)  }
0x1c4: {  	v19 =	vadd.f32 v31, v19;
	v22 =	vmul.f32 $5.000000000e-01, v22;
	(erf) = vrcp.f32 v28;
	v27 =	vpop (erf)  }
0x1c5: {  	v24 =	vmul.f32 v24, v4;
	(erf) = vrcp.f32 v20  }
0x1c6: {  	v19 =	vmul.f32 $5.000000000e-01, v19;
	(erf) = vrcp.f32 v22  }
0x1c7: {  	v24 =	vadd.f32 v24, v32;
	v34 =	vmul.f32 v30, v3;
	v27 =	vmul.f32 v27, v2;
	v31 =	vpop (erf)  }
0x1c8: {  	v35 =	vmul.f32 v31, v23;
	(erf) = vrcp.f32 v19;
	v32 =	vpop (erf)  }
0x1c9: {  	v25 =	vadd.f32 v34, v25;
	v27 =	vadd.f32 v27, v33;
	v32 =	vmul.f32 v32, v10;
	v30 =	vpop (erf)  }
0x1ca: {  	v24 =	vmul.f32 $5.000000000e-01, v24;
	v33 =	vadd.f32 v35, v29;
	v31 =	vpop (erf);
	v34 =	vmul.f32 v30, v5  }
0x1cb: {  	v25 =	vmul.f32 $5.000000000e-01, v25;
	v5 =	vmovc v10;
	v10 =	vmovc v23;
	v31 =	vmul.f32 v31, v14;
	v32 =	vadd.f32 v32, v18  }
0x1cc: {  	v27 =	vmul.f32 $5.000000000e-01, v27;
	v23 =	vmul.f32 $5.000000000e-01, v33;
	v29 =	vpop (erf);
	v17 =	vadd.f32 v34, v17  }
0x1cd: {  	v21 =	vadd.f32 v31, v21;
	v33 =	vmul.f32 v29, v15;
	v30 =	vpop (erf);
	v31 =	vmul.f32 $5.000000000e-01, v32  }
0x1ce: {  	(erf) = vrcp.f32 v23;
	v18 =	vpop (erf);
	v17 =	vmul.f32 $5.000000000e-01, v17  }
0x1cf: {  	v30 =	vmul.f32 v30, v16;
	v26 =	vadd.f32 v33, v26;
	v29 =	vpop (erf);
	(erf) = vrcp.f32 v31  }
0x1d0: {  	v21 =	vmul.f32 $5.000000000e-01, v21;
	(erf) = vrcp.f32 v17  }
0x1d1: {  	v17 =	vadd.f32 v30, v28;
	v28 =	vmul.f32 v29, v12;
	v26 =	vmul.f32 $5.000000000e-01, v26;
	v29 =	vpop (erf)  }
0x1d2: {  	v18 =	vmul.f32 v18, v8;
	(erf) = vrcp.f32 v21  }
0x1d3: {  	v30 =	vmul.f32 $5.000000000e-01, v17;
	v17 =	vadd.f32 v28, v22;
	(erf) = vrcp.f32 v26  }
0x1d4: {  	v18 =	vadd.f32 v18, v20;
	v20 =	vmul.f32 v29, v9;
	(erf) = vrcp.f32 v24  }
0x1d5: {  	v22 =	vmul.f32 $5.000000000e-01, v17;
	(erf) = vrcp.f32 v30  }
0x1d6: {  	v28 =	vmul.f32 $5.000000000e-01, v18;
	v32 =	vadd.f32 v20, v19;
	(erf) = vrcp.f32 v25  }
0x1d7: {  	v17 =	vmul.f32 $8.999999760e-01, v6;
	v19 =	vpop (erf);
	(erf) = vrcp.f32 v22  }
0x1d8: {  	v20 =	vmul.f32 $5.000000000e-01, v32;
	(erf) = vrcp.f32 v28;
	v18 =	vpop (erf)  }
0x1d9: {  	v19 =	vmul.f32 v19, v10;
	(erf) = vrcp.f32 v27;
	v29 =	vpop (erf)  }
0x1da: {  	v32 =	vmul.f32 v18, v5;
	v33 =	vmul.f32 $8.999999760e-01, v29  }
0x1db: {  	v18 =	vmul.f32 $8.999999760e-01, v11;
	v19 =	vadd.f32 v19, v23;
	v23 =	vpop (erf);
	(erf) = vrcp.f32 v20  }
0x1dc: {  	s8 =	sadd.s32 $0x40, s8;
	v31 =	vadd.f32 v32, v31;
	v35 =	vmul.f32 v23, v14;
	v34 =	vpop (erf);
	v32 =	vmul.f32 v33, v29  }
0x1dd: {  	s25 =	sadd.s32 $0x40, s25;
	v19 =	vmul.f32 $5.000000000e-01, v19;
	v33 =	vmul.f32 v34, v15;
	[tilespmem:s8+$0x10] =	vst v29;
	v29 =	vpop (erf)  }
0x1de: {  	v31 =	vmul.f32 $5.000000000e-01, v31;
	v21 =	vadd.f32 v35, v21;
	v23 =	vpop (erf);
	v34 =	vmul.f32 v29, v4;
	[tilespmem:s25+$0x10] =	vst v32  }
0x1df: {  	v23 =	vmul.f32 v23, v16;
	v26 =	vadd.f32 v33, v26;
	(erf) = vrcp.f32 v19;
	v29 =	vpop (erf)  }
0x1e0: {  	v21 =	vmul.f32 $5.000000000e-01, v21;
	v32 =	vpop (erf);
	(erf) = vrcp.f32 v31;
	v24 =	vadd.f32 v34, v24  }
0x1e1: {  	v35 =	vadd.f32 v23, v30;
	v26 =	vmul.f32 $5.000000000e-01, v26;
	v30 =	vmul.f32 v32, v12;
	v4 =	vpop (erf)  }
0x1e2: {  	(erf) = vrcp.f32 v21;
	v32 =	vmul.f32 v4, v8;
	v33 =	vpop (erf);
	v4 =	vmov v12  }
0x1e3: {  	v12 =	vmovc v16;
	v34 =	vmul.f32 $5.000000000e-01, v35;
	(erf) = vrcp.f32 v26;
	v22 =	vadd.f32 v30, v22  }
0x1e4: {  	v16 =	vadd.f32 v32, v28;
	v23 =	vpop (erf);
	v28 =	vmul.f32 v29, v3;
	v29 =	vmul.f32 v33, v2  }
0x1e5: {  	v3 =	vmovc v8;
	v8 =	vmovc v14;
	v2 =	vmov v9;
	(erf) = vrcp.f32 v34;
	v30 =	vmul.f32 v23, v9  }
0x1e6: {  	v23 =	vmul.f32 $5.000000000e-01, v22;
	v9 =	vmovc v15;
	v16 =	vmul.f32 $5.000000000e-01, v16;
	v14 =	vadd.f32 v28, v25  }
0x1e7: {  	v28 =	vadd.f32 v30, v20;
	v20 =	vmul.f32 $5.000000000e-01, v24;
	v24 =	vadd.f32 v29, v27  }
0x1e8: {  	v22 =	vpop (erf);
	(erf) = vrcp.f32 v23;
	v14 =	vmul.f32 $5.000000000e-01, v14  }
0x1e9: {  	v27 =	vmul.f32 v22, v10;
	v22 =	vmul.f32 $5.000000000e-01, v28;
	v15 =	vpop (erf)  }
0x1ea: {  	v15 =	vmul.f32 v15, v5;
	(erf) = vrcp.f32 v16  }
0x1eb: {  	v19 =	vadd.f32 v27, v19;
	v25 =	vpop (erf);
	(erf) = vrcp.f32 v22;
	v27 =	vmul.f32 $5.000000000e-01, v24  }
0x1ec: {  	v28 =	vmul.f32 v25, v8;
	v24 =	vpop (erf);
	v15 =	vadd.f32 v15, v31;
	(erf) = vrcp.f32 v20  }
.Ltmp7:
0x1ed: {  	v20 =	vmul.f32 v24, v9;
	v24 =	vmul.f32 $5.000000000e-01, v19;
	(pc) =	sbr.rel @p2 .LBB2_12-.Ltmp7, $4  }
0x1ee: {  	v19 =	vadd.f32 v28, v21;
	v25 =	vpop (erf);
	v21 =	vmul.f32 $5.000000000e-01, v15;
	(erf) = vrcp.f32 v14  }
0x1ef: {  	v14 =	vmul.f32 v25, v12;
	v25 =	vadd.f32 v20, v26;
	(erf) = vrcp.f32 v24  }
0x1f0: {  	v20 =	vmul.f32 $5.000000000e-01, v19;
	(erf) = vrcp.f32 v21  }
0x1f1: {  	s10 =	sadd.s32 $0x40, s10;
	v14 =	vadd.f32 v14, v34;
	v19 =	vmul.f32 $5.000000000e-01, v25;
	v15 =	vpop (erf);
	(erf) = vrcp.f32 v27  }
0x1f2: {  	_ =	sdelay $0x1  }
0x1f3: {  	v25 =	vpop (erf)  }
0x1f4: {  	v26 =	vpop (erf)  }
0x1f5: {  	v27 =	vmul.f32 v15, v4;
	(erf) = vrcp.f32 v20;
	v15 =	vpop (erf)  }
0x1f6: {  	v28 =	vmul.f32 $5.000000000e-01, v14;
	v25 =	vmul.f32 v25, v3;
	v14 =	vpop (erf)  }
0x1f7: {  	(erf) = vrcp.f32 v19;
	v23 =	vadd.f32 v27, v23;
	v26 =	vmul.f32 v26, v2;
	v50 =	vpop (erf)  }
0x1f8: {  	(erf) = vrcp.f32 v28;
	v16 =	vadd.f32 v25, v16;
	v51 =	vmul.f32 v50, v10  }
0x1f9: {  	v23 =	vmul.f32 $5.000000000e-01, v23;
	v22 =	vadd.f32 v26, v22  }
0x1fa: {  	v52 =	vmul.f32 $5.000000000e-01, v16;
	v53 =	vadd.f32 v51, v24  }
0x1fb: {  	(erf) = vrcp.f32 v23;
	v22 =	vmul.f32 $5.000000000e-01, v22  }
0x1fc: {  	(erf) = vrcp.f32 v52;
	v24 =	vmul.f32 $5.000000000e-01, v53  }
0x1fd: {  	v54 =	vpop (erf);
	(erf) = vrcp.f32 v22  }
0x1fe: {  	v16 =	vpop (erf);
	(erf) = vrcp.f32 v24  }
0x1ff: {  	v55 =	vmul.f32 v54, v5;
	v56 =	vpop (erf)  }
0x200: {  	v29 =	vpop (erf)  }
0x201: {  	v21 =	vadd.f32 v55, v21;
	v57 =	vmul.f32 v56, v8;
	v58 =	vpop (erf)  }
0x202: {  	v27 =	vmul.f32 v58, v12  }
0x203: {  	v21 =	vmul.f32 $5.000000000e-01, v21;
	v59 =	vadd.f32 v57, v20  }
0x204: {  	v61 =	vmul.f32 v29, v9;
	v60 =	vpop (erf);
	v27 =	vadd.f32 v27, v28  }
0x205: {  	(erf) = vrcp.f32 v21;
	v20 =	vmul.f32 $5.000000000e-01, v59;
	v62 =	vpop (erf)  }
0x206: {  	v27 =	vmul.f32 $5.000000000e-01, v27;
	v30 =	vpop (erf)  }
0x207: {  	v63 =	vadd.f32 v61, v19;
	(erf) = vrcp.f32 v20;
	v32 =	vpop (erf)  }
0x208: {  	(erf) = vrcp.f32 v27;
	v28 =	vmul.f32 v32, v10  }
0x209: {  	v19 =	vmul.f32 $5.000000000e-01, v63  }
0x20a: {  	v24 =	vadd.f32 v28, v24  }
0x20b: {  	(erf) = vrcp.f32 v19  }
0x20c: {  	v24 =	vmul.f32 $5.000000000e-01, v24;
	_ =	sdelay $0x1  }
0x20d: {  	v25 =	vmul.f32 v60, v4;
	v33 =	vpop (erf);
	(erf) = vrcp.f32 v24  }
0x20e: {  	v29 =	vmul.f32 v62, v3;
	v5 =	vmul.f32 v33, v5  }
0x20f: {  	v23 =	vadd.f32 v25, v23;
	v34 =	vmul.f32 v30, v2;
	v35 =	vpop (erf)  }
0x210: {  	v26 =	vadd.f32 v29, v52;
	v5 =	vadd.f32 v5, v21;
	v36 =	vpop (erf)  }
0x211: {  	v23 =	vmul.f32 $5.000000000e-01, v23;
	v22 =	vadd.f32 v34, v22;
	v21 =	vmul.f32 v36, v12  }
0x212: {  	v37 =	vmul.f32 v35, v8;
	v5 =	vmul.f32 $5.000000000e-01, v5  }
0x213: {  	v26 =	vmul.f32 $5.000000000e-01, v26;
	v22 =	vmul.f32 $5.000000000e-01, v22;
	v38 =	vpop (erf);
	v21 =	vadd.f32 v21, v27  }
0x214: {  	(erf) = vrcp.f32 v5;
	v5 =	vadd.f32 v37, v20;
	v39 =	vmul.f32 v38, v9  }
0x215: {  	(erf) = vrcp.f32 v23;
	v21 =	vmul.f32 $5.000000000e-01, v21  }
0x216: {  	v5 =	vmul.f32 $5.000000000e-01, v5;
	v19 =	vadd.f32 v39, v19;
	(erf) = vrcp.f32 v26;
	v40 =	vpop (erf)  }
0x217: {  	(erf) = vrcp.f32 v21;
	v20 =	vmul.f32 v40, v10  }
0x218: {  	v19 =	vmul.f32 $5.000000000e-01, v19;
	(erf) = vrcp.f32 v5  }
0x219: {  	(erf) = vrcp.f32 v22;
	v20 =	vadd.f32 v20, v24  }
0x21a: {  	(erf) = vrcp.f32 v19  }
0x21b: {  	v20 =	vmul.f32 $5.000000000e-01, v20;
	_ =	sdelay $0x1  }
0x21c: {  	v41 =	vpop (erf);
	(erf) = vrcp.f32 v20  }
0x21d: {  	v42 =	vpop (erf)  }
0x21e: {  	v43 =	vpop (erf)  }
0x21f: {  	v44 =	vpop (erf)  }
0x220: {  	v45 =	vpop (erf)  }
0x221: {  	v28 =	vmul.f32 v44, v12;
	v46 =	vpop (erf)  }
0x222: {  	v29 =	vmul.f32 v45, v8;
	v31 =	vpop (erf)  }
0x223: {  	v21 =	vadd.f32 v28, v21;
	v47 =	vmul.f32 v31, v9  }
0x224: {  	v4 =	vmul.f32 v42, v4;
	v5 =	vadd.f32 v29, v5  }
0x225: {  	v3 =	vmul.f32 v43, v3;
	v21 =	vmul.f32 $5.000000000e-01, v21;
	v19 =	vadd.f32 v47, v19;
	v48 =	vpop (erf)  }
0x226: {  	v4 =	vadd.f32 v4, v23;
	v5 =	vmul.f32 $5.000000000e-01, v5;
	v49 =	vmul.f32 v48, v10  }
0x227: {  	v3 =	vadd.f32 v3, v26;
	v19 =	vmul.f32 $5.000000000e-01, v19;
	(erf) = vrcp.f32 v21  }
0x228: {  	v4 =	vmul.f32 $5.000000000e-01, v4;
	(erf) = vrcp.f32 v5;
	v20 =	vadd.f32 v49, v20  }
0x229: {  	v3 =	vmul.f32 $5.000000000e-01, v3;
	(erf) = vrcp.f32 v19  }
0x22a: {  	(erf) = vrcp.f32 v4;
	v4 =	vmul.f32 $5.000000000e-01, v20  }
0x22b: {  	(erf) = vrcp.f32 v3  }
0x22c: {  	(erf) = vrcp.f32 v4;
	_ =	sdelay $0x3  }
0x22d: {  	v3 =	vpop (erf)  }
0x22e: {  	v50 =	vpop (erf)  }
0x22f: {  	v2 =	vmul.f32 v46, v2;
	v51 =	vpop (erf)  }
0x230: {  	v3 =	vmul.f32 v3, v12;
	v52 =	vpop (erf)  }
0x231: {  	v2 =	vadd.f32 v2, v22;
	v20 =	vmul.f32 v50, v8;
	v53 =	vpop (erf)  }
0x232: {  	v3 =	vadd.f32 v3, v21;
	v54 =	vmul.f32 v51, v9;
	v55 =	vpop (erf)  }
0x233: {  	v2 =	vmul.f32 $5.000000000e-01, v2;
	v5 =	vadd.f32 v20, v5;
	v56 =	vmul.f32 v55, v10  }
0x234: {  	v3 =	vmul.f32 $5.000000000e-01, v3;
	v19 =	vadd.f32 v54, v19  }
0x235: {  	(erf) = vrcp.f32 v2;
	v2 =	vmul.f32 $5.000000000e-01, v5;
	v4 =	vadd.f32 v56, v4  }
0x236: {  	(erf) = vrcp.f32 v3;
	v5 =	vmul.f32 $5.000000000e-01, v19  }
0x237: {  	(erf) = vrcp.f32 v2;
	v4 =	vmul.f32 $5.000000000e-01, v4  }
0x238: {  	(erf) = vrcp.f32 v5  }
0x239: {  	(erf) = vrcp.f32 v4;
	_ =	sdelay $0x4  }
0x23a: {  	v57 =	vpop (erf)  }
0x23b: {  	v58 =	vpop (erf)  }
0x23c: {  	v59 =	vpop (erf)  }
0x23d: {  	v60 =	vpop (erf)  }
0x23e: {  	v61 =	vpop (erf)  }
0x23f: {  	v10 =	vmul.f32 v61, v10  }
0x240: {  	v20 =	vmul.f32 v58, v12  }
0x241: {  	v4 =	vadd.f32 v10, v4  }
0x242: {  	v3 =	vadd.f32 v20, v3  }
0x243: {  	v4 =	vmul.f32 $5.000000000e-01, v4  }
0x244: {  	v21 =	vmul.f32 v59, v8;
	v3 =	vmul.f32 $5.000000000e-01, v3  }
0x245: {  	v10 =	vmul.f32 v60, v9;
	(erf) = vrcp.f32 v4  }
0x246: {  	v2 =	vadd.f32 v21, v2;
	(erf) = vrcp.f32 v3  }
0x247: {  	v5 =	vadd.f32 v10, v5  }
0x248: {  	v2 =	vmul.f32 $5.000000000e-01, v2  }
0x249: {  	v4 =	vmul.f32 $5.000000000e-01, v5  }
0x24a: {  	(erf) = vrcp.f32 v2  }
0x24b: {  	v5 =	vmul.f32 v13, v7;
	(erf) = vrcp.f32 v4;
	_ =	sdelay $0x2  }
0x24c: {  	v7 =	vpop (erf)  }
0x24d: {  	[tilespmem:s28+$0xFFFFFFE0] =	vst v5;
	v5 =	vpop (erf)  }
0x24e: {  	v6 =	vmul.f32 v17, v6;
	v5 =	vmul.f32 v5, v12  }
0x24f: {  	v11 =	vmul.f32 v18, v11  }
0x250: {  	[tilespmem:s28+$0xFFFFFFF0] =	vst v6  }
0x251: {  	[tilespmem:s28+$0x0] =	vst v11;
	v10 =	vpop (erf)  }
0x252: {  	[tilespmem:s8+$0xFFFFFFE0] =	vst v15;
	v6 =	vmul.f32 $8.999999760e-01, v41;
	v8 =	vmul.f32 v10, v8;
	v3 =	vadd.f32 v5, v3;
	v5 =	vpop (erf)  }
0x253: {  	[tilespmem:s8+$0xFFFFFFF0] =	vst v14;
	v5 =	vmul.f32 v5, v9  }
0x254: {  	s6 =	sadd.s32 $0x40, s8;
	[tilespmem:s8+$0x0] =	vst v16;
	v6 =	vmul.f32 v6, v41;
	v2 =	vadd.f32 v8, v2;
	v3 =	vmul.f32 $5.000000000e-01, v3  }
0x255: {  	s11 =	sadd.s32 $0x40, s25;
	v11 =	vmul.f32 $8.999999760e-01, v14;
	[tilespmem:s6+$0x10] =	vst v41;
	v4 =	vadd.f32 v5, v4  }
0x256: {  	[tilespmem:s11+$0x10] =	vst v6;
	v2 =	vmul.f32 $5.000000000e-01, v2;
	(erf) = vrcp.f32 v3  }
0x257: {  	[tilespmem:s6+$0xFFFFFFE0] =	vst v52;
	v5 =	vmul.f32 $8.999999760e-01, v16;
	v3 =	vmul.f32 $5.000000000e-01, v4  }
0x258: {  	[tilespmem:s6+$0xFFFFFFF0] =	vst v53;
	(erf) = vrcp.f32 v2;
	v2 =	vmul.f32 v11, v14  }
0x259: {  	[tilespmem:s6+$0x0] =	vst v57;
	v10 =	vmul.f32 $8.999999760e-01, v15;
	(erf) = vrcp.f32 v3  }
0x25a: {  	s6 =	sadd.s32 $0x40, s6;
	v4 =	vmul.f32 v5, v16;
	[tilespmem:s25+$0xFFFFFFF0] =	vst v2;
	v2 =	vmul.f32 $8.999999760e-01, v7  }
0x25b: {  	[tilespmem:s6+$0x10] =	vst v7;
	v8 =	vmul.f32 v10, v15;
	v3 =	vmul.f32 $8.999999760e-01, v52  }
0x25c: {  	[tilespmem:s25+$0x0] =	vst v4;
	v2 =	vmul.f32 v2, v7;
	v4 =	vmul.f32 $8.999999760e-01, v53  }
0x25d: {  	s9 =	sadd.s32 $0x40, s11;
	[tilespmem:s25+$0xFFFFFFE0] =	vst v8;
	v3 =	vmul.f32 v3, v52  }
0x25e: {  	[tilespmem:s9+$0x10] =	vst v2;
	v2 =	vmul.f32 $8.999999760e-01, v57;
	v4 =	vmul.f32 v4, v53  }
0x25f: {  	v5 =	vpop (erf);
	[tilespmem:s11+$0xFFFFFFE0] =	vst v3  }
0x260: {  	v2 =	vmul.f32 v2, v57;
	[tilespmem:s11+$0xFFFFFFF0] =	vst v4;
	v6 =	vmul.f32 $8.999999760e-01, v5  }
0x261: {  	[tilespmem:s6+$0xFFFFFFE0] =	vst v5;
	v3 =	vpop (erf)  }
0x262: {  	[tilespmem:s11+$0x0] =	vst v2;
	v7 =	vmul.f32 $8.999999760e-01, v3;
	v5 =	vmul.f32 v6, v5;
	v4 =	vpop (erf)  }
0x263: {  	[tilespmem:s6+$0xFFFFFFF0] =	vst v3;
	v2 =	vmul.f32 $8.999999760e-01, v4  }
0x264: {  	v3 =	vmul.f32 v7, v3;
	[tilespmem:s9+$0xFFFFFFE0] =	vst v5  }
0x265: {  	[tilespmem:s6+$0x0] =	vst v4;
	v2 =	vmul.f32 v2, v4  }
0x266: {  	[tilespmem:s9+$0xFFFFFFF0] =	vst v3  }
0x267: {  	[tilespmem:s9+$0x0] =	vst v2  }
0x268: {  	[spmem:s23] =	stream.linear.scatter [tilespmem:s0], [sflag:$0x3], $0x4F0, $0x38;
	[tilespmem:$0x1F860] =	vst v63  }
0x269: {  	_ =	swait.ge [sflag:s31], $0x4F0  }
0x26a: {  	[sflag:s31] =	ssyncset.done $0x0  }
0x26b: {  	[sflag:s31] =	ssyncadd.s32 $0xFFFFFB10  }
0x26c: {  	[spmem:s24] =	stream.linear.scatter [tilespmem:s0], [sflag:$0x3], $0x4F0, $0x38;
	[tilespmem:$0x1F860] =	vst v63  }
0x26d: {  	_ =	swait.ge [sflag:s31], $0x4F0  }
0x26e: {  	[sflag:s31] =	ssyncset.done $0x0  }
0x26f: {  	s12 =	rddreg [dreg:$0x8];
	[sflag:s31] =	ssyncadd.s32 $0xFFFFFB10  }
0x270: {  	[spmem:s12] =	stream.linear.scatter [tilespmem:s0], [sflag:$0x3], $0x4F0, $0x38;
	[tilespmem:$0x1F860] =	vst v63  }
0x271: {  	_ =	swait.ge [sflag:s31], $0x4F0  }
0x272: {  	[sflag:s31] =	ssyncset.done $0x0  }
0x273: {  	s14 =	rddreg [dreg:$0x9];
	[sflag:s31] =	ssyncadd.s32 $0xFFFFFB10  }
0x274: {  	[spmem:s14] =	stream.linear.scatter [tilespmem:s0], [sflag:$0x3], $0x4F0, $0x38;
	[tilespmem:$0x1F860] =	vst v63  }
0x275: {  	_ =	swait.ge [sflag:s31], $0x4F0  }
0x276: {  	[sflag:s31] =	ssyncset.done $0x0  }
0x277: {  	s25 =	rddreg [dreg:$0xa];
	[sflag:s31] =	ssyncadd.s32 $0xFFFFFB10  }
0x278: {  	[spmem:s25] =	stream.linear.scatter [tilespmem:s0], [sflag:$0x3], $0x4F0, $0x38;
	[tilespmem:$0x1F860] =	vst v63  }
0x279: {  	_ =	swait.ge [sflag:s31], $0x4F0  }
0x27a: {  	[sflag:s31] =	ssyncset.done $0x0  }
0x27b: {  	s8 =	rddreg [dreg:$0xb];
	[sflag:s31] =	ssyncadd.s32 $0xFFFFFB10  }
0x27c: {  	[spmem:s8] =	stream.linear.scatter [tilespmem:s0], [sflag:$0x3], $0x4F0, $0x38;
	[tilespmem:$0x1F860] =	vst v63  }
0x27d: {  	_ =	swait.ge [sflag:s31], $0x4F0  }
0x27e: {  	[sflag:s31] =	ssyncset.done $0x0  }
0x27f: {  	s9 =	rddreg [dreg:$0xc];
	[sflag:s31] =	ssyncadd.s32 $0xFFFFFB10  }
0x280: {  	[spmem:s9] =	stream.linear.scatter [tilespmem:s0], [sflag:$0x3], $0x4F0, $0x38;
	[tilespmem:$0x1F860] =	vst v63  }
0x281: {  	_ =	swait.ge [sflag:s31], $0x4F0  }
0x282: {  	[sflag:s31] =	ssyncset.done $0x0  }
0x283: {  	s10 =	rddreg [dreg:$0xd];
	[sflag:s31] =	ssyncadd.s32 $0xFFFFFB10  }
0x284: {  	[spmem:s10] =	stream.linear.scatter [tilespmem:s0], [sflag:$0x3], $0x4F0, $0x38;
	[tilespmem:$0x1F860] =	vst v63  }
0x285: {  	_ =	swait.ge [sflag:s31], $0x4F0  }
0x286: {  	[sflag:s31] =	ssyncset.done $0x0  }
0x287: {  	s11 =	rddreg [dreg:$0xe];
	[sflag:s31] =	ssyncadd.s32 $0xFFFFFB10  }
0x288: {  	[spmem:s11] =	stream.linear.scatter [tilespmem:s0], [sflag:$0x3], $0x4F0, $0x38;
	[tilespmem:$0x1F860] =	vst v63  }
0x289: {  	_ =	swait.ge [sflag:s31], $0x4F0  }
0x28a: {  	[sflag:s31] =	ssyncset.done $0x0  }
0x28b: {  	[sflag:s31] =	ssyncadd.s32 $0xFFFFFB10  }
0x28c: {  	[spmem:s15] =	stream.linear.scatter [tilespmem:s0], [sflag:$0x3], $0x4F0, $0x38;
	[tilespmem:$0x1F860] =	vst v63  }
0x28d: {  	_ =	swait.ge [sflag:s31], $0x4F0  }
0x28e: {  	[sflag:s31] =	ssyncset.done $0x0  }
0x28f: {  	[sflag:s31] =	ssyncadd.s32 $0xFFFFFB10  }
0x290: {  	[spmem:s16] =	stream.linear.scatter [tilespmem:s0], [sflag:$0x3], $0x4F0, $0x38;
	[tilespmem:$0x1F860] =	vst v63  }
0x291: {  	_ =	swait.ge [sflag:s31], $0x4F0  }
0x292: {  	[sflag:s31] =	ssyncset.done $0x0  }
0x293: {  	[sflag:s31] =	ssyncadd.s32 $0xFFFFFB10  }
0x294: {  	[spmem:s17] =	stream.linear.scatter [tilespmem:s0], [sflag:$0x3], $0x4F0, $0x38;
	[tilespmem:$0x1F860] =	vst v63  }
0x295: {  	_ =	swait.ge [sflag:s31], $0x4F0  }
0x296: {  	[sflag:s31] =	ssyncset.done $0x0  }
0x297: {  	[sflag:s31] =	ssyncadd.s32 $0xFFFFFB10  }
0x298: {  	[spmem:s18] =	stream.linear.scatter [tilespmem:s0], [sflag:$0x3], $0x4F0, $0x38;
	[tilespmem:$0x1F860] =	vst v63  }
0x299: {  	_ =	swait.ge [sflag:s31], $0x4F0  }
0x29a: {  	[sflag:s31] =	ssyncset.done $0x0  }
0x29b: {  	[sflag:s31] =	ssyncadd.s32 $0xFFFFFB10  }
0x29c: {  	[spmem:s19] =	stream.linear.scatter [tilespmem:s0], [sflag:$0x3], $0x4F0, $0x38;
	[tilespmem:$0x1F860] =	vst v63  }
0x29d: {  	_ =	swait.ge [sflag:s31], $0x4F0  }
0x29e: {  	[sflag:s31] =	ssyncset.done $0x0  }
0x29f: {  	[sflag:s31] =	ssyncadd.s32 $0xFFFFFB10  }
0x2a0: {  	[spmem:s21] =	stream.linear.scatter [tilespmem:s0], [sflag:$0x3], $0x4F0, $0x38;
	[tilespmem:$0x1F860] =	vst v63  }
0x2a1: {  	_ =	swait.ge [sflag:s31], $0x4F0  }
0x2a2: {  	[sflag:s31] =	ssyncset.done $0x0  }
0x2a3: {  	[sflag:s31] =	ssyncadd.s32 $0xFFFFFB10  }
0x2a4: {  	[spmem:s22] =	stream.linear.scatter [tilespmem:s0], [sflag:$0x3], $0x4F0, $0x38;
	[tilespmem:$0x1F860] =	vst v63  }
0x2a5: {  	_ =	swait.ge [sflag:s31], $0x4F0  }
0x2a6: {  	[sflag:s31] =	ssyncset.done $0x0  }
0x2a7: {  	s12 =	simm.s32 $0x0;
	s14 =	rddreg [dreg:$0xf];
	[sflag:s31] =	ssyncadd.s32 $0xFFFFFB10  }
0x2a8: {  	[tilespmem:s13], [sflag:$0x3] =	stream.linear.gather [hbm4b:s14+s12], $0x2780, $0x38;
	[tilespmem:$0x1F860] =	vst v63  }
0x2a9: {  	_ =	swait.ge [sflag:s31], $0x2780  }
0x2aa: {  	[sflag:s31] =	ssyncset.done $0x0  }
0x2ab: {  	s25 =	simm.s32 $0x1A9A0;
	[sflag:s31] =	ssyncadd.s32 $0xFFFFD880  }
0x2ac: {  	v4 =	vld [tilespmem:s25+$0x0]  }
0x2ad: {  	s11 =	simm.s32 $0x13320;
	v6 =	vld [tilespmem:s25+$0xFFFFFFC0]  }
0x2ae: {  	v5 =	vld [tilespmem:s11+$0x10]  }
0x2af: {  	v7 =	vld [tilespmem:s25+$0x10]  }
0x2b0: {  	v8 =	vld [tilespmem:s11+$0x0]  }
0x2b1: {  	v9 =	vld [tilespmem:s25+$0xFFFFFFE0]  }
0x2b2: {  	v10 =	vld [tilespmem:s11+$0xFFFFFFC0]  }
0x2b3: {  	v2 =	vld [tilespmem:s11+$0x20]  }
0x2b4: {  	v3 =	vld [tilespmem:s25+$0xFFFFFFD0]  }
0x2b5: {  	v62 =	vld [tilespmem:s11+$0xFFFFFFE0];
	v7 =	vmul.f32 v5, v7  }
0x2b6: {  	s8 =	simm.s32 $0x1D120;
	v8 =	vmul.f32 v8, v4;
	v5 =	vld [tilespmem:s11+$0xFFFFFFD0]  }
0x2b7: {  	v4 =	vld [tilespmem:s25+$0xFFFFFFF0];
	v6 =	vmul.f32 v10, v6;
	[tilespmem:s8+$0x10] =	vst v7  }
0x2b8: {  	v11 =	vmul.f32 $1.000000010e-01, v8;
	[tilespmem:s8+$0x0] =	vst v8;
	v8 =	vld [tilespmem:s25+$0x20]  }
0x2b9: {  	s6 =	simm.s32 $0x18220;
	v63 =	vmul.f32 $1.000000010e-01, v7;
	v7 =	vld [tilespmem:s11+$0xFFFFFFF0];
	[tilespmem:s8+$0xFFFFFFC0] =	vst v6  }
0x2ba: {  	s28 =	simm.s32 $0x18220;
	s9 =	simm.s32 $0x1D120;
	v10 =	vmul.f32 v62, v9;
	v9 =	vld [tilespmem:s25+$0x30];
	[tilespmem:s6+$0x0] =	vst v11;
	v11 =	vmul.f32 $1.000000010e-01, v6  }
0x2bb: {  	s10 =	simm.s32 $0x0;
	s25 =	simm.s32 $0x1AA20;
	v6 =	vld [tilespmem:s11+$0x30];
	s11 =	simm.s32 $0x133A0;
	[tilespmem:s6+$0x10] =	vst v63  }
.LBB2_14:
0x2bc: {  	v12 =	vld [tilespmem:s25+$0x0];
	s10 =	sadd.s32 $0x8, s10;
	[tilespmem:s6+$0xFFFFFFC0] =	vst v11;
	v3 =	vmul.f32 v5, v3;
	s28 =	sadd.s32 $0x80, s28;
	s8 =	sadd.s32 $0x80, s8  }
0x2bd: {  	v11 =	vld [tilespmem:s25+$0xFFFFFFC0];
	p2 =	slt.u32 s10, $0x270;
	[tilespmem:s9+$0xFFFFFFE0] =	vst v10;
	v5 =	vmul.f32 $1.000000010e-01, v10;
	v2 =	vmul.f32 v2, v8  }
0x2be: {  	v8 =	vld [tilespmem:s11+$0x10];
	[tilespmem:s9+$0xFFFFFFD0] =	vst v3;
	v4 =	vmul.f32 v7, v4  }
0x2bf: {  	v10 =	vmul.f32 $1.000000010e-01, v3;
	v7 =	vld [tilespmem:s25+$0x10];
	[tilespmem:s9+$0x20] =	vst v2;
	v2 =	vmul.f32 $1.000000010e-01, v2  }
0x2c0: {  	v13 =	vld [tilespmem:s11+$0x0];
	[tilespmem:s9+$0xFFFFFFF0] =	vst v4;
	v3 =	vmul.f32 v6, v9  }
0x2c1: {  	v4 =	vmul.f32 $1.000000010e-01, v4;
	v9 =	vld [tilespmem:s25+$0xFFFFFFE0];
	[tilespmem:s6+$0x20] =	vst v2  }
0x2c2: {  	v6 =	vld [tilespmem:s11+$0xFFFFFFC0];
	[tilespmem:s9+$0x30] =	vst v3;
	v14 =	vmul.f32 $1.000000010e-01, v3;
	s9 =	smov.u32 s8  }
0x2c3: {  	v2 =	vld [tilespmem:s11+$0x20];
	[tilespmem:s6+$0xFFFFFFF0] =	vst v4  }
0x2c4: {  	v3 =	vld [tilespmem:s25+$0xFFFFFFD0];
	v4 =	vmul.f32 v8, v7;
	[tilespmem:s6+$0x30] =	vst v14  }
0x2c5: {  	v14 =	vld [tilespmem:s11+$0xFFFFFFE0];
	v7 =	vmul.f32 v13, v12;
	[tilespmem:s6+$0xFFFFFFE0] =	vst v5  }
0x2c6: {  	v5 =	vld [tilespmem:s11+$0xFFFFFFD0];
	[tilespmem:s8+$0x10] =	vst v4;
	v12 =	vmul.f32 $1.000000010e-01, v4  }
.Ltmp8:
0x2c7: {  	v4 =	vld [tilespmem:s25+$0xFFFFFFF0];
	v13 =	vmul.f32 $1.000000010e-01, v7;
	[tilespmem:s6+$0xFFFFFFD0] =	vst v10;
	s6 =	smov.u32 s28;
	(pc) =	sbr.rel @p2 .LBB2_14-.Ltmp8, $4  }
0x2c8: {  	v6 =	vmul.f32 v6, v11;
	[tilespmem:s8+$0x0] =	vst v7;
	v8 =	vld [tilespmem:s25+$0x20]  }
0x2c9: {  	v7 =	vld [tilespmem:s11+$0xFFFFFFF0];
	[tilespmem:s28+$0x0] =	vst v13  }
0x2ca: {  	v11 =	vmul.f32 $1.000000010e-01, v6;
	[tilespmem:s8+$0xFFFFFFC0] =	vst v6;
	v6 =	vld [tilespmem:s11+$0x30]  }
0x2cb: {  	v10 =	vmul.f32 v14, v9;
	s11 =	sadd.s32 $0x80, s11;
	[tilespmem:s28+$0x10] =	vst v12;
	v9 =	vld [tilespmem:s25+$0x30];
	s25 =	sadd.s32 $0x80, s25  }
0x2cc: {  	[tilespmem:s6+$0xFFFFFFC0] =	vst v11;
	v3 =	vmul.f32 v5, v3  }
0x2cd: {  	[tilespmem:s9+$0xFFFFFFE0] =	vst v10;
	v2 =	vmul.f32 v2, v8  }
0x2ce: {  	v63 =	vmul.f32 $1.000000010e-01, v10;
	[tilespmem:s9+$0xFFFFFFD0] =	vst v3  }
0x2cf: {  	v4 =	vmul.f32 v7, v4;
	[tilespmem:s9+$0x20] =	vst v2  }
0x2d0: {  	v3 =	vmul.f32 $1.000000010e-01, v3;
	[tilespmem:s6+$0xFFFFFFE0] =	vst v63  }
0x2d1: {  	v2 =	vmul.f32 $1.000000010e-01, v2;
	[tilespmem:s9+$0xFFFFFFF0] =	vst v4  }
0x2d2: {  	v62 =	vmul.f32 v6, v9;
	[tilespmem:s6+$0xFFFFFFD0] =	vst v3  }
0x2d3: {  	v4 =	vmul.f32 $1.000000010e-01, v4;
	[tilespmem:s6+$0x20] =	vst v2  }
0x2d4: {  	[tilespmem:s9+$0x30] =	vst v62;
	v2 =	vmul.f32 $1.000000010e-01, v62  }
0x2d5: {  	[tilespmem:s6+$0xFFFFFFF0] =	vst v4  }
0x2d6: {  	[tilespmem:s6+$0x30] =	vst v2  }
0x2d7: {  	s8 =	simm.s32 $0x1D0E0;
	s6 =	rddreg [dreg:$0x10]  }
0x2d8: {  	[spmem:s6] =	stream.linear.scatter [tilespmem:s8], [sflag:$0x3], $0x2780, $0x38;
	[tilespmem:$0x1F860] =	vst v63  }
0x2d9: {  	_ =	swait.ge [sflag:s31], $0x2780  }
0x2da: {  	[sflag:s31] =	ssyncset.done $0x0  }
0x2db: {  	[sflag:s31] =	ssyncadd.s32 $0xFFFFD880  }
0x2dc: {  	s6 =	simm.s32 $0x0;
	[bflag:$0x0] =	sbarrier.arrive $0xFFFF  }
.LBB2_16:
0x2dd: {  	s8 =	simm.s32 $0x7680  }
0x2de: {  	[tilespmem:s20], [sflag:$0x1] =	stream.indirect.gather [spmem:s4], $0x10, s8, s7, $0xb8;
	[tilespmem:$0x1F860] =	vst v63  }
0x2df: {  	_ =	swait.ge [sflag:s29], $0x7D0  }
0x2e0: {  	[sflag:s29] =	ssyncset.done $0x0  }
0x2e1: {  	s14 =	simm.s32 $0x7700;
	[sflag:s29] =	ssyncadd.s32 $0xFFFFF830  }
0x2e2: {  	[tilespmem:s5], [sflag:$0x2] =	stream.indirect.gather [spmem:s4], $0x10, s14, s7, $0xb8;
	[tilespmem:$0x1F860] =	vst v63  }
0x2e3: {  	s25 =	simm.s32 $0xC680  }
0x2e4: {  	[spmem:s26] =	stream.indirect.scatter.add.f32 [tilespmem:s20], [sflag:$0x4], $0x10, s25, s7, $0xb8;
	[tilespmem:$0x1F860] =	vst v63  }
0x2e5: {  	_ =	swait.ge [sflag:s1], $0x7D0  }
0x2e6: {  	[sflag:s1] =	ssyncset.done $0x0  }
0x2e7: {  	[sflag:s1] =	ssyncadd.s32 $0xFFFFF830  }
0x2e8: {  	_ =	swait.ge [sflag:s30], $0x7D0  }
0x2e9: {  	s9 =	simm.s32 $0x7780;
	[sflag:s30] =	ssyncset.done $0x0  }
0x2ea: {  	s11 =	simm.s32 @p1 $0xC700;
	s10 =	simm.s32 @p1 $0x11E50;
	[sflag:s30] =	ssyncadd.s32 $0xFFFFF830  }
0x2eb: {  	[tilespmem:s20], [sflag:$0x1] =	stream.indirect.gather [spmem:s4], $0x10, s9, s7, $0xb8;
	[tilespmem:$0x1F860] =	vst v63  }
0x2ec: {  	s12 =	simm.s32 @!p1 $0xC700;
	s8 =	simm.s32 @!p1 $0x4;
	s9 =	simm.s32 @p1 $0x7D  }
0x2ed: {  	[spmem:s3] =	stream.indirect.scatter.add.f32 @p1 [tilespmem:s10], [sflag:$0x3], $0x10, s11, s9, $0xb8;
	[tilespmem:$0x1F860] =	vst v63  }
0x2ee: {  	s8 =	simm.s32 @p1 $0x3;
	s25 =	simm.s32 @!p1 $0x11E50;
	s11 =	simm.s32 @!p1 $0x7D  }
0x2ef: {  	[spmem:s2] =	stream.indirect.scatter.add.f32 @!p1 [tilespmem:s25], [sflag:$0x4], $0x10, s12, s11, $0xb8;
	[tilespmem:$0x1F860] =	vst v63  }
0x2f0: {  	_ =	swait.ge [sflag:s8], $0x7D0  }
0x2f1: {  	s28 =	simm.s32 $0x400;
	[sflag:s8] =	ssyncset.done $0x0  }
.LBB2_17:
0x2f2: {  	[sflag:s8] =	ssyncadd.s32 $0xFFFFF830;
	s12 =	smov.u32 s28;
	s28 =	sadd.s32 $0x400, s28  }
0x2f3: {  	p2 =	sne.s32 s28, $0x13C00  }
0x2f4: {  	_ =	swait.ge [sflag:s29], $0x7D0  }
0x2f5: {  	s13 =	sshra.s32 s12, $0x2;
	[sflag:s29] =	ssyncset.done $0x0  }
0x2f6: {  	s14 =	sadd.s32 $0x7700, s13;
	[sflag:s29] =	ssyncadd.s32 $0xFFFFF830  }
0x2f7: {  	[tilespmem:s5], [sflag:$0x2] =	stream.indirect.gather [spmem:s4], $0x10, s14, s7, $0xb8;
	[tilespmem:$0x1F860] =	vst v63  }
0x2f8: {  	s14 =	sadd.s32 $0xC680, s13  }
0x2f9: {  	[spmem:s26] =	stream.indirect.scatter.add.f32 [tilespmem:s20], [sflag:$0x4], $0x10, s14, s7, $0xb8;
	[tilespmem:$0x1F860] =	vst v63  }
0x2fa: {  	_ =	swait.ge [sflag:s1], $0x7D0  }
0x2fb: {  	[sflag:s1] =	ssyncset.done $0x0  }
0x2fc: {  	[sflag:s1] =	ssyncadd.s32 $0xFFFFF830  }
0x2fd: {  	s14 =	sshra.s32 @p1 s12, $0x2;
	_ =	swait.ge [sflag:s30], $0x7D0  }
0x2fe: {  	s12 =	sshra.s32 @!p1 s12, $0x2;
	[sflag:s30] =	ssyncset.done $0x0  }
0x2ff: {  	s13 =	sadd.s32 $0x7780, s13;
	[sflag:s30] =	ssyncadd.s32 $0xFFFFF830  }
0x300: {  	[tilespmem:s20], [sflag:$0x1] =	stream.indirect.gather [spmem:s4], $0x10, s13, s7, $0xb8;
	[tilespmem:$0x1F860] =	vst v63  }
0x301: {  	s13 =	sadd.s32 @p1 $0xC700, s14  }
0x302: {  	[spmem:s3] =	stream.indirect.scatter.add.f32 @p1 [tilespmem:s10], [sflag:$0x3], $0x10, s13, s9, $0xb8;
	[tilespmem:$0x1F860] =	vst v63  }
.Ltmp9:
0x303: {  	_ = 	snop;
	(pc) =	sbr.rel @p2 .LBB2_17-.Ltmp9, $4  }
0x304: {  	s12 =	sadd.s32 @!p1 $0xC700, s12  }
0x305: {  	[spmem:s2] =	stream.indirect.scatter.add.f32 @!p1 [tilespmem:s25], [sflag:$0x4], $0x10, s12, s11, $0xb8;
	[tilespmem:$0x1F860] =	vst v63  }
0x306: {  	_ =	swait.ge [sflag:s8], $0x7D0  }
0x307: {  	[sflag:s8] =	ssyncset.done $0x0  }
0x308: {  	[sflag:s8] =	ssyncadd.s32 $0xFFFFF830  }
0x309: {  	_ =	swait.ge [sflag:s29], $0x7D0  }
0x30a: {  	[sflag:s29] =	ssyncset.done $0x0  }
0x30b: {  	s14 =	simm.s32 $0xC600;
	[sflag:s29] =	ssyncadd.s32 $0xFFFFF830  }
0x30c: {  	[tilespmem:s5], [sflag:$0x2] =	stream.indirect.gather [spmem:s4], $0x10, s14, s7, $0xb8;
	[tilespmem:$0x1F860] =	vst v63  }
0x30d: {  	s12 =	simm.s32 @p1 $0x11580;
	s13 =	simm.s32 @p1 $0x11680  }
0x30e: {  	[spmem:s3] =	stream.indirect.scatter.add.f32 @p1 [tilespmem:s13], [sflag:$0x4], $0x10, s12, s9, $0xb8;
	[tilespmem:$0x1F860] =	vst v63  }
0x30f: {  	s12 =	simm.s32 @!p1 $0x11580;
	s13 =	simm.s32 @!p1 $0x11680  }
0x310: {  	[spmem:s2] =	stream.indirect.scatter.add.f32 @!p1 [tilespmem:s13], [sflag:$0x4], $0x10, s12, s11, $0xb8;
	[tilespmem:$0x1F860] =	vst v63  }
0x311: {  	_ =	swait.ge [sflag:s1], $0x7D0  }
0x312: {  	[sflag:s1] =	ssyncset.done $0x0  }
0x313: {  	[sflag:s1] =	ssyncadd.s32 $0xFFFFF830  }
0x314: {  	_ =	swait.ge [sflag:s30], $0x7D0  }
0x315: {  	[sflag:s30] =	ssyncset.done $0x0  }
0x316: {  	[sflag:s30] =	ssyncadd.s32 $0xFFFFF830  }
0x317: {  	[tilespmem:s20], [sflag:$0x1] =	stream.indirect.gather [spmem:s4], $0x10, s14, s7, $0xb8;
	[tilespmem:$0x1F860] =	vst v63  }
0x318: {  	s12 =	simm.s32 @p1 $0x11600  }
0x319: {  	[spmem:s3] =	stream.indirect.scatter.add.f32 @p1 [tilespmem:s10], [sflag:$0x3], $0x10, s12, s9, $0xb8;
	[tilespmem:$0x1F860] =	vst v63  }
0x31a: {  	s9 =	simm.s32 @!p1 $0x11600  }
0x31b: {  	[spmem:s2] =	stream.indirect.scatter.add.f32 @!p1 [tilespmem:s25], [sflag:$0x4], $0x10, s9, s11, $0xb8;
	[tilespmem:$0x1F860] =	vst v63  }
0x31c: {  	_ =	swait.ge [sflag:s8], $0x7D0  }
0x31d: {  	[sflag:s8] =	ssyncset.done $0x0  }
0x31e: {  	[sflag:s8] =	ssyncadd.s32 $0xFFFFF830  }
0x31f: {  	_ =	swait.ge [sflag:s29], $0x7D0  }
0x320: {  	[sflag:s29] =	ssyncset.done $0x0  }
0x321: {  	[sflag:s29] =	ssyncadd.s32 $0xFFFFF830  }
0x322: {  	s13 =	simm.s32 $0x132E0;
	[bflag:$0x0] =	sbarrier.arrive $0xFFFF  }
0x323: {  	[tilespmem:s13], [sflag:$0x3] =	stream.linear.gather [spmem:s23], $0x2780, $0x38;
	[tilespmem:$0x1F860] =	vst v63  }
0x324: {  	_ =	swait.ge [sflag:s31], $0x2780  }
0x325: {  	[sflag:s31] =	ssyncset.done $0x0  }
0x326: {  	[sflag:s31] =	ssyncadd.s32 $0xFFFFD880  }
0x327: {  	[spmem:s23] =	stream.linear.scatter [tilespmem:s0], [sflag:$0x3], $0x4F0, $0x38;
	[tilespmem:$0x1F860] =	vst v63  }
0x328: {  	_ =	swait.ge [sflag:s31], $0x4F0  }
0x329: {  	[sflag:s31] =	ssyncset.done $0x0  }
0x32a: {  	s11 =	rddreg [dreg:$0x8];
	[sflag:s31] =	ssyncadd.s32 $0xFFFFFB10  }
0x32b: {  	[spmem:s11] =	stream.linear.scatter [tilespmem:s0], [sflag:$0x3], $0x4F0, $0x38;
	[tilespmem:$0x1F860] =	vst v63  }
0x32c: {  	_ =	swait.ge [sflag:s31], $0x4F0  }
0x32d: {  	[sflag:s31] =	ssyncset.done $0x0  }
0x32e: {  	s12 =	rddreg [dreg:$0xa];
	[sflag:s31] =	ssyncadd.s32 $0xFFFFFB10  }
0x32f: {  	[spmem:s12] =	stream.linear.scatter [tilespmem:s0], [sflag:$0x3], $0x4F0, $0x38;
	[tilespmem:$0x1F860] =	vst v63  }
0x330: {  	_ =	swait.ge [sflag:s31], $0x4F0  }
0x331: {  	[sflag:s31] =	ssyncset.done $0x0  }
0x332: {  	s14 =	rddreg [dreg:$0xc];
	[sflag:s31] =	ssyncadd.s32 $0xFFFFFB10  }
0x333: {  	[spmem:s14] =	stream.linear.scatter [tilespmem:s0], [sflag:$0x3], $0x4F0, $0x38;
	[tilespmem:$0x1F860] =	vst v63  }
0x334: {  	_ =	swait.ge [sflag:s31], $0x4F0  }
0x335: {  	[sflag:s31] =	ssyncset.done $0x0  }
0x336: {  	s25 =	rddreg [dreg:$0xe];
	[sflag:s31] =	ssyncadd.s32 $0xFFFFFB10  }
0x337: {  	[spmem:s25] =	stream.linear.scatter [tilespmem:s0], [sflag:$0x3], $0x4F0, $0x38;
	[tilespmem:$0x1F860] =	vst v63  }
0x338: {  	_ =	swait.ge [sflag:s31], $0x4F0  }
0x339: {  	[sflag:s31] =	ssyncset.done $0x0  }
0x33a: {  	[sflag:s31] =	ssyncadd.s32 $0xFFFFFB10  }
0x33b: {  	[spmem:s16] =	stream.linear.scatter [tilespmem:s0], [sflag:$0x3], $0x4F0, $0x38;
	[tilespmem:$0x1F860] =	vst v63  }
0x33c: {  	_ =	swait.ge [sflag:s31], $0x4F0  }
0x33d: {  	[sflag:s31] =	ssyncset.done $0x0  }
0x33e: {  	[sflag:s31] =	ssyncadd.s32 $0xFFFFFB10  }
0x33f: {  	[spmem:s18] =	stream.linear.scatter [tilespmem:s0], [sflag:$0x3], $0x4F0, $0x38;
	[tilespmem:$0x1F860] =	vst v63  }
0x340: {  	_ =	swait.ge [sflag:s31], $0x4F0  }
0x341: {  	[sflag:s31] =	ssyncset.done $0x0  }
0x342: {  	[sflag:s31] =	ssyncadd.s32 $0xFFFFFB10  }
0x343: {  	[spmem:s21] =	stream.linear.scatter [tilespmem:s0], [sflag:$0x3], $0x4F0, $0x38;
	[tilespmem:$0x1F860] =	vst v63  }
0x344: {  	_ =	swait.ge [sflag:s31], $0x4F0  }
0x345: {  	[sflag:s31] =	ssyncset.done $0x0  }
0x346: {  	s28 =	simm.s32 $0x13320;
	[sflag:s31] =	ssyncadd.s32 $0xFFFFFB10  }
0x347: {  	s8 =	simm.s32 $0x1D120;
	v3 =	vld [tilespmem:s28+$0x30]  }
0x348: {  	v4 =	vld [tilespmem:s8+$0x30]  }
0x349: {  	v2 =	vld [tilespmem:s8+$0xFFFFFFC0]  }
0x34a: {  	v5 =	vld [tilespmem:s28+$0xFFFFFFD0]  }
0x34b: {  	v6 =	vld [tilespmem:s8+$0xFFFFFFD0]  }
0x34c: {  	v7 =	vld [tilespmem:s28+$0xFFFFFFE0]  }
0x34d: {  	v8 =	vld [tilespmem:s8+$0xFFFFFFE0]  }
0x34e: {  	v9 =	vld [tilespmem:s28+$0xFFFFFFF0]  }
0x34f: {  	v10 =	vld [tilespmem:s8+$0xFFFFFFF0]  }
0x350: {  	v11 =	vld [tilespmem:s28+$0x0]  }
0x351: {  	v12 =	vld [tilespmem:s8+$0x0];
	v4 =	vadd.f32 v4, v3  }
0x352: {  	v6 =	vadd.f32 v6, v5;
	v3 =	vld [tilespmem:s28+$0x10]  }
0x353: {  	v7 =	vadd.f32 v8, v7;
	v5 =	vld [tilespmem:s8+$0x10];
	[tilespmem:s8+$0x30] =	vst v4  }
0x354: {  	v8 =	vadd.f32 v10, v9;
	[tilespmem:s8+$0xFFFFFFD0] =	vst v6;
	v4 =	vld [tilespmem:s28+$0x20]  }
0x355: {  	[tilespmem:s8+$0xFFFFFFE0] =	vst v7;
	v7 =	vld [tilespmem:s8+$0x20]  }
0x356: {  	s10 =	simm.s32 $0x0;
	s9 =	simm.s32 $0x1D120;
	s11 =	simm.s32 $0x133A0;
	v6 =	vld [tilespmem:s28+$0xFFFFFFC0];
	[tilespmem:s8+$0xFFFFFFF0] =	vst v8;
	v8 =	vadd.f32 v12, v11  }
.LBB2_19:
0x357: {  	v9 =	vld [tilespmem:s11+$0x30];
	s8 =	sadd.s32 $0x80, s8  }
0x358: {  	s10 =	sadd.s32 $0x8, s10;
	v10 =	vld [tilespmem:s8+$0x30];
	[tilespmem:s9+$0x0] =	vst v8;
	v3 =	vadd.f32 v5, v3  }
0x359: {  	p2 =	slt.u32 s10, $0x270;
	v5 =	vld [tilespmem:s8+$0xFFFFFFC0]  }
0x35a: {  	v8 =	vld [tilespmem:s11+$0xFFFFFFD0];
	[tilespmem:s9+$0x10] =	vst v3;
	v3 =	vadd.f32 v7, v4  }
0x35b: {  	v4 =	vld [tilespmem:s8+$0xFFFFFFD0];
	v11 =	vadd.f32 v2, v6  }
0x35c: {  	v6 =	vld [tilespmem:s11+$0xFFFFFFE0];
	[tilespmem:s9+$0x20] =	vst v3  }
0x35d: {  	v3 =	vld [tilespmem:s8+$0xFFFFFFE0];
	v7 =	vadd.f32 v10, v9;
	[tilespmem:s9+$0xFFFFFFC0] =	vst v11;
	s9 =	smov.u32 s8  }
0x35e: {  	v9 =	vld [tilespmem:s11+$0xFFFFFFF0];
	v2 =	vmov v5  }
0x35f: {  	v10 =	vld [tilespmem:s8+$0xFFFFFFF0];
	[tilespmem:s8+$0x30] =	vst v7  }
0x360: {  	v4 =	vadd.f32 v4, v8;
	v8 =	vld [tilespmem:s11+$0x0]  }
0x361: {  	v11 =	vld [tilespmem:s8+$0x0]  }
.Ltmp10:
0x362: {  	[tilespmem:s8+$0xFFFFFFD0] =	vst v4;
	v4 =	vadd.f32 v3, v6;
	v3 =	vld [tilespmem:s11+$0x10];
	(pc) =	sbr.rel @p2 .LBB2_19-.Ltmp10, $4  }
0x363: {  	v5 =	vld [tilespmem:s8+$0x10]  }
0x364: {  	[tilespmem:s8+$0xFFFFFFE0] =	vst v4;
	v9 =	vadd.f32 v10, v9;
	v4 =	vld [tilespmem:s11+$0x20]  }
0x365: {  	v7 =	vld [tilespmem:s8+$0x20]  }
0x366: {  	v6 =	vld [tilespmem:s11+$0xFFFFFFC0];
	[tilespmem:s8+$0xFFFFFFF0] =	vst v9;
	v8 =	vadd.f32 v11, v8;
	s11 =	sadd.s32 $0x80, s11  }
0x367: {  	_ =	sdelay $0x1  }
0x368: {  	v3 =	vadd.f32 v5, v3  }
0x369: {  	[tilespmem:s9+$0x0] =	vst v8;
	v4 =	vadd.f32 v7, v4  }
0x36a: {  	[tilespmem:s9+$0x10] =	vst v3;
	v2 =	vadd.f32 v2, v6  }
0x36b: {  	[tilespmem:s9+$0x20] =	vst v4  }
0x36c: {  	[tilespmem:s9+$0xFFFFFFC0] =	vst v2  }
0x36d: {  	[tilespmem:s13], [sflag:$0x3] =	stream.linear.gather [spmem:s24], $0x2780, $0x38;
	[tilespmem:$0x1F860] =	vst v63  }
0x36e: {  	_ =	swait.ge [sflag:s31], $0x2780  }
0x36f: {  	[sflag:s31] =	ssyncset.done $0x0  }
0x370: {  	[sflag:s31] =	ssyncadd.s32 $0xFFFFD880  }
0x371: {  	[spmem:s24] =	stream.linear.scatter [tilespmem:s0], [sflag:$0x3], $0x4F0, $0x38;
	[tilespmem:$0x1F860] =	vst v63  }
0x372: {  	_ =	swait.ge [sflag:s31], $0x4F0  }
0x373: {  	[sflag:s31] =	ssyncset.done $0x0  }
0x374: {  	s8 =	rddreg [dreg:$0x9];
	[sflag:s31] =	ssyncadd.s32 $0xFFFFFB10  }
0x375: {  	[spmem:s8] =	stream.linear.scatter [tilespmem:s0], [sflag:$0x3], $0x4F0, $0x38;
	[tilespmem:$0x1F860] =	vst v63  }
0x376: {  	_ =	swait.ge [sflag:s31], $0x4F0  }
0x377: {  	[sflag:s31] =	ssyncset.done $0x0  }
0x378: {  	s14 =	rddreg [dreg:$0xb];
	[sflag:s31] =	ssyncadd.s32 $0xFFFFFB10  }
0x379: {  	[spmem:s14] =	stream.linear.scatter [tilespmem:s0], [sflag:$0x3], $0x4F0, $0x38;
	[tilespmem:$0x1F860] =	vst v63  }
0x37a: {  	_ =	swait.ge [sflag:s31], $0x4F0  }
0x37b: {  	[sflag:s31] =	ssyncset.done $0x0  }
0x37c: {  	s25 =	rddreg [dreg:$0xd];
	[sflag:s31] =	ssyncadd.s32 $0xFFFFFB10  }
0x37d: {  	[spmem:s25] =	stream.linear.scatter [tilespmem:s0], [sflag:$0x3], $0x4F0, $0x38;
	[tilespmem:$0x1F860] =	vst v63  }
0x37e: {  	_ =	swait.ge [sflag:s31], $0x4F0  }
0x37f: {  	[sflag:s31] =	ssyncset.done $0x0  }
0x380: {  	[sflag:s31] =	ssyncadd.s32 $0xFFFFFB10  }
0x381: {  	[spmem:s15] =	stream.linear.scatter [tilespmem:s0], [sflag:$0x3], $0x4F0, $0x38;
	[tilespmem:$0x1F860] =	vst v63  }
0x382: {  	_ =	swait.ge [sflag:s31], $0x4F0  }
0x383: {  	[sflag:s31] =	ssyncset.done $0x0  }
0x384: {  	[sflag:s31] =	ssyncadd.s32 $0xFFFFFB10  }
0x385: {  	[spmem:s17] =	stream.linear.scatter [tilespmem:s0], [sflag:$0x3], $0x4F0, $0x38;
	[tilespmem:$0x1F860] =	vst v63  }
0x386: {  	_ =	swait.ge [sflag:s31], $0x4F0  }
0x387: {  	[sflag:s31] =	ssyncset.done $0x0  }
0x388: {  	[sflag:s31] =	ssyncadd.s32 $0xFFFFFB10  }
0x389: {  	[spmem:s19] =	stream.linear.scatter [tilespmem:s0], [sflag:$0x3], $0x4F0, $0x38;
	[tilespmem:$0x1F860] =	vst v63  }
0x38a: {  	_ =	swait.ge [sflag:s31], $0x4F0  }
0x38b: {  	[sflag:s31] =	ssyncset.done $0x0  }
0x38c: {  	[sflag:s31] =	ssyncadd.s32 $0xFFFFFB10  }
0x38d: {  	[spmem:s22] =	stream.linear.scatter [tilespmem:s0], [sflag:$0x3], $0x4F0, $0x38;
	[tilespmem:$0x1F860] =	vst v63  }
0x38e: {  	_ =	swait.ge [sflag:s31], $0x4F0  }
0x38f: {  	[sflag:s31] =	ssyncset.done $0x0  }
0x390: {  	s11 =	simm.s32 $0x13320;
	[sflag:s31] =	ssyncadd.s32 $0xFFFFFB10  }
0x391: {  	s8 =	simm.s32 $0x1D120;
	v2 =	vld [tilespmem:s11+$0x30]  }
0x392: {  	v3 =	vld [tilespmem:s8+$0x30]  }
0x393: {  	s9 =	simm.s32 $0x15AA0;
	v4 =	vld [tilespmem:s11+$0xFFFFFFC0]  }
0x394: {  	v5 =	vld [tilespmem:s9+$0x30]  }
0x395: {  	s10 =	simm.s32 $0x18220;
	v6 =	vld [tilespmem:s8+$0xFFFFFFC0]  }
0x396: {  	v7 =	vld [tilespmem:s10+$0x30]  }
0x397: {  	v8 =	vld [tilespmem:s11+$0xFFFFFFD0]  }
0x398: {  	v9 =	vld [tilespmem:s8+$0xFFFFFFD0]  }
0x399: {  	v10 =	vld [tilespmem:s11+$0xFFFFFFE0]  }
0x39a: {  	v11 =	vld [tilespmem:s8+$0xFFFFFFE0]  }
0x39b: {  	v12 =	vld [tilespmem:s11+$0xFFFFFFF0]  }
0x39c: {  	v13 =	vld [tilespmem:s8+$0xFFFFFFF0]  }
0x39d: {  	v14 =	vld [tilespmem:s11+$0x0]  }
0x39e: {  	v15 =	vld [tilespmem:s8+$0x0]  }
0x39f: {  	v16 =	vld [tilespmem:s11+$0x10]  }
0x3a0: {  	v17 =	vld [tilespmem:s8+$0x10]  }
0x3a1: {  	v18 =	vld [tilespmem:s11+$0x20]  }
0x3a2: {  	v19 =	vld [tilespmem:s8+$0x20]  }
0x3a3: {  	v20 =	vld [tilespmem:s9+$0xFFFFFFD0]  }
0x3a4: {  	v21 =	vld [tilespmem:s9+$0xFFFFFFE0]  }
0x3a5: {  	v22 =	vld [tilespmem:s9+$0xFFFFFFF0]  }
0x3a6: {  	v23 =	vld [tilespmem:s9+$0x10]  }
0x3a7: {  	v25 =	vld [tilespmem:s9+$0xFFFFFFC0];
	v2 =	vadd.f32 v3, v2  }
0x3a8: {  	v24 =	vld [tilespmem:s9+$0x20]  }
0x3a9: {  	v27 =	vld [tilespmem:s10+$0xFFFFFFC0];
	v2 =	vmul.f32 v2, v5  }
0x3aa: {  	v3 =	vld [tilespmem:s9+$0x0];
	v4 =	vadd.f32 v6, v4  }
0x3ab: {  	v5 =	vadd.f32 v11, v10;
	v11 =	vld [tilespmem:s10+$0xFFFFFFD0];
	v26 =	vadd.f32 v2, v7  }
0x3ac: {  	v63 =	vmul.f32 v4, v25;
	v2 =	vadd.f32 v9, v8;
	v7 =	vadd.f32 v13, v12;
	v9 =	vld [tilespmem:s10+$0xFFFFFFE0]  }
0x3ad: {  	v12 =	vadd.f32 v15, v14;
	v13 =	vadd.f32 v17, v16;
	v6 =	vmul.f32 v5, v21;
	v8 =	vld [tilespmem:s10+$0xFFFFFFF0]  }
0x3ae: {  	v10 =	vld [tilespmem:s10+$0x0];
	v15 =	vadd.f32 v19, v18;
	v14 =	vmul.f32 v2, v20;
	v5 =	vmul.f32 v7, v22  }
0x3af: {  	v4 =	vmul.f32 v12, v3;
	v2 =	vmul.f32 v13, v23;
	v7 =	vld [tilespmem:s10+$0x10]  }
0x3b0: {  	s28 =	simm.s32 $0x0;
	s25 =	simm.s32 $0x1D120;
	s11 =	simm.s32 $0x133A0;
	[tilespmem:s8+$0x30] =	vst v26;
	v3 =	vmul.f32 v15, v24;
	v13 =	vadd.f32 v63, v27;
	v12 =	vadd.f32 v14, v11;
	v11 =	vld [tilespmem:s10+$0x20]  }
.LBB2_21:
0x3b1: {  	v14 =	vld [tilespmem:s11+$0x30];
	v6 =	vadd.f32 v6, v9;
	s8 =	sadd.s32 $0x80, s8  }
0x3b2: {  	s28 =	sadd.s32 $0x8, s28;
	v9 =	vld [tilespmem:s8+$0x30];
	[tilespmem:s25+$0xFFFFFFC0] =	vst v13;
	v5 =	vadd.f32 v5, v8  }
0x3b3: {  	s9 =	sadd.s32 $0x80, s9;
	p2 =	slt.u32 s28, $0x270;
	v8 =	vld [tilespmem:s11+$0xFFFFFFC0];
	[tilespmem:s25+$0xFFFFFFD0] =	vst v12;
	v4 =	vadd.f32 v4, v10  }
0x3b4: {  	v10 =	vld [tilespmem:s9+$0x30];
	[tilespmem:s25+$0xFFFFFFE0] =	vst v6;
	v2 =	vadd.f32 v2, v7  }
0x3b5: {  	s10 =	sadd.s32 $0x80, s10;
	v6 =	vld [tilespmem:s8+$0xFFFFFFC0];
	[tilespmem:s25+$0xFFFFFFF0] =	vst v5;
	v3 =	vadd.f32 v3, v11  }
0x3b6: {  	v5 =	vld [tilespmem:s10+$0x30];
	[tilespmem:s25+$0x0] =	vst v4  }
0x3b7: {  	v4 =	vld [tilespmem:s11+$0xFFFFFFD0];
	v7 =	vadd.f32 v9, v14;
	[tilespmem:s25+$0x10] =	vst v2  }
0x3b8: {  	v2 =	vld [tilespmem:s8+$0xFFFFFFD0];
	[tilespmem:s25+$0x20] =	vst v3;
	s25 =	smov.u32 s8  }
0x3b9: {  	v3 =	vld [tilespmem:s11+$0xFFFFFFE0];
	v7 =	vmul.f32 v7, v10  }
0x3ba: {  	v10 =	vadd.f32 v6, v8;
	v6 =	vld [tilespmem:s8+$0xFFFFFFE0]  }
0x3bb: {  	v8 =	vld [tilespmem:s11+$0xFFFFFFF0];
	v5 =	vadd.f32 v7, v5  }
0x3bc: {  	v7 =	vld [tilespmem:s8+$0xFFFFFFF0]  }
0x3bd: {  	v2 =	vadd.f32 v2, v4;
	v4 =	vld [tilespmem:s11+$0x0];
	[tilespmem:s8+$0x30] =	vst v5  }
0x3be: {  	v5 =	vld [tilespmem:s8+$0x0]  }
0x3bf: {  	v3 =	vadd.f32 v6, v3;
	v6 =	vld [tilespmem:s11+$0x10]  }
0x3c0: {  	v9 =	vld [tilespmem:s8+$0x10]  }
0x3c1: {  	v7 =	vadd.f32 v7, v8;
	v8 =	vld [tilespmem:s11+$0x20]  }
0x3c2: {  	v11 =	vld [tilespmem:s8+$0x20]  }
0x3c3: {  	v12 =	vld [tilespmem:s9+$0xFFFFFFD0];
	v4 =	vadd.f32 v5, v4  }
0x3c4: {  	v5 =	vld [tilespmem:s9+$0xFFFFFFE0]  }
0x3c5: {  	v13 =	vld [tilespmem:s9+$0xFFFFFFF0];
	v14 =	vadd.f32 v9, v6  }
0x3c6: {  	v9 =	vld [tilespmem:s9+$0x0]  }
0x3c7: {  	v15 =	vld [tilespmem:s9+$0x10];
	v11 =	vadd.f32 v11, v8  }
0x3c8: {  	v12 =	vmul.f32 v2, v12;
	v16 =	vld [tilespmem:s9+$0x20]  }
0x3c9: {  	v17 =	vld [tilespmem:s9+$0xFFFFFFC0];
	v6 =	vmul.f32 v3, v5  }
0x3ca: {  	v18 =	vld [tilespmem:s10+$0xFFFFFFC0];
	v5 =	vmul.f32 v7, v13  }
0x3cb: {  	v19 =	vld [tilespmem:s10+$0xFFFFFFD0];
	v4 =	vmul.f32 v4, v9  }
.Ltmp11:
0x3cc: {  	v9 =	vld [tilespmem:s10+$0xFFFFFFE0];
	v2 =	vmul.f32 v14, v15;
	(pc) =	sbr.rel @p2 .LBB2_21-.Ltmp11, $4  }
0x3cd: {  	v8 =	vld [tilespmem:s10+$0xFFFFFFF0];
	v3 =	vmul.f32 v11, v16  }
0x3ce: {  	v11 =	vmul.f32 v10, v17;
	v10 =	vld [tilespmem:s10+$0x0]  }
0x3cf: {  	v7 =	vld [tilespmem:s10+$0x10]  }
0x3d0: {  	s11 =	sadd.s32 $0x80, s11;
	v13 =	vadd.f32 v11, v18;
	v12 =	vadd.f32 v12, v19;
	v11 =	vld [tilespmem:s10+$0x20]  }
0x3d1: {  	_ = 	snop  }
0x3d2: {  	v6 =	vadd.f32 v6, v9;
	[tilespmem:s25+$0xFFFFFFC0] =	vst v13  }
0x3d3: {  	v5 =	vadd.f32 v5, v8;
	[tilespmem:s25+$0xFFFFFFD0] =	vst v12  }
0x3d4: {  	v4 =	vadd.f32 v4, v10;
	[tilespmem:s25+$0xFFFFFFE0] =	vst v6  }
0x3d5: {  	v2 =	vadd.f32 v2, v7;
	[tilespmem:s25+$0xFFFFFFF0] =	vst v5  }
0x3d6: {  	v3 =	vadd.f32 v3, v11;
	[tilespmem:s25+$0x0] =	vst v4  }
0x3d7: {  	[tilespmem:s25+$0x10] =	vst v2  }
0x3d8: {  	s6 =	sadd.s32 $0x1, s6;
	[tilespmem:s25+$0x20] =	vst v3  }
0x3d9: {  	s9 =	simm.s32 $0x1D0E0;
	p2 =	sne.s32 s6, $0xA;
	s8 =	rddreg [dreg:$0x10]  }
0x3da: {  	[spmem:s8] =	stream.linear.scatter [tilespmem:s9], [sflag:$0x3], $0x2780, $0x38;
	[tilespmem:$0x1F860] =	vst v63  }
.Ltmp12:
0x3db: {  	_ =	swait.ge [sflag:s31], $0x2780;
	(pc) =	sbr.rel @p2 .LBB2_16-.Ltmp12, $3  }
0x3dc: {  	[sflag:s31] =	ssyncset.done $0x0  }
0x3dd: {  	[sflag:s31] =	ssyncadd.s32 $0xFFFFD880  }
0x3de: {  	[bflag:$0x0] =	sbarrier.arrive $0xFFFF;
	_ =	sdelay $0x1  }
.Ltmp13:
0x3df: {  	(pc) =	sbr.rel @p0 .LBB2_27-.Ltmp13, $2  }
0x3e0: {  	_ =	sdelay $0x2  }
0x3e1: {  	s8 =	rddreg [dreg:$0x13]  }
0x3e2: {  	s6 =	simm.s32 $0x1A9A0  }
0x3e3: {  	v2 =	vld [tilespmem:s6+$0x30]  }
0x3e4: {  	v3 =	vld [tilespmem:s6+$0xFFFFFFC0]  }
0x3e5: {  	v4 =	vld [tilespmem:s6+$0xFFFFFFD0]  }
0x3e6: {  	v5 =	vld [tilespmem:s6+$0xFFFFFFE0]  }
0x3e7: {  	v6 =	vld [tilespmem:s6+$0xFFFFFFF0]  }
0x3e8: {  	v7 =	vld [tilespmem:s6+$0x0]  }
0x3e9: {  	v8 =	vld [tilespmem:s6+$0x10]  }
0x3ea: {  	s8 =	simm.s32 $0x1D120;
	v9 =	vld [tilespmem:s6+$0x20]  }
0x3eb: {  	v10 =	vld [tilespmem:s8+$0x30];
	(erf) = vrcp.f32 v2  }
0x3ec: {  	s28 =	simm.s32 $0x1AA20;
	v11 =	vld [tilespmem:s8+$0xFFFFFFD0]  }
0x3ed: {  	v12 =	vld [tilespmem:s28+$0xFFFFFFF0];
	(erf) = vrcp.f32 v3  }
0x3ee: {  	v14 =	vld [tilespmem:s28+$0x0];
	(erf) = vrcp.f32 v4  }
0x3ef: {  	v16 =	vld [tilespmem:s28+$0x10];
	(erf) = vrcp.f32 v5  }
0x3f0: {  	(erf) = vrcp.f32 v6;
	v6 =	vld [tilespmem:s28+$0x30]  }
0x3f1: {  	v2 =	vld [tilespmem:s8+$0xFFFFFFE0];
	(erf) = vrcp.f32 v7  }
0x3f2: {  	v7 =	vld [tilespmem:s28+$0xFFFFFFC0]  }
0x3f3: {  	(erf) = vrcp.f32 v8;
	v8 =	vld [tilespmem:s28+$0xFFFFFFD0]  }
0x3f4: {  	(erf) = vrcp.f32 v9;
	v9 =	vld [tilespmem:s28+$0xFFFFFFE0];
	v13 =	vpop (erf)  }
0x3f5: {  	v3 =	vld [tilespmem:s8+$0xFFFFFFF0];
	(erf) = vrcp.f32 v6;
	v6 =	vmul.f32 v13, v10  }
0x3f6: {  	v4 =	vld [tilespmem:s8+$0x0];
	v15 =	vpop (erf)  }
0x3f7: {  	v5 =	vld [tilespmem:s8+$0x10];
	(erf) = vrcp.f32 v7;
	v7 =	vpop (erf)  }
0x3f8: {  	s6 =	simm.s32 $0x13320;
	v10 =	vld [tilespmem:s28+$0x20];
	(erf) = vrcp.f32 v8;
	v7 =	vmul.f32 v7, v11;
	v11 =	vpop (erf)  }
0x3f9: {  	v62 =	vld [tilespmem:s8+$0x20];
	[tilespmem:s6+$0x30] =	vst v6;
	(erf) = vrcp.f32 v9;
	v2 =	vmul.f32 v11, v2;
	v6 =	vpop (erf)  }
0x3fa: {  	v8 =	vld [tilespmem:s8+$0xFFFFFFC0];
	s8 =	simm.s32 $0x1D1A0;
	(erf) = vrcp.f32 v12;
	v3 =	vmul.f32 v6, v3;
	v6 =	vpop (erf)  }
0x3fb: {  	v11 =	vld [tilespmem:s8+$0x30];
	(erf) = vrcp.f32 v14;
	[tilespmem:s6+$0xFFFFFFE0] =	vst v2;
	v2 =	vmul.f32 v6, v4  }
0x3fc: {  	[tilespmem:s6+$0xFFFFFFD0] =	vst v7;
	v7 =	vld [tilespmem:s8+$0xFFFFFFD0];
	(erf) = vrcp.f32 v16;
	v4 =	vpop (erf)  }
0x3fd: {  	v6 =	vld [tilespmem:s8+$0xFFFFFFE0];
	(erf) = vrcp.f32 v10;
	[tilespmem:s6+$0xFFFFFFF0] =	vst v3;
	v3 =	vmul.f32 v4, v5;
	v4 =	vpop (erf)  }
0x3fe: {  	v5 =	vld [tilespmem:s8+$0xFFFFFFF0];
	[tilespmem:s6+$0x0] =	vst v2;
	v63 =	vmul.f32 v4, v62  }
0x3ff: {  	v9 =	vmul.f32 v15, v8;
	v4 =	vld [tilespmem:s8+$0x0];
	[tilespmem:s6+$0x10] =	vst v3;
	v2 =	vpop (erf)  }
0x400: {  	s9 =	simm.s32 $0x8;
	s10 =	simm.s32 $0x1AAA0;
	v3 =	vld [tilespmem:s8+$0x10];
	[tilespmem:s6+$0x20] =	vst v63;
	v8 =	vmul.f32 v2, v11;
	v2 =	vpop (erf)  }
.LBB2_25:
0x401: {  	v10 =	vld [tilespmem:s10+$0x30];
	s9 =	sadd.s32 $0x8, s9;
	v11 =	vpop (erf);
	[tilespmem:s6+$0xFFFFFFC0] =	vst v9;
	s6 =	sadd.s32 $0x80, s6  }
0x402: {  	v9 =	vld [tilespmem:s10+$0xFFFFFFC0];
	p2 =	slt.u32 s9, $0x270;
	v13 =	vmul.f32 v11, v7;
	[tilespmem:s6+$0x30] =	vst v8;
	v8 =	vpop (erf)  }
0x403: {  	v11 =	vld [tilespmem:s10+$0xFFFFFFD0];
	v14 =	vmul.f32 v8, v6;
	v8 =	vpop (erf)  }
0x404: {  	v12 =	vld [tilespmem:s10+$0xFFFFFFE0];
	[tilespmem:s6+$0xFFFFFFD0] =	vst v13;
	v5 =	vmul.f32 v8, v5;
	v7 =	vpop (erf)  }
0x405: {  	v8 =	vld [tilespmem:s10+$0xFFFFFFF0];
	[tilespmem:s6+$0xFFFFFFE0] =	vst v14;
	v4 =	vmul.f32 v7, v4;
	v6 =	vpop (erf)  }
0x406: {  	v7 =	vld [tilespmem:s10+$0x0];
	(erf) = vrcp.f32 v10;
	[tilespmem:s6+$0xFFFFFFF0] =	vst v5;
	v3 =	vmul.f32 v6, v3;
	v10 =	vpop (erf)  }
0x407: {  	v5 =	vld [tilespmem:s10+$0x10];
	(erf) = vrcp.f32 v9;
	[tilespmem:s6+$0x0] =	vst v4  }
0x408: {  	v4 =	vld [tilespmem:s10+$0x20];
	(erf) = vrcp.f32 v11;
	[tilespmem:s6+$0x10] =	vst v3  }
0x409: {  	(erf) = vrcp.f32 v12;
	v3 =	vld [tilespmem:s8+$0x20]  }
0x40a: {  	(erf) = vrcp.f32 v8;
	v8 =	vld [tilespmem:s8+$0xFFFFFFC0];
	s8 =	sadd.s32 $0x80, s8  }
0x40b: {  	v11 =	vld [tilespmem:s8+$0x30];
	(erf) = vrcp.f32 v7  }
.Ltmp14:
0x40c: {  	v7 =	vld [tilespmem:s8+$0xFFFFFFD0];
	(erf) = vrcp.f32 v5;
	(pc) =	sbr.rel @p2 .LBB2_25-.Ltmp14, $4  }
0x40d: {  	v6 =	vld [tilespmem:s8+$0xFFFFFFE0];
	(erf) = vrcp.f32 v4  }
0x40e: {  	v5 =	vld [tilespmem:s8+$0xFFFFFFF0];
	v10 =	vmul.f32 v10, v3  }
0x40f: {  	v4 =	vld [tilespmem:s8+$0x0];
	v12 =	vpop (erf);
	v9 =	vmul.f32 v2, v8  }
0x410: {  	s10 =	sadd.s32 $0x80, s10;
	v3 =	vld [tilespmem:s8+$0x10];
	v8 =	vmul.f32 v12, v11;
	v2 =	vpop (erf);
	[tilespmem:s6+$0x20] =	vst v10  }
0x411: {  	v10 =	vpop (erf)  }
0x412: {  	[tilespmem:s6+$0xFFFFFFC0] =	vst v9;
	s14 =	sadd.s32 $0x80, s6;
	v59 =	vld [tilespmem:s8+$0xFFFFFFC0];
	v7 =	vmul.f32 v10, v7;
	v56 =	vpop (erf)  }
0x413: {  	v57 =	vld [tilespmem:s8+$0x20];
	[tilespmem:s14+$0x30] =	vst v8;
	v6 =	vmul.f32 v56, v6;
	v58 =	vpop (erf)  }
0x414: {  	[tilespmem:s14+$0xFFFFFFD0] =	vst v7;
	v5 =	vmul.f32 v58, v5;
	v60 =	vpop (erf)  }
0x415: {  	[tilespmem:s14+$0xFFFFFFE0] =	vst v6;
	v4 =	vmul.f32 v60, v4;
	v61 =	vpop (erf)  }
0x416: {  	[tilespmem:s14+$0xFFFFFFF0] =	vst v5;
	v3 =	vmul.f32 v61, v3  }
0x417: {  	v62 =	vpop (erf);
	v2 =	vmul.f32 v2, v59;
	[tilespmem:s14+$0x0] =	vst v4  }
0x418: {  	v63 =	vmul.f32 v62, v57;
	[tilespmem:s14+$0x10] =	vst v3  }
0x419: {  	[tilespmem:s14+$0xFFFFFFC0] =	vst v2  }
0x41a: {  	[tilespmem:s14+$0x20] =	vst v63  }
.Ltmp15:
0x41b: {  	s25 =	simm.s32 $0x0;
	s28 =	rddreg [dreg:$0x11];
	(pc) =	sbr.rel .LBB2_27-.Ltmp15, $4  }
0x41c: {  	[hbm4b:s28+s25] =	stream.linear.scatter [tilespmem:s13], [sflag:$0x3], $0x2780, $0x38;
	[tilespmem:$0x1F860] =	vst v63  }
0x41d: {  	_ =	swait.ge [sflag:s31], $0x2780  }
0x41e: {  	[sflag:s31] =	ssyncset.done $0x0  }
0x41f: {  	s8 =	rddreg [dreg:$0x13];
	[sflag:s31] =	ssyncadd.s32 $0xFFFFD880  }
.LBB2_28:
0x420: {  	_ =	sfence.sel $0x180000  }
0x421: {  	[bflag:$0x0] =	sbarrier.arrive $0xFFFF  }
0x422: {  	_ =	strace $0x90000047  }
0x423: {  	s0 =	stileid.u32;
	[bflag:$0x2] =	sbarrier.arrive $0xFFFF  }
0x424: {  	p0 =	sne.s32 s0, $0x0;
	s0 =	rddreg [dreg:$0x5]  }
0x425: {  	s0 =	sadd.s32 @!p0 $0x100000, s0  }
0x426: {  	[sflag:s0] =	ssyncadd.tile.s32 @!p0 $0x1;
	_ =	shalt  }
.Lfunc_end2:
_tile_overlayer_lowered:
.L_overlay_start_2:
0x427: {  	(tag) =	ssettag $0x2  }
0x428: {  	s0 =	rddreg [dreg:$0x0];
	s2 =	stileid.u32  }
0x429: {  	s1 =	rddreg [dreg:$0x1];
	p0 =	sne.s32 s2, $0x0  }
0x42a: {  	s3 =	rddreg [dreg:$0x2];
	[bflag:$0x3] =	sbarrier.arrive $0xFFFF;
	s2 =	simm.s32 @!p0 $0x1C03  }
0x42b: {  	[timem:s3], [sflag:s2] =	dma.local @!p0 [hbm:s0], s1  }
0x42c: {  	s0 =	simm.s32 @!p0 $0x3  }
0x42d: {  	_ =	swait.ge @!p0 [sflag:s0], s1  }
0x42e: {  	s1 =	ssub.s32 @!p0 $0x0, s1;
	[sflag:s0] =	ssyncset.done @!p0 $0x0  }
0x42f: {  	[sflag:s0] =	ssyncadd.s32 @!p0 s1  }
0x430: {  	[bflag:$0x3] =	sbarrier.arrive $0xFFFF  }
0x431: {  	_ =	shalt  }

</sc_bundles>
